<compile_context>
chip_gen: v7x
topology: tpu7x:2x2x1
jax: 0.10.2.dev20260603
libtpu: 0.0.44.dev20260713+nightly
codegen_flags: <defaults>
</compile_context>

<pallas_src>
import functools

import jax
import jax.numpy as jnp
from jax import lax
from jax.experimental import pallas as pl
from jax.experimental.pallas import tpu as pltpu
from jax.experimental.pallas import tpu_sc as plsc

FILLER_NUM = 32
THRESHOLD = 0.5
ROWS = 128
COLS = 32768

NC = 2
NS = 16
LANES = 16
NW = NC * NS
RPW = ROWS // NW

CH = 2048
NCHUNK = COLS // CH
VPS = 8
SUB = VPS * LANES
NSUB = CH // SUB
ZN = (COLS - CH) // 4
NZDMA = (COLS - CH) // ZN

_ZSLICES = tuple((CH + z * ZN, ZN) for z in range(NZDMA))


def _sc_body(in_hbm, fp_hbm, out_hbm, zeros_v, in_v, fp_v, out_v,
             count_s, zdone_s, sdone_s, lsem, zsem, st_sem):
    zero16f = jnp.zeros((LANES,), jnp.float32)

    wid = lax.axis_index("s") * NC + lax.axis_index("c")
    base_row = wid * RPW

    def start_loads(r):
        row = base_row + r
        pltpu.async_copy(in_hbm.at[row, pl.ds(0, CH)], in_v.at[r], lsem)
        pltpu.async_copy(fp_hbm.at[row, pl.ds(0, CH)], fp_v.at[r], lsem)

    def wait_loads(r):
        row = base_row + r
        pltpu.make_async_copy(
            in_hbm.at[row, pl.ds(0, CH)], in_v.at[r], lsem).wait()
        pltpu.make_async_copy(
            fp_hbm.at[row, pl.ds(0, CH)], fp_v.at[r], lsem).wait()

    def wait_zeros():
        def wz(r, _):
            row = base_row + r
            for off, n in _ZSLICES:
                pltpu.make_async_copy(
                    zeros_v.at[pl.ds(0, n)],
                    out_hbm.at[row, pl.ds(off, n)], zsem).wait()
            return 0

        lax.fori_loop(0, RPW, wz, 0)

    def zinit(i, _):
        for u in range(16):
            zeros_v[pl.ds((i * 16 + u) * LANES, LANES)] = zero16f
        return 0

    lax.fori_loop(0, ZN // (16 * LANES), zinit, 0)

    def start_zeros(r, _):
        row = base_row + r
        for off, n in _ZSLICES:
            pltpu.async_copy(zeros_v.at[pl.ds(0, n)],
                             out_hbm.at[row, pl.ds(off, n)], zsem)
        return 0

    lax.fori_loop(0, RPW, start_zeros, 0)
    zdone_s[0] = jnp.int32(0)

    def prefetch(r, _):
        start_loads(r)
        return 0

    lax.fori_loop(0, RPW, prefetch, 0)

    def drain_loads(r, _):
        wait_loads(r)
        return 0

    lax.fori_loop(0, RPW, drain_loads, 0)

    def process_chunk(r):

        def sub(s, _):
            p = count_s[0] < jnp.int32(FILLER_NUM)

            @pl.when(p)
            def _():
                cnt0 = count_s[0]
                ms = []
                pcv = jnp.zeros((LANES,), jnp.int32)
                for k in range(VPS):
                    off = s * SUB + k * LANES
                    a = in_v[r, pl.ds(off, LANES)]
                    f = fp_v[r, pl.ds(off, LANES)]
                    m = (f > THRESHOLD) & (a > 0.0)
                    ms.append(m)
                    pcv = pcv + plsc.all_reduce_population_count(m)
                newcnt = cnt0 + jnp.max(pcv)
                crosses = newcnt > jnp.int32(FILLER_NUM)

                @pl.when(jnp.logical_not(crosses))
                def _():
                    for k in range(VPS):
                        out_v[r, pl.ds(s * SUB + k * LANES, LANES)] = (
                            jnp.where(ms[k], jnp.float32(1.0),
                                      jnp.float32(0.0)))
                    count_s[0] = newcnt

                @pl.when(crosses)
                def _():
                    cntv = cnt0 + jnp.zeros((LANES,), jnp.int32)
                    for k in range(VPS):
                        csum = plsc.cumsum(ms[k].astype(jnp.int32))
                        keep = (cntv + csum) <= jnp.int32(FILLER_NUM)
                        out_v[r, pl.ds(s * SUB + k * LANES, LANES)] = (
                            jnp.where(keep & ms[k], jnp.float32(1.0),
                                      jnp.float32(0.0)))
                        cntv = cntv + plsc.all_reduce_population_count(
                            ms[k])
                    count_s[0] = jnp.max(cntv)

            @pl.when(jnp.logical_not(p))
            def _():
                for k in range(VPS):
                    out_v[r, pl.ds(s * SUB + k * LANES, LANES)] = zero16f

            return 0

        lax.fori_loop(0, NSUB, sub, 0)

    def do_row(r, _):
        row = base_row + r
        count_s[0] = jnp.int32(0)
        sdone_s[r] = jnp.int32(0)
        process_chunk(r)
        pltpu.async_copy(out_v.at[r], out_hbm.at[row, pl.ds(0, CH)], st_sem)

        @pl.when(count_s[0] < jnp.int32(FILLER_NUM))
        def _():
            pltpu.make_async_copy(
                out_v.at[r], out_hbm.at[row, pl.ds(0, CH)], st_sem).wait()
            sdone_s[r] = jnp.int32(1)

            @pl.when(zdone_s[0] == jnp.int32(0))
            def _():
                wait_zeros()
                zdone_s[0] = jnp.int32(1)

            def rare_chunk(c, _):
                @pl.when(count_s[0] < jnp.int32(FILLER_NUM))
                def _():
                    pltpu.sync_copy(
                        in_hbm.at[row, pl.ds(c * CH, CH)], in_v.at[r])
                    pltpu.sync_copy(
                        fp_hbm.at[row, pl.ds(c * CH, CH)], fp_v.at[r])
                    process_chunk(r)
                    pltpu.sync_copy(
                        out_v.at[r], out_hbm.at[row, pl.ds(c * CH, CH)])

                return 0

            lax.fori_loop(1, NCHUNK, rare_chunk, 0)

        return 0

    lax.fori_loop(0, RPW, do_row, 0)

    def drain_store(r, _):
        row = base_row + r

        @pl.when(sdone_s[r] == jnp.int32(0))
        def _():
            pltpu.make_async_copy(
                out_v.at[r], out_hbm.at[row, pl.ds(0, CH)], st_sem).wait()

        return 0

    lax.fori_loop(0, RPW, drain_store, 0)

    @pl.when(zdone_s[0] == jnp.int32(0))
    def _():
        wait_zeros()


_sc_kernel = functools.partial(
    pl.kernel,
    out_type=jax.ShapeDtypeStruct((ROWS, COLS), jnp.float32),
    mesh=plsc.VectorSubcoreMesh(core_axis_name="c", subcore_axis_name="s"),
    compiler_params=pltpu.CompilerParams(needs_layout_passes=False),
    scratch_types=[
        pltpu.VMEM((ZN,), jnp.float32),
        pltpu.VMEM((RPW, CH), jnp.float32),
        pltpu.VMEM((RPW, CH), jnp.float32),
        pltpu.VMEM((RPW, CH), jnp.float32),
        pltpu.SMEM((1,), jnp.int32),
        pltpu.SMEM((1,), jnp.int32),
        pltpu.SMEM((RPW,), jnp.int32),
        pltpu.SemaphoreType.DMA,
        pltpu.SemaphoreType.DMA,
        pltpu.SemaphoreType.DMA,
    ],
)(_sc_body)


def kernel(input, fake_param):
    return _sc_kernel(input, fake_param)

# --- scband reference (transcript-rebuilt; emitter-appended) ---
"""Pipeline reference for scband-fake-profile-16183436772069 (READ-ONLY COPY).

The authoritative reference and input builder live on the scoring server;
editing this copy changes nothing except your own understanding.
"""

import jax, jax.numpy as jnp
import numpy as np

FILLER_NUM = 32
THRESHOLD = 0.5
ROWS = 128
COLS = 32768

def setup_inputs(seed: int = 0) -> dict:
    key = jax.random.key(seed)
    k1, k2 = jax.random.split(key)
    # learned parameter: fake_parameter, initialized from init_tensor ~ Uniform[0,1)
    fake_param = jax.random.uniform(k1, (ROWS, COLS), dtype=jnp.float32)
    inp = jax.random.normal(k2, (ROWS, COLS), dtype=jnp.float32)
    return {"input": inp, "fake_param": fake_param}

def reference(input, fake_param):
    # forward: fake_parameter * (input > 0)
    x = fake_param * (input > 0).astype(fake_param.dtype)
    # project step 1: hard threshold to {0,1} (torch .data overwrite)
    binar = jnp.where(x > THRESHOLD, jnp.ones_like(x), jnp.zeros_like(x)).astype(jnp.float32)
    # project step 2: top-k along dim=1 on the binarized tensor
    _, idx = jax.lax.top_k(binar, FILLER_NUM)
    rows = jnp.arange(binar.shape[0])[:, None]
    mask = jnp.zeros_like(binar).at[rows, idx].set(1.0)
    # project step 3: keep only top-k entries
    out = binar * mask
    return out

if __name__ == "__main__":
    import jax
    _d = setup_inputs()
    print(jax.jit(kernel)(*tuple(_d.values())))

</pallas_src>

<mosaic_0001>
#map = affine_map<(d0, d1) -> (0, 0)>
module attributes {stable_mosaic.version = 14 : i64} {
  func.func @_sc_body(%arg0: i32, %arg1: i32, %arg2: memref<128x32768xf32, #tpu.memory_space<hbm>>, %arg3: memref<128x32768xf32, #tpu.memory_space<hbm>>, %arg4: memref<128x32768xf32, #tpu.memory_space<hbm>>, %arg5: memref<7680xf32, #tpu.memory_space<vmem>>, %arg6: memref<4x2048xf32, #tpu.memory_space<vmem>>, %arg7: memref<4x2048xf32, #tpu.memory_space<vmem>>, %arg8: memref<4x2048xf32, #tpu.memory_space<vmem>>, %arg9: memref<1xi32, #tpu.memory_space<smem>>, %arg10: memref<1xi32, #tpu.memory_space<smem>>, %arg11: memref<4xi32, #tpu.memory_space<smem>>, %arg12: memref<!tpu.dma_semaphore, #tpu.memory_space<semaphore_mem>>, %arg13: memref<!tpu.dma_semaphore, #tpu.memory_space<semaphore_mem>>, %arg14: memref<!tpu.dma_semaphore, #tpu.memory_space<semaphore_mem>>) attributes {dimension_semantics = [#tpu.dimension_semantics<core_parallel>, #tpu.dimension_semantics<subcore_parallel>], iteration_bounds = array<i64: 2, 16>, scalar_prefetch = 0 : i64, scratch_operands = 10 : i64, tpu.core_type = #tpu.core_type<sc_vector_subcore>, window_params = [{transform_indices = #map}, {transform_indices = #map}, {transform_indices = #map}]} {
    %broadcast_in_dim3A = arith.constant 0.000000e+00 : f32
    %broadcast_in_dim3A_0 = vector.broadcast %broadcast_in_dim3A : f32 to vector<16xf32>
    %mul3A = arith.constant 2 : i32
    %mul3A_1 = arith.muli %arg1, %mul3A : i32
    %add3A = arith.addi %mul3A_1, %arg0 : i32
    %mul3A_2 = arith.constant 4 : i32
    %mul3A_3 = arith.muli %add3A, %mul3A_2 : i32
    %scan3A = arith.constant 0 : i32
    %scan3A_4 = arith.constant 0 : i32
    %scan3A_5 = arith.constant 30 : i32
    %scan3A_6 = arith.addi %scan3A_4, %scan3A_5 : i32
    %scan3A_7 = arith.constant 1 : i32
    %scan3A_8 = scf.for %scan3A_52 = %scan3A_4 to %scan3A_6 step %scan3A_7 iter_args(%scan3A_53 = %scan3A) -> (i32)  : i32 {
      %mul3A_54 = arith.constant 16 : i32
      %mul3A_55 = arith.muli %scan3A_52, %mul3A_54 : i32
      %add3A_56 = arith.constant 0 : i32
      %add3A_57 = arith.addi %mul3A_55, %add3A_56 : i32
      %mul3A_58 = arith.constant 16 : i32
      %mul3A_59 = arith.muli %add3A_57, %mul3A_58 : i32
      %swap3A_60 = arith.index_cast %mul3A_59 : i32 to index
      %swap3A_61 = tpu.vector_load %arg5[%swap3A_60] {strides = array<i32>} : memref<7680xf32, #tpu.memory_space<vmem>>, vector<16xf32>,
      tpu.vector_store %arg5[%swap3A_60], %broadcast_in_dim3A_0 {strides = array<i32>} : memref<7680xf32, #tpu.memory_space<vmem>>, vector<16xf32>,
      %mul3A_62 = arith.constant 16 : i32
      %mul3A_63 = arith.muli %scan3A_52, %mul3A_62 : i32
      %add3A_64 = arith.constant 1 : i32
      %add3A_65 = arith.addi %mul3A_63, %add3A_64 : i32
      %mul3A_66 = arith.constant 16 : i32
      %mul3A_67 = arith.muli %add3A_65, %mul3A_66 : i32
      %swap3A_68 = arith.index_cast %mul3A_67 : i32 to index
      %swap3A_69 = tpu.vector_load %arg5[%swap3A_68] {strides = array<i32>} : memref<7680xf32, #tpu.memory_space<vmem>>, vector<16xf32>,
      tpu.vector_store %arg5[%swap3A_68], %broadcast_in_dim3A_0 {strides = array<i32>} : memref<7680xf32, #tpu.memory_space<vmem>>, vector<16xf32>,
      %mul3A_70 = arith.constant 16 : i32
      %mul3A_71 = arith.muli %scan3A_52, %mul3A_70 : i32
      %add3A_72 = arith.constant 2 : i32
      %add3A_73 = arith.addi %mul3A_71, %add3A_72 : i32
      %mul3A_74 = arith.constant 16 : i32
      %mul3A_75 = arith.muli %add3A_73, %mul3A_74 : i32
      %swap3A_76 = arith.index_cast %mul3A_75 : i32 to index
      %swap3A_77 = tpu.vector_load %arg5[%swap3A_76] {strides = array<i32>} : memref<7680xf32, #tpu.memory_space<vmem>>, vector<16xf32>,
      tpu.vector_store %arg5[%swap3A_76], %broadcast_in_dim3A_0 {strides = array<i32>} : memref<7680xf32, #tpu.memory_space<vmem>>, vector<16xf32>,
      %mul3A_78 = arith.constant 16 : i32
      %mul3A_79 = arith.muli %scan3A_52, %mul3A_78 : i32
      %add3A_80 = arith.constant 3 : i32
      %add3A_81 = arith.addi %mul3A_79, %add3A_80 : i32
      %mul3A_82 = arith.constant 16 : i32
      %mul3A_83 = arith.muli %add3A_81, %mul3A_82 : i32
      %swap3A_84 = arith.index_cast %mul3A_83 : i32 to index
      %swap3A_85 = tpu.vector_load %arg5[%swap3A_84] {strides = array<i32>} : memref<7680xf32, #tpu.memory_space<vmem>>, vector<16xf32>,
      tpu.vector_store %arg5[%swap3A_84], %broadcast_in_dim3A_0 {strides = array<i32>} : memref<7680xf32, #tpu.memory_space<vmem>>, vector<16xf32>,
      %mul3A_86 = arith.constant 16 : i32
      %mul3A_87 = arith.muli %scan3A_52, %mul3A_86 : i32
      %add3A_88 = arith.constant 4 : i32
      %add3A_89 = arith.addi %mul3A_87, %add3A_88 : i32
      %mul3A_90 = arith.constant 16 : i32
      %mul3A_91 = arith.muli %add3A_89, %mul3A_90 : i32
      %swap3A_92 = arith.index_cast %mul3A_91 : i32 to index
      %swap3A_93 = tpu.vector_load %arg5[%swap3A_92] {strides = array<i32>} : memref<7680xf32, #tpu.memory_space<vmem>>, vector<16xf32>,
      tpu.vector_store %arg5[%swap3A_92], %broadcast_in_dim3A_0 {strides = array<i32>} : memref<7680xf32, #tpu.memory_space<vmem>>, vector<16xf32>,
      %mul3A_94 = arith.constant 16 : i32
      %mul3A_95 = arith.muli %scan3A_52, %mul3A_94 : i32
      %add3A_96 = arith.constant 5 : i32
      %add3A_97 = arith.addi %mul3A_95, %add3A_96 : i32
      %mul3A_98 = arith.constant 16 : i32
      %mul3A_99 = arith.muli %add3A_97, %mul3A_98 : i32
      %swap3A_100 = arith.index_cast %mul3A_99 : i32 to index
      %swap3A_101 = tpu.vector_load %arg5[%swap3A_100] {strides = array<i32>} : memref<7680xf32, #tpu.memory_space<vmem>>, vector<16xf32>,
      tpu.vector_store %arg5[%swap3A_100], %broadcast_in_dim3A_0 {strides = array<i32>} : memref<7680xf32, #tpu.memory_space<vmem>>, vector<16xf32>,
      %mul3A_102 = arith.constant 16 : i32
      %mul3A_103 = arith.muli %scan3A_52, %mul3A_102 : i32
      %add3A_104 = arith.constant 6 : i32
      %add3A_105 = arith.addi %mul3A_103, %add3A_104 : i32
      %mul3A_106 = arith.constant 16 : i32
      %mul3A_107 = arith.muli %add3A_105, %mul3A_106 : i32
      %swap3A_108 = arith.index_cast %mul3A_107 : i32 to index
      %swap3A_109 = tpu.vector_load %arg5[%swap3A_108] {strides = array<i32>} : memref<7680xf32, #tpu.memory_space<vmem>>, vector<16xf32>,
      tpu.vector_store %arg5[%swap3A_108], %broadcast_in_dim3A_0 {strides = array<i32>} : memref<7680xf32, #tpu.memory_space<vmem>>, vector<16xf32>,
      %mul3A_110 = arith.constant 16 : i32
      %mul3A_111 = arith.muli %scan3A_52, %mul3A_110 : i32
      %add3A_112 = arith.constant 7 : i32
      %add3A_113 = arith.addi %mul3A_111, %add3A_112 : i32
      %mul3A_114 = arith.constant 16 : i32
      %mul3A_115 = arith.muli %add3A_113, %mul3A_114 : i32
      %swap3A_116 = arith.index_cast %mul3A_115 : i32 to index
      %swap3A_117 = tpu.vector_load %arg5[%swap3A_116] {strides = array<i32>} : memref<7680xf32, #tpu.memory_space<vmem>>, vector<16xf32>,
      tpu.vector_store %arg5[%swap3A_116], %broadcast_in_dim3A_0 {strides = array<i32>} : memref<7680xf32, #tpu.memory_space<vmem>>, vector<16xf32>,
      %mul3A_118 = arith.constant 16 : i32
      %mul3A_119 = arith.muli %scan3A_52, %mul3A_118 : i32
      %add3A_120 = arith.constant 8 : i32
      %add3A_121 = arith.addi %mul3A_119, %add3A_120 : i32
      %mul3A_122 = arith.constant 16 : i32
      %mul3A_123 = arith.muli %add3A_121, %mul3A_122 : i32
      %swap3A_124 = arith.index_cast %mul3A_123 : i32 to index
      %swap3A_125 = tpu.vector_load %arg5[%swap3A_124] {strides = array<i32>} : memref<7680xf32, #tpu.memory_space<vmem>>, vector<16xf32>,
      tpu.vector_store %arg5[%swap3A_124], %broadcast_in_dim3A_0 {strides = array<i32>} : memref<7680xf32, #tpu.memory_space<vmem>>, vector<16xf32>,
      %mul3A_126 = arith.constant 16 : i32
      %mul3A_127 = arith.muli %scan3A_52, %mul3A_126 : i32
      %add3A_128 = arith.constant 9 : i32
      %add3A_129 = arith.addi %mul3A_127, %add3A_128 : i32
      %mul3A_130 = arith.constant 16 : i32
      %mul3A_131 = arith.muli %add3A_129, %mul3A_130 : i32
      %swap3A_132 = arith.index_cast %mul3A_131 : i32 to index
      %swap3A_133 = tpu.vector_load %arg5[%swap3A_132] {strides = array<i32>} : memref<7680xf32, #tpu.memory_space<vmem>>, vector<16xf32>,
      tpu.vector_store %arg5[%swap3A_132], %broadcast_in_dim3A_0 {strides = array<i32>} : memref<7680xf32, #tpu.memory_space<vmem>>, vector<16xf32>,
      %mul3A_134 = arith.constant 16 : i32
      %mul3A_135 = arith.muli %scan3A_52, %mul3A_134 : i32
      %add3A_136 = arith.constant 10 : i32
      %add3A_137 = arith.addi %mul3A_135, %add3A_136 : i32
      %mul3A_138 = arith.constant 16 : i32
      %mul3A_139 = arith.muli %add3A_137, %mul3A_138 : i32
      %swap3A_140 = arith.index_cast %mul3A_139 : i32 to index
      %swap3A_141 = tpu.vector_load %arg5[%swap3A_140] {strides = array<i32>} : memref<7680xf32, #tpu.memory_space<vmem>>, vector<16xf32>,
      tpu.vector_store %arg5[%swap3A_140], %broadcast_in_dim3A_0 {strides = array<i32>} : memref<7680xf32, #tpu.memory_space<vmem>>, vector<16xf32>,
      %mul3A_142 = arith.constant 16 : i32
      %mul3A_143 = arith.muli %scan3A_52, %mul3A_142 : i32
      %add3A_144 = arith.constant 11 : i32
      %add3A_145 = arith.addi %mul3A_143, %add3A_144 : i32
      %mul3A_146 = arith.constant 16 : i32
      %mul3A_147 = arith.muli %add3A_145, %mul3A_146 : i32
      %swap3A_148 = arith.index_cast %mul3A_147 : i32 to index
      %swap3A_149 = tpu.vector_load %arg5[%swap3A_148] {strides = array<i32>} : memref<7680xf32, #tpu.memory_space<vmem>>, vector<16xf32>,
      tpu.vector_store %arg5[%swap3A_148], %broadcast_in_dim3A_0 {strides = array<i32>} : memref<7680xf32, #tpu.memory_space<vmem>>, vector<16xf32>,
      %mul3A_150 = arith.constant 16 : i32
      %mul3A_151 = arith.muli %scan3A_52, %mul3A_150 : i32
      %add3A_152 = arith.constant 12 : i32
      %add3A_153 = arith.addi %mul3A_151, %add3A_152 : i32
      %mul3A_154 = arith.constant 16 : i32
      %mul3A_155 = arith.muli %add3A_153, %mul3A_154 : i32
      %swap3A_156 = arith.index_cast %mul3A_155 : i32 to index
      %swap3A_157 = tpu.vector_load %arg5[%swap3A_156] {strides = array<i32>} : memref<7680xf32, #tpu.memory_space<vmem>>, vector<16xf32>,
      tpu.vector_store %arg5[%swap3A_156], %broadcast_in_dim3A_0 {strides = array<i32>} : memref<7680xf32, #tpu.memory_space<vmem>>, vector<16xf32>,
      %mul3A_158 = arith.constant 16 : i32
      %mul3A_159 = arith.muli %scan3A_52, %mul3A_158 : i32
      %add3A_160 = arith.constant 13 : i32
      %add3A_161 = arith.addi %mul3A_159, %add3A_160 : i32
      %mul3A_162 = arith.constant 16 : i32
      %mul3A_163 = arith.muli %add3A_161, %mul3A_162 : i32
      %swap3A_164 = arith.index_cast %mul3A_163 : i32 to index
      %swap3A_165 = tpu.vector_load %arg5[%swap3A_164] {strides = array<i32>} : memref<7680xf32, #tpu.memory_space<vmem>>, vector<16xf32>,
      tpu.vector_store %arg5[%swap3A_164], %broadcast_in_dim3A_0 {strides = array<i32>} : memref<7680xf32, #tpu.memory_space<vmem>>, vector<16xf32>,
      %mul3A_166 = arith.constant 16 : i32
      %mul3A_167 = arith.muli %scan3A_52, %mul3A_166 : i32
      %add3A_168 = arith.constant 14 : i32
      %add3A_169 = arith.addi %mul3A_167, %add3A_168 : i32
      %mul3A_170 = arith.constant 16 : i32
      %mul3A_171 = arith.muli %add3A_169, %mul3A_170 : i32
      %swap3A_172 = arith.index_cast %mul3A_171 : i32 to index
      %swap3A_173 = tpu.vector_load %arg5[%swap3A_172] {strides = array<i32>} : memref<7680xf32, #tpu.memory_space<vmem>>, vector<16xf32>,
      tpu.vector_store %arg5[%swap3A_172], %broadcast_in_dim3A_0 {strides = array<i32>} : memref<7680xf32, #tpu.memory_space<vmem>>, vector<16xf32>,
      %mul3A_174 = arith.constant 16 : i32
      %mul3A_175 = arith.muli %scan3A_52, %mul3A_174 : i32
      %add3A_176 = arith.constant 15 : i32
      %add3A_177 = arith.addi %mul3A_175, %add3A_176 : i32
      %mul3A_178 = arith.constant 16 : i32
      %mul3A_179 = arith.muli %add3A_177, %mul3A_178 : i32
      %swap3A_180 = arith.index_cast %mul3A_179 : i32 to index
      %swap3A_181 = tpu.vector_load %arg5[%swap3A_180] {strides = array<i32>} : memref<7680xf32, #tpu.memory_space<vmem>>, vector<16xf32>,
      tpu.vector_store %arg5[%swap3A_180], %broadcast_in_dim3A_0 {strides = array<i32>} : memref<7680xf32, #tpu.memory_space<vmem>>, vector<16xf32>,
      %scan3A_182 = arith.constant 0 : i32
      scf.yield %scan3A_182 : i32
    }
    %scan3A_9 = arith.constant 30 : i32
    %scan3A_10 = arith.constant 0 : i32
    %scan3A_11 = arith.constant 0 : i32
    %scan3A_12 = arith.constant 4 : i32
    %scan3A_13 = arith.addi %scan3A_11, %scan3A_12 : i32
    %scan3A_14 = arith.constant 1 : i32
    %scan3A_15 = scf.for %scan3A_52 = %scan3A_11 to %scan3A_13 step %scan3A_14 iter_args(%scan3A_53 = %scan3A_10) -> (i32)  : i32 {
      %add3A_54 = arith.addi %mul3A_3, %scan3A_52 : i32
      %dma_start3A = arith.constant 0 : i32
      %dma_start3A_55 = tpu.memref_slice %arg5[%dma_start3A] : memref<7680xf32, #tpu.memory_space<vmem>> -> memref<7680xf32, #tpu.memory_space<vmem>>
      %dma_start3A_56 = arith.constant 2048 : i32
      %dma_start3A_57 = tpu.memref_slice %arg4[%add3A_54, %dma_start3A_56] : memref<128x32768xf32, #tpu.memory_space<hbm>> -> memref<1x7680xf32, #tpu.memory_space<hbm>>
      %dma_start3A_58 = tpu.memref_squeeze %dma_start3A_57 : memref<1x7680xf32, #tpu.memory_space<hbm>> -> memref<7680xf32, #tpu.memory_space<hbm>>
      %dma_start3A_59 = arith.constant 2048 : i32
      %dma_start3A_60 = tpu.memref_slice %arg4[%add3A_54, %dma_start3A_59] : memref<128x32768xf32, #tpu.memory_space<hbm>> -> memref<1x7680xf32, #tpu.memory_space<hbm>>
      %dma_start3A_61 = tpu.memref_squeeze %dma_start3A_60 : memref<1x7680xf32, #tpu.memory_space<hbm>> -> memref<7680xf32, #tpu.memory_space<hbm>>
      %dma_start3A_62 = arith.constant 0 : i32
      %dma_start3A_63 = tpu.memref_slice %arg5[%dma_start3A_62] : memref<7680xf32, #tpu.memory_space<vmem>> -> memref<7680xf32, #tpu.memory_space<vmem>>
      tpu.enqueue_dma source(%dma_start3A_63 : memref<7680xf32, #tpu.memory_space<vmem>>) target(%dma_start3A_61 : memref<7680xf32, #tpu.memory_space<hbm>>) target_semaphore(%arg13 : memref<!tpu.dma_semaphore, #tpu.memory_space<semaphore_mem>>)
      %dma_start3A_64 = arith.constant 0 : i32
      %dma_start3A_65 = tpu.memref_slice %arg5[%dma_start3A_64] : memref<7680xf32, #tpu.memory_space<vmem>> -> memref<7680xf32, #tpu.memory_space<vmem>>
      %dma_start3A_66 = arith.constant 9728 : i32
      %dma_start3A_67 = tpu.memref_slice %arg4[%add3A_54, %dma_start3A_66] : memref<128x32768xf32, #tpu.memory_space<hbm>> -> memref<1x7680xf32, #tpu.memory_space<hbm>>
      %dma_start3A_68 = tpu.memref_squeeze %dma_start3A_67 : memref<1x7680xf32, #tpu.memory_space<hbm>> -> memref<7680xf32, #tpu.memory_space<hbm>>
      %dma_start3A_69 = arith.constant 9728 : i32
      %dma_start3A_70 = tpu.memref_slice %arg4[%add3A_54, %dma_start3A_69] : memref<128x32768xf32, #tpu.memory_space<hbm>> -> memref<1x7680xf32, #tpu.memory_space<hbm>>
      %dma_start3A_71 = tpu.memref_squeeze %dma_start3A_70 : memref<1x7680xf32, #tpu.memory_space<hbm>> -> memref<7680xf32, #tpu.memory_space<hbm>>
      %dma_start3A_72 = arith.constant 0 : i32
      %dma_start3A_73 = tpu.memref_slice %arg5[%dma_start3A_72] : memref<7680xf32, #tpu.memory_space<vmem>> -> memref<7680xf32, #tpu.memory_space<vmem>>
      tpu.enqueue_dma source(%dma_start3A_73 : memref<7680xf32, #tpu.memory_space<vmem>>) target(%dma_start3A_71 : memref<7680xf32, #tpu.memory_space<hbm>>) target_semaphore(%arg13 : memref<!tpu.dma_semaphore, #tpu.memory_space<semaphore_mem>>)
      %dma_start3A_74 = arith.constant 0 : i32
      %dma_start3A_75 = tpu.memref_slice %arg5[%dma_start3A_74] : memref<7680xf32, #tpu.memory_space<vmem>> -> memref<7680xf32, #tpu.memory_space<vmem>>
      %dma_start3A_76 = arith.constant 17408 : i32
      %dma_start3A_77 = tpu.memref_slice %arg4[%add3A_54, %dma_start3A_76] : memref<128x32768xf32, #tpu.memory_space<hbm>> -> memref<1x7680xf32, #tpu.memory_space<hbm>>
      %dma_start3A_78 = tpu.memref_squeeze %dma_start3A_77 : memref<1x7680xf32, #tpu.memory_space<hbm>> -> memref<7680xf32, #tpu.memory_space<hbm>>
      %dma_start3A_79 = arith.constant 17408 : i32
      %dma_start3A_80 = tpu.memref_slice %arg4[%add3A_54, %dma_start3A_79] : memref<128x32768xf32, #tpu.memory_space<hbm>> -> memref<1x7680xf32, #tpu.memory_space<hbm>>
      %dma_start3A_81 = tpu.memref_squeeze %dma_start3A_80 : memref<1x7680xf32, #tpu.memory_space<hbm>> -> memref<7680xf32, #tpu.memory_space<hbm>>
      %dma_start3A_82 = arith.constant 0 : i32
      %dma_start3A_83 = tpu.memref_slice %arg5[%dma_start3A_82] : memref<7680xf32, #tpu.memory_space<vmem>> -> memref<7680xf32, #tpu.memory_space<vmem>>
      tpu.enqueue_dma source(%dma_start3A_83 : memref<7680xf32, #tpu.memory_space<vmem>>) target(%dma_start3A_81 : memref<7680xf32, #tpu.memory_space<hbm>>) target_semaphore(%arg13 : memref<!tpu.dma_semaphore, #tpu.memory_space<semaphore_mem>>)
      %dma_start3A_84 = arith.constant 0 : i32
      %dma_start3A_85 = tpu.memref_slice %arg5[%dma_start3A_84] : memref<7680xf32, #tpu.memory_space<vmem>> -> memref<7680xf32, #tpu.memory_space<vmem>>
      %dma_start3A_86 = arith.constant 25088 : i32
      %dma_start3A_87 = tpu.memref_slice %arg4[%add3A_54, %dma_start3A_86] : memref<128x32768xf32, #tpu.memory_space<hbm>> -> memref<1x7680xf32, #tpu.memory_space<hbm>>
      %dma_start3A_88 = tpu.memref_squeeze %dma_start3A_87 : memref<1x7680xf32, #tpu.memory_space<hbm>> -> memref<7680xf32, #tpu.memory_space<hbm>>
      %dma_start3A_89 = arith.constant 25088 : i32
      %dma_start3A_90 = tpu.memref_slice %arg4[%add3A_54, %dma_start3A_89] : memref<128x32768xf32, #tpu.memory_space<hbm>> -> memref<1x7680xf32, #tpu.memory_space<hbm>>
      %dma_start3A_91 = tpu.memref_squeeze %dma_start3A_90 : memref<1x7680xf32, #tpu.memory_space<hbm>> -> memref<7680xf32, #tpu.memory_space<hbm>>
      %dma_start3A_92 = arith.constant 0 : i32
      %dma_start3A_93 = tpu.memref_slice %arg5[%dma_start3A_92] : memref<7680xf32, #tpu.memory_space<vmem>> -> memref<7680xf32, #tpu.memory_space<vmem>>
      tpu.enqueue_dma source(%dma_start3A_93 : memref<7680xf32, #tpu.memory_space<vmem>>) target(%dma_start3A_91 : memref<7680xf32, #tpu.memory_space<hbm>>) target_semaphore(%arg13 : memref<!tpu.dma_semaphore, #tpu.memory_space<semaphore_mem>>)
      %scan3A_94 = arith.constant 0 : i32
      scf.yield %scan3A_94 : i32
    }
    %scan3A_16 = arith.constant 4 : i32
    %swap3A = arith.constant 0 : i32
    %swap3A_17 = arith.constant 0 : i32
    %swap3A_18 = arith.index_cast %swap3A_17 : i32 to index
    %swap3A_19 = memref.load %arg10[%swap3A_18] : memref<1xi32, #tpu.memory_space<smem>>
    memref.store %swap3A, %arg10[%swap3A_18] : memref<1xi32, #tpu.memory_space<smem>>
    %scan3A_20 = arith.constant 0 : i32
    %scan3A_21 = arith.constant 0 : i32
    %scan3A_22 = arith.constant 4 : i32
    %scan3A_23 = arith.addi %scan3A_21, %scan3A_22 : i32
    %scan3A_24 = arith.constant 1 : i32
    %scan3A_25 = scf.for %scan3A_52 = %scan3A_21 to %scan3A_23 step %scan3A_24 iter_args(%scan3A_53 = %scan3A_20) -> (i32)  : i32 {
      %add3A_54 = arith.addi %mul3A_3, %scan3A_52 : i32
      %dma_start3A = arith.constant 0 : i32
      %dma_start3A_55 = tpu.memref_slice %arg6[%scan3A_52, %dma_start3A] : memref<4x2048xf32, #tpu.memory_space<vmem>> -> memref<1x2048xf32, #tpu.memory_space<vmem>>
      %dma_start3A_56 = tpu.memref_squeeze %dma_start3A_55 : memref<1x2048xf32, #tpu.memory_space<vmem>> -> memref<2048xf32, #tpu.memory_space<vmem>>
      %dma_start3A_57 = arith.constant 0 : i32
      %dma_start3A_58 = tpu.memref_slice %arg2[%add3A_54, %dma_start3A_57] : memref<128x32768xf32, #tpu.memory_space<hbm>> -> memref<1x2048xf32, #tpu.memory_space<hbm>>
      %dma_start3A_59 = tpu.memref_squeeze %dma_start3A_58 : memref<1x2048xf32, #tpu.memory_space<hbm>> -> memref<2048xf32, #tpu.memory_space<hbm>>
      %dma_start3A_60 = arith.constant 0 : i32
      %dma_start3A_61 = tpu.memref_slice %arg6[%scan3A_52, %dma_start3A_60] : memref<4x2048xf32, #tpu.memory_space<vmem>> -> memref<1x2048xf32, #tpu.memory_space<vmem>>
      %dma_start3A_62 = tpu.memref_squeeze %dma_start3A_61 : memref<1x2048xf32, #tpu.memory_space<vmem>> -> memref<2048xf32, #tpu.memory_space<vmem>>
      %dma_start3A_63 = arith.constant 0 : i32
      %dma_start3A_64 = tpu.memref_slice %arg2[%add3A_54, %dma_start3A_63] : memref<128x32768xf32, #tpu.memory_space<hbm>> -> memref<1x2048xf32, #tpu.memory_space<hbm>>
      %dma_start3A_65 = tpu.memref_squeeze %dma_start3A_64 : memref<1x2048xf32, #tpu.memory_space<hbm>> -> memref<2048xf32, #tpu.memory_space<hbm>>
      tpu.enqueue_dma source(%dma_start3A_65 : memref<2048xf32, #tpu.memory_space<hbm>>) target(%dma_start3A_62 : memref<2048xf32, #tpu.memory_space<vmem>>) target_semaphore(%arg12 : memref<!tpu.dma_semaphore, #tpu.memory_space<semaphore_mem>>)
      %dma_start3A_66 = arith.constant 0 : i32
      %dma_start3A_67 = tpu.memref_slice %arg7[%scan3A_52, %dma_start3A_66] : memref<4x2048xf32, #tpu.memory_space<vmem>> -> memref<1x2048xf32, #tpu.memory_space<vmem>>
      %dma_start3A_68 = tpu.memref_squeeze %dma_start3A_67 : memref<1x2048xf32, #tpu.memory_space<vmem>> -> memref<2048xf32, #tpu.memory_space<vmem>>
      %dma_start3A_69 = arith.constant 0 : i32
      %dma_start3A_70 = tpu.memref_slice %arg3[%add3A_54, %dma_start3A_69] : memref<128x32768xf32, #tpu.memory_space<hbm>> -> memref<1x2048xf32, #tpu.memory_space<hbm>>
      %dma_start3A_71 = tpu.memref_squeeze %dma_start3A_70 : memref<1x2048xf32, #tpu.memory_space<hbm>> -> memref<2048xf32, #tpu.memory_space<hbm>>
      %dma_start3A_72 = arith.constant 0 : i32
      %dma_start3A_73 = tpu.memref_slice %arg7[%scan3A_52, %dma_start3A_72] : memref<4x2048xf32, #tpu.memory_space<vmem>> -> memref<1x2048xf32, #tpu.memory_space<vmem>>
      %dma_start3A_74 = tpu.memref_squeeze %dma_start3A_73 : memref<1x2048xf32, #tpu.memory_space<vmem>> -> memref<2048xf32, #tpu.memory_space<vmem>>
      %dma_start3A_75 = arith.constant 0 : i32
      %dma_start3A_76 = tpu.memref_slice %arg3[%add3A_54, %dma_start3A_75] : memref<128x32768xf32, #tpu.memory_space<hbm>> -> memref<1x2048xf32, #tpu.memory_space<hbm>>
      %dma_start3A_77 = tpu.memref_squeeze %dma_start3A_76 : memref<1x2048xf32, #tpu.memory_space<hbm>> -> memref<2048xf32, #tpu.memory_space<hbm>>
      tpu.enqueue_dma source(%dma_start3A_77 : memref<2048xf32, #tpu.memory_space<hbm>>) target(%dma_start3A_74 : memref<2048xf32, #tpu.memory_space<vmem>>) target_semaphore(%arg12 : memref<!tpu.dma_semaphore, #tpu.memory_space<semaphore_mem>>)
      %scan3A_78 = arith.constant 0 : i32
      scf.yield %scan3A_78 : i32
    }
    %scan3A_26 = arith.constant 4 : i32
    %scan3A_27 = arith.constant 0 : i32
    %scan3A_28 = arith.constant 0 : i32
    %scan3A_29 = arith.constant 4 : i32
    %scan3A_30 = arith.addi %scan3A_28, %scan3A_29 : i32
    %scan3A_31 = arith.constant 1 : i32
    %scan3A_32 = scf.for %scan3A_52 = %scan3A_28 to %scan3A_30 step %scan3A_31 iter_args(%scan3A_53 = %scan3A_27) -> (i32)  : i32 {
      %add3A_54 = arith.addi %mul3A_3, %scan3A_52 : i32
      %dma_wait3A = arith.constant 0 : i32
      %dma_wait3A_55 = tpu.memref_slice %arg6[%scan3A_52, %dma_wait3A] : memref<4x2048xf32, #tpu.memory_space<vmem>> -> memref<1x2048xf32, #tpu.memory_space<vmem>>
      %dma_wait3A_56 = tpu.memref_squeeze %dma_wait3A_55 : memref<1x2048xf32, #tpu.memory_space<vmem>> -> memref<2048xf32, #tpu.memory_space<vmem>>
      %dma_wait3A_57 = arith.constant 0 : i32
      %dma_wait3A_58 = tpu.memref_slice %arg2[%add3A_54, %dma_wait3A_57] : memref<128x32768xf32, #tpu.memory_space<hbm>> -> memref<1x2048xf32, #tpu.memory_space<hbm>>
      %dma_wait3A_59 = tpu.memref_squeeze %dma_wait3A_58 : memref<1x2048xf32, #tpu.memory_space<hbm>> -> memref<2048xf32, #tpu.memory_space<hbm>>
      %dma_wait3A_60 = arith.constant 0 : i32
      %dma_wait3A_61 = tpu.memref_slice %arg6[%scan3A_52, %dma_wait3A_60] : memref<4x2048xf32, #tpu.memory_space<vmem>> -> memref<1x2048xf32, #tpu.memory_space<vmem>>
      %dma_wait3A_62 = tpu.memref_squeeze %dma_wait3A_61 : memref<1x2048xf32, #tpu.memory_space<vmem>> -> memref<2048xf32, #tpu.memory_space<vmem>>
      %dma_wait3A_63 = arith.constant 0 : i32
      %dma_wait3A_64 = tpu.memref_slice %arg2[%add3A_54, %dma_wait3A_63] : memref<128x32768xf32, #tpu.memory_space<hbm>> -> memref<1x2048xf32, #tpu.memory_space<hbm>>
      %dma_wait3A_65 = tpu.memref_squeeze %dma_wait3A_64 : memref<1x2048xf32, #tpu.memory_space<hbm>> -> memref<2048xf32, #tpu.memory_space<hbm>>
      tpu.wait_dma2 semaphore(%arg12 : memref<!tpu.dma_semaphore, #tpu.memory_space<semaphore_mem>>) src(%dma_wait3A_65 : memref<2048xf32, #tpu.memory_space<hbm>>) dst(%dma_wait3A_62 : memref<2048xf32, #tpu.memory_space<vmem>>)
      %dma_wait3A_66 = arith.constant 0 : i32
      %dma_wait3A_67 = tpu.memref_slice %arg7[%scan3A_52, %dma_wait3A_66] : memref<4x2048xf32, #tpu.memory_space<vmem>> -> memref<1x2048xf32, #tpu.memory_space<vmem>>
      %dma_wait3A_68 = tpu.memref_squeeze %dma_wait3A_67 : memref<1x2048xf32, #tpu.memory_space<vmem>> -> memref<2048xf32, #tpu.memory_space<vmem>>
      %dma_wait3A_69 = arith.constant 0 : i32
      %dma_wait3A_70 = tpu.memref_slice %arg3[%add3A_54, %dma_wait3A_69] : memref<128x32768xf32, #tpu.memory_space<hbm>> -> memref<1x2048xf32, #tpu.memory_space<hbm>>
      %dma_wait3A_71 = tpu.memref_squeeze %dma_wait3A_70 : memref<1x2048xf32, #tpu.memory_space<hbm>> -> memref<2048xf32, #tpu.memory_space<hbm>>
      %dma_wait3A_72 = arith.constant 0 : i32
      %dma_wait3A_73 = tpu.memref_slice %arg7[%scan3A_52, %dma_wait3A_72] : memref<4x2048xf32, #tpu.memory_space<vmem>> -> memref<1x2048xf32, #tpu.memory_space<vmem>>
      %dma_wait3A_74 = tpu.memref_squeeze %dma_wait3A_73 : memref<1x2048xf32, #tpu.memory_space<vmem>> -> memref<2048xf32, #tpu.memory_space<vmem>>
      %dma_wait3A_75 = arith.constant 0 : i32
      %dma_wait3A_76 = tpu.memref_slice %arg3[%add3A_54, %dma_wait3A_75] : memref<128x32768xf32, #tpu.memory_space<hbm>> -> memref<1x2048xf32, #tpu.memory_space<hbm>>
      %dma_wait3A_77 = tpu.memref_squeeze %dma_wait3A_76 : memref<1x2048xf32, #tpu.memory_space<hbm>> -> memref<2048xf32, #tpu.memory_space<hbm>>
      tpu.wait_dma2 semaphore(%arg12 : memref<!tpu.dma_semaphore, #tpu.memory_space<semaphore_mem>>) src(%dma_wait3A_77 : memref<2048xf32, #tpu.memory_space<hbm>>) dst(%dma_wait3A_74 : memref<2048xf32, #tpu.memory_space<vmem>>)
      %scan3A_78 = arith.constant 0 : i32
      scf.yield %scan3A_78 : i32
    }
    %scan3A_33 = arith.constant 4 : i32
    %scan3A_34 = arith.constant 0 : i32
    %scan3A_35 = arith.constant 0 : i32
    %scan3A_36 = arith.constant 4 : i32
    %scan3A_37 = arith.addi %scan3A_35, %scan3A_36 : i32
    %scan3A_38 = arith.constant 1 : i32
    %scan3A_39 = scf.for %scan3A_52 = %scan3A_35 to %scan3A_37 step %scan3A_38 iter_args(%scan3A_53 = %scan3A_34) -> (i32)  : i32 {
      %add3A_54 = arith.addi %mul3A_3, %scan3A_52 : i32
      %swap3A_55 = arith.constant 0 : i32
      %swap3A_56 = arith.constant 0 : i32
      %swap3A_57 = arith.index_cast %swap3A_56 : i32 to index
      %swap3A_58 = memref.load %arg9[%swap3A_57] : memref<1xi32, #tpu.memory_space<smem>>
      memref.store %swap3A_55, %arg9[%swap3A_57] : memref<1xi32, #tpu.memory_space<smem>>
      %swap3A_59 = arith.constant 0 : i32
      %swap3A_60 = arith.index_cast %scan3A_52 : i32 to index
      %swap3A_61 = memref.load %arg11[%swap3A_60] : memref<4xi32, #tpu.memory_space<smem>>
      memref.store %swap3A_59, %arg11[%swap3A_60] : memref<4xi32, #tpu.memory_space<smem>>
      %scan3A_62 = arith.constant 0 : i32
      %scan3A_63 = arith.constant 0 : i32
      %scan3A_64 = arith.constant 16 : i32
      %scan3A_65 = arith.addi %scan3A_63, %scan3A_64 : i32
      %scan3A_66 = arith.constant 1 : i32
      %scan3A_67 = scf.for %scan3A_88 = %scan3A_63 to %scan3A_65 step %scan3A_66 iter_args(%scan3A_89 = %scan3A_62) -> (i32)  : i32 {
        %get3A_90 = arith.constant 0 : i32
        %get3A_91 = arith.index_cast %get3A_90 : i32 to index
        %get3A_92 = memref.load %arg9[%get3A_91] : memref<1xi32, #tpu.memory_space<smem>>
        %lt3A_93 = arith.constant 32 : i32
        %lt3A_94 = arith.cmpi slt, %get3A_92, %lt3A_93 : i32
        %convert_element_type3A_95 = arith.extui %lt3A_94 : i1 to i32
        %cond3A_96 = arith.constant 0 : i32
        %cond3A_97 = arith.cmpi ne, %convert_element_type3A_95, %cond3A_96 : i32
        scf.if %cond3A_97 {
          %get3A_103 = arith.constant 0 : i32
          %get3A_104 = arith.index_cast %get3A_103 : i32 to index
          %get3A_105 = memref.load %arg9[%get3A_104] : memref<1xi32, #tpu.memory_space<smem>>
          %broadcast_in_dim3A_106 = arith.constant 0 : i32
          %broadcast_in_dim3A_107 = vector.broadcast %broadcast_in_dim3A_106 : i32 to vector<16xi32>
          %mul3A_108 = arith.constant 128 : i32
          %mul3A_109 = arith.muli %scan3A_88, %mul3A_108 : i32
          %add3A_110 = arith.constant 0 : i32
          %add3A_111 = arith.addi %mul3A_109, %add3A_110 : i32
          %get3A_112 = arith.index_cast %scan3A_52 : i32 to index
          %get3A_113 = arith.index_cast %add3A_111 : i32 to index
          %get3A_114 = tpu.vector_load %arg6[%get3A_112, %get3A_113] {strides = array<i32>} : memref<4x2048xf32, #tpu.memory_space<vmem>>, vector<16xf32>,
          %get3A_115 = arith.index_cast %scan3A_52 : i32 to index
          %get3A_116 = arith.index_cast %add3A_111 : i32 to index
          %get3A_117 = tpu.vector_load %arg7[%get3A_115, %get3A_116] {strides = array<i32>} : memref<4x2048xf32, #tpu.memory_space<vmem>>, vector<16xf32>,
          %gt3A = arith.constant 5.000000e-01 : f32
          %gt3A_118 = vector.broadcast %gt3A : f32 to vector<16xf32>
          %gt3A_119 = arith.cmpf ogt, %get3A_117, %gt3A_118 : vector<16xf32>
          %gt3A_120 = arith.constant 0.000000e+00 : f32
          %gt3A_121 = vector.broadcast %gt3A_120 : f32 to vector<16xf32>
          %gt3A_122 = arith.cmpf ogt, %get3A_114, %gt3A_121 : vector<16xf32>
          %and3A = arith.andi %gt3A_119, %gt3A_122 : vector<16xi1>
          %all_reduce_population_count3A = tpu.all_reduce %and3A {dim = 0 : i64, kind = #tpu.reduction_kind<sum>} : vector<16xi1> -> vector<16xi32>
          %add3A_123 = arith.addi %broadcast_in_dim3A_107, %all_reduce_population_count3A : vector<16xi32>
          %mul3A_124 = arith.constant 128 : i32
          %mul3A_125 = arith.muli %scan3A_88, %mul3A_124 : i32
          %add3A_126 = arith.constant 16 : i32
          %add3A_127 = arith.addi %mul3A_125, %add3A_126 : i32
          %get3A_128 = arith.index_cast %scan3A_52 : i32 to index
          %get3A_129 = arith.index_cast %add3A_127 : i32 to index
          %get3A_130 = tpu.vector_load %arg6[%get3A_128, %get3A_129] {strides = array<i32>} : memref<4x2048xf32, #tpu.memory_space<vmem>>, vector<16xf32>,
          %get3A_131 = arith.index_cast %scan3A_52 : i32 to index
          %get3A_132 = arith.index_cast %add3A_127 : i32 to index
          %get3A_133 = tpu.vector_load %arg7[%get3A_131, %get3A_132] {strides = array<i32>} : memref<4x2048xf32, #tpu.memory_space<vmem>>, vector<16xf32>,
          %gt3A_134 = arith.constant 5.000000e-01 : f32
          %gt3A_135 = vector.broadcast %gt3A_134 : f32 to vector<16xf32>
          %gt3A_136 = arith.cmpf ogt, %get3A_133, %gt3A_135 : vector<16xf32>
          %gt3A_137 = arith.constant 0.000000e+00 : f32
          %gt3A_138 = vector.broadcast %gt3A_137 : f32 to vector<16xf32>
          %gt3A_139 = arith.cmpf ogt, %get3A_130, %gt3A_138 : vector<16xf32>
          %and3A_140 = arith.andi %gt3A_136, %gt3A_139 : vector<16xi1>
          %all_reduce_population_count3A_141 = tpu.all_reduce %and3A_140 {dim = 0 : i64, kind = #tpu.reduction_kind<sum>} : vector<16xi1> -> vector<16xi32>
          %add3A_142 = arith.addi %add3A_123, %all_reduce_population_count3A_141 : vector<16xi32>
          %mul3A_143 = arith.constant 128 : i32
          %mul3A_144 = arith.muli %scan3A_88, %mul3A_143 : i32
          %add3A_145 = arith.constant 32 : i32
          %add3A_146 = arith.addi %mul3A_144, %add3A_145 : i32
          %get3A_147 = arith.index_cast %scan3A_52 : i32 to index
          %get3A_148 = arith.index_cast %add3A_146 : i32 to index
          %get3A_149 = tpu.vector_load %arg6[%get3A_147, %get3A_148] {strides = array<i32>} : memref<4x2048xf32, #tpu.memory_space<vmem>>, vector<16xf32>,
          %get3A_150 = arith.index_cast %scan3A_52 : i32 to index
          %get3A_151 = arith.index_cast %add3A_146 : i32 to index
          %get3A_152 = tpu.vector_load %arg7[%get3A_150, %get3A_151] {strides = array<i32>} : memref<4x2048xf32, #tpu.memory_space<vmem>>, vector<16xf32>,
          %gt3A_153 = arith.constant 5.000000e-01 : f32
          %gt3A_154 = vector.broadcast %gt3A_153 : f32 to vector<16xf32>
          %gt3A_155 = arith.cmpf ogt, %get3A_152, %gt3A_154 : vector<16xf32>
          %gt3A_156 = arith.constant 0.000000e+00 : f32
          %gt3A_157 = vector.broadcast %gt3A_156 : f32 to vector<16xf32>
          %gt3A_158 = arith.cmpf ogt, %get3A_149, %gt3A_157 : vector<16xf32>
          %and3A_159 = arith.andi %gt3A_155, %gt3A_158 : vector<16xi1>
          %all_reduce_population_count3A_160 = tpu.all_reduce %and3A_159 {dim = 0 : i64, kind = #tpu.reduction_kind<sum>} : vector<16xi1> -> vector<16xi32>
          %add3A_161 = arith.addi %add3A_142, %all_reduce_population_count3A_160 : vector<16xi32>
          %mul3A_162 = arith.constant 128 : i32
          %mul3A_163 = arith.muli %scan3A_88, %mul3A_162 : i32
          %add3A_164 = arith.constant 48 : i32
          %add3A_165 = arith.addi %mul3A_163, %add3A_164 : i32
          %get3A_166 = arith.index_cast %scan3A_52 : i32 to index
          %get3A_167 = arith.index_cast %add3A_165 : i32 to index
          %get3A_168 = tpu.vector_load %arg6[%get3A_166, %get3A_167] {strides = array<i32>} : memref<4x2048xf32, #tpu.memory_space<vmem>>, vector<16xf32>,
          %get3A_169 = arith.index_cast %scan3A_52 : i32 to index
          %get3A_170 = arith.index_cast %add3A_165 : i32 to index
          %get3A_171 = tpu.vector_load %arg7[%get3A_169, %get3A_170] {strides = array<i32>} : memref<4x2048xf32, #tpu.memory_space<vmem>>, vector<16xf32>,
          %gt3A_172 = arith.constant 5.000000e-01 : f32
          %gt3A_173 = vector.broadcast %gt3A_172 : f32 to vector<16xf32>
          %gt3A_174 = arith.cmpf ogt, %get3A_171, %gt3A_173 : vector<16xf32>
          %gt3A_175 = arith.constant 0.000000e+00 : f32
          %gt3A_176 = vector.broadcast %gt3A_175 : f32 to vector<16xf32>
          %gt3A_177 = arith.cmpf ogt, %get3A_168, %gt3A_176 : vector<16xf32>
          %and3A_178 = arith.andi %gt3A_174, %gt3A_177 : vector<16xi1>
          %all_reduce_population_count3A_179 = tpu.all_reduce %and3A_178 {dim = 0 : i64, kind = #tpu.reduction_kind<sum>} : vector<16xi1> -> vector<16xi32>
          %add3A_180 = arith.addi %add3A_161, %all_reduce_population_count3A_179 : vector<16xi32>
          %mul3A_181 = arith.constant 128 : i32
          %mul3A_182 = arith.muli %scan3A_88, %mul3A_181 : i32
          %add3A_183 = arith.constant 64 : i32
          %add3A_184 = arith.addi %mul3A_182, %add3A_183 : i32
          %get3A_185 = arith.index_cast %scan3A_52 : i32 to index
          %get3A_186 = arith.index_cast %add3A_184 : i32 to index
          %get3A_187 = tpu.vector_load %arg6[%get3A_185, %get3A_186] {strides = array<i32>} : memref<4x2048xf32, #tpu.memory_space<vmem>>, vector<16xf32>,
          %get3A_188 = arith.index_cast %scan3A_52 : i32 to index
          %get3A_189 = arith.index_cast %add3A_184 : i32 to index
          %get3A_190 = tpu.vector_load %arg7[%get3A_188, %get3A_189] {strides = array<i32>} : memref<4x2048xf32, #tpu.memory_space<vmem>>, vector<16xf32>,
          %gt3A_191 = arith.constant 5.000000e-01 : f32
          %gt3A_192 = vector.broadcast %gt3A_191 : f32 to vector<16xf32>
          %gt3A_193 = arith.cmpf ogt, %get3A_190, %gt3A_192 : vector<16xf32>
          %gt3A_194 = arith.constant 0.000000e+00 : f32
          %gt3A_195 = vector.broadcast %gt3A_194 : f32 to vector<16xf32>
          %gt3A_196 = arith.cmpf ogt, %get3A_187, %gt3A_195 : vector<16xf32>
          %and3A_197 = arith.andi %gt3A_193, %gt3A_196 : vector<16xi1>
          %all_reduce_population_count3A_198 = tpu.all_reduce %and3A_197 {dim = 0 : i64, kind = #tpu.reduction_kind<sum>} : vector<16xi1> -> vector<16xi32>
          %add3A_199 = arith.addi %add3A_180, %all_reduce_population_count3A_198 : vector<16xi32>
          %mul3A_200 = arith.constant 128 : i32
          %mul3A_201 = arith.muli %scan3A_88, %mul3A_200 : i32
          %add3A_202 = arith.constant 80 : i32
          %add3A_203 = arith.addi %mul3A_201, %add3A_202 : i32
          %get3A_204 = arith.index_cast %scan3A_52 : i32 to index
          %get3A_205 = arith.index_cast %add3A_203 : i32 to index
          %get3A_206 = tpu.vector_load %arg6[%get3A_204, %get3A_205] {strides = array<i32>} : memref<4x2048xf32, #tpu.memory_space<vmem>>, vector<16xf32>,
          %get3A_207 = arith.index_cast %scan3A_52 : i32 to index
          %get3A_208 = arith.index_cast %add3A_203 : i32 to index
          %get3A_209 = tpu.vector_load %arg7[%get3A_207, %get3A_208] {strides = array<i32>} : memref<4x2048xf32, #tpu.memory_space<vmem>>, vector<16xf32>,
          %gt3A_210 = arith.constant 5.000000e-01 : f32
          %gt3A_211 = vector.broadcast %gt3A_210 : f32 to vector<16xf32>
          %gt3A_212 = arith.cmpf ogt, %get3A_209, %gt3A_211 : vector<16xf32>
          %gt3A_213 = arith.constant 0.000000e+00 : f32
          %gt3A_214 = vector.broadcast %gt3A_213 : f32 to vector<16xf32>
          %gt3A_215 = arith.cmpf ogt, %get3A_206, %gt3A_214 : vector<16xf32>
          %and3A_216 = arith.andi %gt3A_212, %gt3A_215 : vector<16xi1>
          %all_reduce_population_count3A_217 = tpu.all_reduce %and3A_216 {dim = 0 : i64, kind = #tpu.reduction_kind<sum>} : vector<16xi1> -> vector<16xi32>
          %add3A_218 = arith.addi %add3A_199, %all_reduce_population_count3A_217 : vector<16xi32>
          %mul3A_219 = arith.constant 128 : i32
          %mul3A_220 = arith.muli %scan3A_88, %mul3A_219 : i32
          %add3A_221 = arith.constant 96 : i32
          %add3A_222 = arith.addi %mul3A_220, %add3A_221 : i32
          %get3A_223 = arith.index_cast %scan3A_52 : i32 to index
          %get3A_224 = arith.index_cast %add3A_222 : i32 to index
          %get3A_225 = tpu.vector_load %arg6[%get3A_223, %get3A_224] {strides = array<i32>} : memref<4x2048xf32, #tpu.memory_space<vmem>>, vector<16xf32>,
          %get3A_226 = arith.index_cast %scan3A_52 : i32 to index
          %get3A_227 = arith.index_cast %add3A_222 : i32 to index
          %get3A_228 = tpu.vector_load %arg7[%get3A_226, %get3A_227] {strides = array<i32>} : memref<4x2048xf32, #tpu.memory_space<vmem>>, vector<16xf32>,
          %gt3A_229 = arith.constant 5.000000e-01 : f32
          %gt3A_230 = vector.broadcast %gt3A_229 : f32 to vector<16xf32>
          %gt3A_231 = arith.cmpf ogt, %get3A_228, %gt3A_230 : vector<16xf32>
          %gt3A_232 = arith.constant 0.000000e+00 : f32
          %gt3A_233 = vector.broadcast %gt3A_232 : f32 to vector<16xf32>
          %gt3A_234 = arith.cmpf ogt, %get3A_225, %gt3A_233 : vector<16xf32>
          %and3A_235 = arith.andi %gt3A_231, %gt3A_234 : vector<16xi1>
          %all_reduce_population_count3A_236 = tpu.all_reduce %and3A_235 {dim = 0 : i64, kind = #tpu.reduction_kind<sum>} : vector<16xi1> -> vector<16xi32>
          %add3A_237 = arith.addi %add3A_218, %all_reduce_population_count3A_236 : vector<16xi32>
          %mul3A_238 = arith.constant 128 : i32
          %mul3A_239 = arith.muli %scan3A_88, %mul3A_238 : i32
          %add3A_240 = arith.constant 112 : i32
          %add3A_241 = arith.addi %mul3A_239, %add3A_240 : i32
          %get3A_242 = arith.index_cast %scan3A_52 : i32 to index
          %get3A_243 = arith.index_cast %add3A_241 : i32 to index
          %get3A_244 = tpu.vector_load %arg6[%get3A_242, %get3A_243] {strides = array<i32>} : memref<4x2048xf32, #tpu.memory_space<vmem>>, vector<16xf32>,
          %get3A_245 = arith.index_cast %scan3A_52 : i32 to index
          %get3A_246 = arith.index_cast %add3A_241 : i32 to index
          %get3A_247 = tpu.vector_load %arg7[%get3A_245, %get3A_246] {strides = array<i32>} : memref<4x2048xf32, #tpu.memory_space<vmem>>, vector<16xf32>,
          %gt3A_248 = arith.constant 5.000000e-01 : f32
          %gt3A_249 = vector.broadcast %gt3A_248 : f32 to vector<16xf32>
          %gt3A_250 = arith.cmpf ogt, %get3A_247, %gt3A_249 : vector<16xf32>
          %gt3A_251 = arith.constant 0.000000e+00 : f32
          %gt3A_252 = vector.broadcast %gt3A_251 : f32 to vector<16xf32>
          %gt3A_253 = arith.cmpf ogt, %get3A_244, %gt3A_252 : vector<16xf32>
          %and3A_254 = arith.andi %gt3A_250, %gt3A_253 : vector<16xi1>
          %all_reduce_population_count3A_255 = tpu.all_reduce %and3A_254 {dim = 0 : i64, kind = #tpu.reduction_kind<sum>} : vector<16xi1> -> vector<16xi32>
          %add3A_256 = arith.addi %add3A_237, %all_reduce_population_count3A_255 : vector<16xi32>
          %reduce_max3A = arith.constant true
          %reduce_max3A_257 = vector.broadcast %reduce_max3A : i1 to vector<16xi1>
          %reduce_max3A_258 = arith.constant -2147483648 : i32
          %reduce_max3A_259 = vector.broadcast %reduce_max3A_258 : i32 to vector<16xi32>
          %reduce_max3A_260 = arith.xori %add3A_256, %reduce_max3A_259 : vector<16xi32>
          %reduce_max3A_261 = tpu.scan <max>, %reduce_max3A_260 masked %reduce_max3A_257 : vector<16xi32>, vector<16xi1> -> vector<16xi32>
          %reduce_max3A_262 = arith.xori %reduce_max3A_261, %reduce_max3A_259 : vector<16xi32>
          %reduce_max3A_263 = vector.extract %reduce_max3A_262[15] : i32 from vector<16xi32>
          %add3A_264 = arith.addi %get3A_105, %reduce_max3A_263 : i32
          %gt3A_265 = arith.constant 32 : i32
          %gt3A_266 = arith.cmpi sgt, %add3A_264, %gt3A_265 : i32
          %not3A_267 = arith.constant true
          %not3A_268 = arith.xori %gt3A_266, %not3A_267 : i1
          %convert_element_type3A_269 = arith.extui %not3A_268 : i1 to i32
          %cond3A_270 = arith.constant 0 : i32
          %cond3A_271 = arith.cmpi ne, %convert_element_type3A_269, %cond3A_270 : i32
          scf.if %cond3A_271 {
            %jit3A = arith.constant 1.000000e+00 : f32
            %jit3A_275 = arith.constant 0.000000e+00 : f32
            %broadcast_in_dim3A_276 = vector.broadcast %jit3A : f32 to vector<16xf32>
            %broadcast_in_dim3A_277 = vector.broadcast %jit3A_275 : f32 to vector<16xf32>
            %select_n3A = arith.select %and3A, %broadcast_in_dim3A_276, %broadcast_in_dim3A_277 : vector<16xi1>, vector<16xf32>
            %mul3A_278 = arith.constant 128 : i32
            %mul3A_279 = arith.muli %scan3A_88, %mul3A_278 : i32
            %add3A_280 = arith.constant 0 : i32
            %add3A_281 = arith.addi %mul3A_279, %add3A_280 : i32
            %swap3A_282 = arith.index_cast %scan3A_52 : i32 to index
            %swap3A_283 = arith.index_cast %add3A_281 : i32 to index
            %swap3A_284 = tpu.vector_load %arg8[%swap3A_282, %swap3A_283] {strides = array<i32>} : memref<4x2048xf32, #tpu.memory_space<vmem>>, vector<16xf32>,
            tpu.vector_store %arg8[%swap3A_282, %swap3A_283], %select_n3A {strides = array<i32>} : memref<4x2048xf32, #tpu.memory_space<vmem>>, vector<16xf32>,
            %jit3A_285 = arith.constant 1.000000e+00 : f32
            %jit3A_286 = arith.constant 0.000000e+00 : f32
            %broadcast_in_dim3A_287 = vector.broadcast %jit3A_285 : f32 to vector<16xf32>
            %broadcast_in_dim3A_288 = vector.broadcast %jit3A_286 : f32 to vector<16xf32>
            %select_n3A_289 = arith.select %and3A_140, %broadcast_in_dim3A_287, %broadcast_in_dim3A_288 : vector<16xi1>, vector<16xf32>
            %mul3A_290 = arith.constant 128 : i32
            %mul3A_291 = arith.muli %scan3A_88, %mul3A_290 : i32
            %add3A_292 = arith.constant 16 : i32
            %add3A_293 = arith.addi %mul3A_291, %add3A_292 : i32
            %swap3A_294 = arith.index_cast %scan3A_52 : i32 to index
            %swap3A_295 = arith.index_cast %add3A_293 : i32 to index
            %swap3A_296 = tpu.vector_load %arg8[%swap3A_294, %swap3A_295] {strides = array<i32>} : memref<4x2048xf32, #tpu.memory_space<vmem>>, vector<16xf32>,
            tpu.vector_store %arg8[%swap3A_294, %swap3A_295], %select_n3A_289 {strides = array<i32>} : memref<4x2048xf32, #tpu.memory_space<vmem>>, vector<16xf32>,
            %jit3A_297 = arith.constant 1.000000e+00 : f32
            %jit3A_298 = arith.constant 0.000000e+00 : f32
            %broadcast_in_dim3A_299 = vector.broadcast %jit3A_297 : f32 to vector<16xf32>
            %broadcast_in_dim3A_300 = vector.broadcast %jit3A_298 : f32 to vector<16xf32>
            %select_n3A_301 = arith.select %and3A_159, %broadcast_in_dim3A_299, %broadcast_in_dim3A_300 : vector<16xi1>, vector<16xf32>
            %mul3A_302 = arith.constant 128 : i32
            %mul3A_303 = arith.muli %scan3A_88, %mul3A_302 : i32
            %add3A_304 = arith.constant 32 : i32
            %add3A_305 = arith.addi %mul3A_303, %add3A_304 : i32
            %swap3A_306 = arith.index_cast %scan3A_52 : i32 to index
            %swap3A_307 = arith.index_cast %add3A_305 : i32 to index
            %swap3A_308 = tpu.vector_load %arg8[%swap3A_306, %swap3A_307] {strides = array<i32>} : memref<4x2048xf32, #tpu.memory_space<vmem>>, vector<16xf32>,
            tpu.vector_store %arg8[%swap3A_306, %swap3A_307], %select_n3A_301 {strides = array<i32>} : memref<4x2048xf32, #tpu.memory_space<vmem>>, vector<16xf32>,
            %jit3A_309 = arith.constant 1.000000e+00 : f32
            %jit3A_310 = arith.constant 0.000000e+00 : f32
            %broadcast_in_dim3A_311 = vector.broadcast %jit3A_309 : f32 to vector<16xf32>
            %broadcast_in_dim3A_312 = vector.broadcast %jit3A_310 : f32 to vector<16xf32>
            %select_n3A_313 = arith.select %and3A_178, %broadcast_in_dim3A_311, %broadcast_in_dim3A_312 : vector<16xi1>, vector<16xf32>
            %mul3A_314 = arith.constant 128 : i32
            %mul3A_315 = arith.muli %scan3A_88, %mul3A_314 : i32
            %add3A_316 = arith.constant 48 : i32
            %add3A_317 = arith.addi %mul3A_315, %add3A_316 : i32
            %swap3A_318 = arith.index_cast %scan3A_52 : i32 to index
            %swap3A_319 = arith.index_cast %add3A_317 : i32 to index
            %swap3A_320 = tpu.vector_load %arg8[%swap3A_318, %swap3A_319] {strides = array<i32>} : memref<4x2048xf32, #tpu.memory_space<vmem>>, vector<16xf32>,
            tpu.vector_store %arg8[%swap3A_318, %swap3A_319], %select_n3A_313 {strides = array<i32>} : memref<4x2048xf32, #tpu.memory_space<vmem>>, vector<16xf32>,
            %jit3A_321 = arith.constant 1.000000e+00 : f32
            %jit3A_322 = arith.constant 0.000000e+00 : f32
            %broadcast_in_dim3A_323 = vector.broadcast %jit3A_321 : f32 to vector<16xf32>
            %broadcast_in_dim3A_324 = vector.broadcast %jit3A_322 : f32 to vector<16xf32>
            %select_n3A_325 = arith.select %and3A_197, %broadcast_in_dim3A_323, %broadcast_in_dim3A_324 : vector<16xi1>, vector<16xf32>
            %mul3A_326 = arith.constant 128 : i32
            %mul3A_327 = arith.muli %scan3A_88, %mul3A_326 : i32
            %add3A_328 = arith.constant 64 : i32
            %add3A_329 = arith.addi %mul3A_327, %add3A_328 : i32
            %swap3A_330 = arith.index_cast %scan3A_52 : i32 to index
            %swap3A_331 = arith.index_cast %add3A_329 : i32 to index
            %swap3A_332 = tpu.vector_load %arg8[%swap3A_330, %swap3A_331] {strides = array<i32>} : memref<4x2048xf32, #tpu.memory_space<vmem>>, vector<16xf32>,
            tpu.vector_store %arg8[%swap3A_330, %swap3A_331], %select_n3A_325 {strides = array<i32>} : memref<4x2048xf32, #tpu.memory_space<vmem>>, vector<16xf32>,
            %jit3A_333 = arith.constant 1.000000e+00 : f32
            %jit3A_334 = arith.constant 0.000000e+00 : f32
            %broadcast_in_dim3A_335 = vector.broadcast %jit3A_333 : f32 to vector<16xf32>
            %broadcast_in_dim3A_336 = vector.broadcast %jit3A_334 : f32 to vector<16xf32>
            %select_n3A_337 = arith.select %and3A_216, %broadcast_in_dim3A_335, %broadcast_in_dim3A_336 : vector<16xi1>, vector<16xf32>
            %mul3A_338 = arith.constant 128 : i32
            %mul3A_339 = arith.muli %scan3A_88, %mul3A_338 : i32
            %add3A_340 = arith.constant 80 : i32
            %add3A_341 = arith.addi %mul3A_339, %add3A_340 : i32
            %swap3A_342 = arith.index_cast %scan3A_52 : i32 to index
            %swap3A_343 = arith.index_cast %add3A_341 : i32 to index
            %swap3A_344 = tpu.vector_load %arg8[%swap3A_342, %swap3A_343] {strides = array<i32>} : memref<4x2048xf32, #tpu.memory_space<vmem>>, vector<16xf32>,
            tpu.vector_store %arg8[%swap3A_342, %swap3A_343], %select_n3A_337 {strides = array<i32>} : memref<4x2048xf32, #tpu.memory_space<vmem>>, vector<16xf32>,
            %jit3A_345 = arith.constant 1.000000e+00 : f32
            %jit3A_346 = arith.constant 0.000000e+00 : f32
            %broadcast_in_dim3A_347 = vector.broadcast %jit3A_345 : f32 to vector<16xf32>
            %broadcast_in_dim3A_348 = vector.broadcast %jit3A_346 : f32 to vector<16xf32>
            %select_n3A_349 = arith.select %and3A_235, %broadcast_in_dim3A_347, %broadcast_in_dim3A_348 : vector<16xi1>, vector<16xf32>
            %mul3A_350 = arith.constant 128 : i32
            %mul3A_351 = arith.muli %scan3A_88, %mul3A_350 : i32
            %add3A_352 = arith.constant 96 : i32
            %add3A_353 = arith.addi %mul3A_351, %add3A_352 : i32
            %swap3A_354 = arith.index_cast %scan3A_52 : i32 to index
            %swap3A_355 = arith.index_cast %add3A_353 : i32 to index
            %swap3A_356 = tpu.vector_load %arg8[%swap3A_354, %swap3A_355] {strides = array<i32>} : memref<4x2048xf32, #tpu.memory_space<vmem>>, vector<16xf32>,
            tpu.vector_store %arg8[%swap3A_354, %swap3A_355], %select_n3A_349 {strides = array<i32>} : memref<4x2048xf32, #tpu.memory_space<vmem>>, vector<16xf32>,
            %jit3A_357 = arith.constant 1.000000e+00 : f32
            %jit3A_358 = arith.constant 0.000000e+00 : f32
            %broadcast_in_dim3A_359 = vector.broadcast %jit3A_357 : f32 to vector<16xf32>
            %broadcast_in_dim3A_360 = vector.broadcast %jit3A_358 : f32 to vector<16xf32>
            %select_n3A_361 = arith.select %and3A_254, %broadcast_in_dim3A_359, %broadcast_in_dim3A_360 : vector<16xi1>, vector<16xf32>
            %mul3A_362 = arith.constant 128 : i32
            %mul3A_363 = arith.muli %scan3A_88, %mul3A_362 : i32
            %add3A_364 = arith.constant 112 : i32
            %add3A_365 = arith.addi %mul3A_363, %add3A_364 : i32
            %swap3A_366 = arith.index_cast %scan3A_52 : i32 to index
            %swap3A_367 = arith.index_cast %add3A_365 : i32 to index
            %swap3A_368 = tpu.vector_load %arg8[%swap3A_366, %swap3A_367] {strides = array<i32>} : memref<4x2048xf32, #tpu.memory_space<vmem>>, vector<16xf32>,
            tpu.vector_store %arg8[%swap3A_366, %swap3A_367], %select_n3A_361 {strides = array<i32>} : memref<4x2048xf32, #tpu.memory_space<vmem>>, vector<16xf32>,
            %swap3A_369 = arith.constant 0 : i32
            %swap3A_370 = arith.index_cast %swap3A_369 : i32 to index
            %swap3A_371 = memref.load %arg9[%swap3A_370] : memref<1xi32, #tpu.memory_space<smem>>
            memref.store %add3A_264, %arg9[%swap3A_370] : memref<1xi32, #tpu.memory_space<smem>>
          } else {
          }
          %convert_element_type3A_272 = arith.extui %gt3A_266 : i1 to i32
          %cond3A_273 = arith.constant 0 : i32
          %cond3A_274 = arith.cmpi ne, %convert_element_type3A_272, %cond3A_273 : i32
          scf.if %cond3A_274 {
            %broadcast_in_dim3A_275 = arith.constant 0 : i32
            %broadcast_in_dim3A_276 = vector.broadcast %broadcast_in_dim3A_275 : i32 to vector<16xi32>
            %add3A_277 = vector.broadcast %get3A_105 : i32 to vector<16xi32>
            %add3A_278 = arith.addi %add3A_277, %broadcast_in_dim3A_276 : vector<16xi32>
            %convert_element_type3A_279 = arith.extui %and3A : vector<16xi1> to vector<16xi32>
            %broadcast_in_dim3A_280 = arith.constant true
            %broadcast_in_dim3A_281 = vector.broadcast %broadcast_in_dim3A_280 : i1 to vector<16xi1>
            %masked_cumsum3A = tpu.scan <sum>, %convert_element_type3A_279 masked %broadcast_in_dim3A_281 : vector<16xi32>, vector<16xi1> -> vector<16xi32>
            %add3A_282 = arith.addi %add3A_278, %masked_cumsum3A : vector<16xi32>
            %le3A = arith.constant 32 : i32
            %le3A_283 = vector.broadcast %le3A : i32 to vector<16xi32>
            %le3A_284 = arith.cmpi sle, %add3A_282, %le3A_283 : vector<16xi32>
            %and3A_285 = arith.andi %le3A_284, %and3A : vector<16xi1>
            %jit3A = arith.constant 1.000000e+00 : f32
            %jit3A_286 = arith.constant 0.000000e+00 : f32
            %broadcast_in_dim3A_287 = vector.broadcast %jit3A : f32 to vector<16xf32>
            %broadcast_in_dim3A_288 = vector.broadcast %jit3A_286 : f32 to vector<16xf32>
            %select_n3A = arith.select %and3A_285, %broadcast_in_dim3A_287, %broadcast_in_dim3A_288 : vector<16xi1>, vector<16xf32>
            %mul3A_289 = arith.constant 128 : i32
            %mul3A_290 = arith.muli %scan3A_88, %mul3A_289 : i32
            %add3A_291 = arith.constant 0 : i32
            %add3A_292 = arith.addi %mul3A_290, %add3A_291 : i32
            %swap3A_293 = arith.index_cast %scan3A_52 : i32 to index
            %swap3A_294 = arith.index_cast %add3A_292 : i32 to index
            %swap3A_295 = tpu.vector_load %arg8[%swap3A_293, %swap3A_294] {strides = array<i32>} : memref<4x2048xf32, #tpu.memory_space<vmem>>, vector<16xf32>,
            tpu.vector_store %arg8[%swap3A_293, %swap3A_294], %select_n3A {strides = array<i32>} : memref<4x2048xf32, #tpu.memory_space<vmem>>, vector<16xf32>,
            %all_reduce_population_count3A_296 = tpu.all_reduce %and3A {dim = 0 : i64, kind = #tpu.reduction_kind<sum>} : vector<16xi1> -> vector<16xi32>
            %add3A_297 = arith.addi %add3A_278, %all_reduce_population_count3A_296 : vector<16xi32>
            %convert_element_type3A_298 = arith.extui %and3A_140 : vector<16xi1> to vector<16xi32>
            %broadcast_in_dim3A_299 = arith.constant true
            %broadcast_in_dim3A_300 = vector.broadcast %broadcast_in_dim3A_299 : i1 to vector<16xi1>
            %masked_cumsum3A_301 = tpu.scan <sum>, %convert_element_type3A_298 masked %broadcast_in_dim3A_300 : vector<16xi32>, vector<16xi1> -> vector<16xi32>
            %add3A_302 = arith.addi %add3A_297, %masked_cumsum3A_301 : vector<16xi32>
            %le3A_303 = arith.constant 32 : i32
            %le3A_304 = vector.broadcast %le3A_303 : i32 to vector<16xi32>
            %le3A_305 = arith.cmpi sle, %add3A_302, %le3A_304 : vector<16xi32>
            %and3A_306 = arith.andi %le3A_305, %and3A_140 : vector<16xi1>
            %jit3A_307 = arith.constant 1.000000e+00 : f32
            %jit3A_308 = arith.constant 0.000000e+00 : f32
            %broadcast_in_dim3A_309 = vector.broadcast %jit3A_307 : f32 to vector<16xf32>
            %broadcast_in_dim3A_310 = vector.broadcast %jit3A_308 : f32 to vector<16xf32>
            %select_n3A_311 = arith.select %and3A_306, %broadcast_in_dim3A_309, %broadcast_in_dim3A_310 : vector<16xi1>, vector<16xf32>
            %mul3A_312 = arith.constant 128 : i32
            %mul3A_313 = arith.muli %scan3A_88, %mul3A_312 : i32
            %add3A_314 = arith.constant 16 : i32
            %add3A_315 = arith.addi %mul3A_313, %add3A_314 : i32
            %swap3A_316 = arith.index_cast %scan3A_52 : i32 to index
            %swap3A_317 = arith.index_cast %add3A_315 : i32 to index
            %swap3A_318 = tpu.vector_load %arg8[%swap3A_316, %swap3A_317] {strides = array<i32>} : memref<4x2048xf32, #tpu.memory_space<vmem>>, vector<16xf32>,
            tpu.vector_store %arg8[%swap3A_316, %swap3A_317], %select_n3A_311 {strides = array<i32>} : memref<4x2048xf32, #tpu.memory_space<vmem>>, vector<16xf32>,
            %all_reduce_population_count3A_319 = tpu.all_reduce %and3A_140 {dim = 0 : i64, kind = #tpu.reduction_kind<sum>} : vector<16xi1> -> vector<16xi32>
            %add3A_320 = arith.addi %add3A_297, %all_reduce_population_count3A_319 : vector<16xi32>
            %convert_element_type3A_321 = arith.extui %and3A_159 : vector<16xi1> to vector<16xi32>
            %broadcast_in_dim3A_322 = arith.constant true
            %broadcast_in_dim3A_323 = vector.broadcast %broadcast_in_dim3A_322 : i1 to vector<16xi1>
            %masked_cumsum3A_324 = tpu.scan <sum>, %convert_element_type3A_321 masked %broadcast_in_dim3A_323 : vector<16xi32>, vector<16xi1> -> vector<16xi32>
            %add3A_325 = arith.addi %add3A_320, %masked_cumsum3A_324 : vector<16xi32>
            %le3A_326 = arith.constant 32 : i32
            %le3A_327 = vector.broadcast %le3A_326 : i32 to vector<16xi32>
            %le3A_328 = arith.cmpi sle, %add3A_325, %le3A_327 : vector<16xi32>
            %and3A_329 = arith.andi %le3A_328, %and3A_159 : vector<16xi1>
            %jit3A_330 = arith.constant 1.000000e+00 : f32
            %jit3A_331 = arith.constant 0.000000e+00 : f32
            %broadcast_in_dim3A_332 = vector.broadcast %jit3A_330 : f32 to vector<16xf32>
            %broadcast_in_dim3A_333 = vector.broadcast %jit3A_331 : f32 to vector<16xf32>
            %select_n3A_334 = arith.select %and3A_329, %broadcast_in_dim3A_332, %broadcast_in_dim3A_333 : vector<16xi1>, vector<16xf32>
            %mul3A_335 = arith.constant 128 : i32
            %mul3A_336 = arith.muli %scan3A_88, %mul3A_335 : i32
            %add3A_337 = arith.constant 32 : i32
            %add3A_338 = arith.addi %mul3A_336, %add3A_337 : i32
            %swap3A_339 = arith.index_cast %scan3A_52 : i32 to index
            %swap3A_340 = arith.index_cast %add3A_338 : i32 to index
            %swap3A_341 = tpu.vector_load %arg8[%swap3A_339, %swap3A_340] {strides = array<i32>} : memref<4x2048xf32, #tpu.memory_space<vmem>>, vector<16xf32>,
            tpu.vector_store %arg8[%swap3A_339, %swap3A_340], %select_n3A_334 {strides = array<i32>} : memref<4x2048xf32, #tpu.memory_space<vmem>>, vector<16xf32>,
            %all_reduce_population_count3A_342 = tpu.all_reduce %and3A_159 {dim = 0 : i64, kind = #tpu.reduction_kind<sum>} : vector<16xi1> -> vector<16xi32>
            %add3A_343 = arith.addi %add3A_320, %all_reduce_population_count3A_342 : vector<16xi32>
            %convert_element_type3A_344 = arith.extui %and3A_178 : vector<16xi1> to vector<16xi32>
            %broadcast_in_dim3A_345 = arith.constant true
            %broadcast_in_dim3A_346 = vector.broadcast %broadcast_in_dim3A_345 : i1 to vector<16xi1>
            %masked_cumsum3A_347 = tpu.scan <sum>, %convert_element_type3A_344 masked %broadcast_in_dim3A_346 : vector<16xi32>, vector<16xi1> -> vector<16xi32>
            %add3A_348 = arith.addi %add3A_343, %masked_cumsum3A_347 : vector<16xi32>
            %le3A_349 = arith.constant 32 : i32
            %le3A_350 = vector.broadcast %le3A_349 : i32 to vector<16xi32>
            %le3A_351 = arith.cmpi sle, %add3A_348, %le3A_350 : vector<16xi32>
            %and3A_352 = arith.andi %le3A_351, %and3A_178 : vector<16xi1>
            %jit3A_353 = arith.constant 1.000000e+00 : f32
            %jit3A_354 = arith.constant 0.000000e+00 : f32
            %broadcast_in_dim3A_355 = vector.broadcast %jit3A_353 : f32 to vector<16xf32>
            %broadcast_in_dim3A_356 = vector.broadcast %jit3A_354 : f32 to vector<16xf32>
            %select_n3A_357 = arith.select %and3A_352, %broadcast_in_dim3A_355, %broadcast_in_dim3A_356 : vector<16xi1>, vector<16xf32>
            %mul3A_358 = arith.constant 128 : i32
            %mul3A_359 = arith.muli %scan3A_88, %mul3A_358 : i32
            %add3A_360 = arith.constant 48 : i32
            %add3A_361 = arith.addi %mul3A_359, %add3A_360 : i32
            %swap3A_362 = arith.index_cast %scan3A_52 : i32 to index
            %swap3A_363 = arith.index_cast %add3A_361 : i32 to index
            %swap3A_364 = tpu.vector_load %arg8[%swap3A_362, %swap3A_363] {strides = array<i32>} : memref<4x2048xf32, #tpu.memory_space<vmem>>, vector<16xf32>,
            tpu.vector_store %arg8[%swap3A_362, %swap3A_363], %select_n3A_357 {strides = array<i32>} : memref<4x2048xf32, #tpu.memory_space<vmem>>, vector<16xf32>,
            %all_reduce_population_count3A_365 = tpu.all_reduce %and3A_178 {dim = 0 : i64, kind = #tpu.reduction_kind<sum>} : vector<16xi1> -> vector<16xi32>
            %add3A_366 = arith.addi %add3A_343, %all_reduce_population_count3A_365 : vector<16xi32>
            %convert_element_type3A_367 = arith.extui %and3A_197 : vector<16xi1> to vector<16xi32>
            %broadcast_in_dim3A_368 = arith.constant true
            %broadcast_in_dim3A_369 = vector.broadcast %broadcast_in_dim3A_368 : i1 to vector<16xi1>
            %masked_cumsum3A_370 = tpu.scan <sum>, %convert_element_type3A_367 masked %broadcast_in_dim3A_369 : vector<16xi32>, vector<16xi1> -> vector<16xi32>
            %add3A_371 = arith.addi %add3A_366, %masked_cumsum3A_370 : vector<16xi32>
            %le3A_372 = arith.constant 32 : i32
            %le3A_373 = vector.broadcast %le3A_372 : i32 to vector<16xi32>
            %le3A_374 = arith.cmpi sle, %add3A_371, %le3A_373 : vector<16xi32>
            %and3A_375 = arith.andi %le3A_374, %and3A_197 : vector<16xi1>
            %jit3A_376 = arith.constant 1.000000e+00 : f32
            %jit3A_377 = arith.constant 0.000000e+00 : f32
            %broadcast_in_dim3A_378 = vector.broadcast %jit3A_376 : f32 to vector<16xf32>
            %broadcast_in_dim3A_379 = vector.broadcast %jit3A_377 : f32 to vector<16xf32>
            %select_n3A_380 = arith.select %and3A_375, %broadcast_in_dim3A_378, %broadcast_in_dim3A_379 : vector<16xi1>, vector<16xf32>
            %mul3A_381 = arith.constant 128 : i32
            %mul3A_382 = arith.muli %scan3A_88, %mul3A_381 : i32
            %add3A_383 = arith.constant 64 : i32
            %add3A_384 = arith.addi %mul3A_382, %add3A_383 : i32
            %swap3A_385 = arith.index_cast %scan3A_52 : i32 to index
            %swap3A_386 = arith.index_cast %add3A_384 : i32 to index
            %swap3A_387 = tpu.vector_load %arg8[%swap3A_385, %swap3A_386] {strides = array<i32>} : memref<4x2048xf32, #tpu.memory_space<vmem>>, vector<16xf32>,
            tpu.vector_store %arg8[%swap3A_385, %swap3A_386], %select_n3A_380 {strides = array<i32>} : memref<4x2048xf32, #tpu.memory_space<vmem>>, vector<16xf32>,
            %all_reduce_population_count3A_388 = tpu.all_reduce %and3A_197 {dim = 0 : i64, kind = #tpu.reduction_kind<sum>} : vector<16xi1> -> vector<16xi32>
            %add3A_389 = arith.addi %add3A_366, %all_reduce_population_count3A_388 : vector<16xi32>
            %convert_element_type3A_390 = arith.extui %and3A_216 : vector<16xi1> to vector<16xi32>
            %broadcast_in_dim3A_391 = arith.constant true
            %broadcast_in_dim3A_392 = vector.broadcast %broadcast_in_dim3A_391 : i1 to vector<16xi1>
            %masked_cumsum3A_393 = tpu.scan <sum>, %convert_element_type3A_390 masked %broadcast_in_dim3A_392 : vector<16xi32>, vector<16xi1> -> vector<16xi32>
            %add3A_394 = arith.addi %add3A_389, %masked_cumsum3A_393 : vector<16xi32>
            %le3A_395 = arith.constant 32 : i32
            %le3A_396 = vector.broadcast %le3A_395 : i32 to vector<16xi32>
            %le3A_397 = arith.cmpi sle, %add3A_394, %le3A_396 : vector<16xi32>
            %and3A_398 = arith.andi %le3A_397, %and3A_216 : vector<16xi1>
            %jit3A_399 = arith.constant 1.000000e+00 : f32
            %jit3A_400 = arith.constant 0.000000e+00 : f32
            %broadcast_in_dim3A_401 = vector.broadcast %jit3A_399 : f32 to vector<16xf32>
            %broadcast_in_dim3A_402 = vector.broadcast %jit3A_400 : f32 to vector<16xf32>
            %select_n3A_403 = arith.select %and3A_398, %broadcast_in_dim3A_401, %broadcast_in_dim3A_402 : vector<16xi1>, vector<16xf32>
            %mul3A_404 = arith.constant 128 : i32
            %mul3A_405 = arith.muli %scan3A_88, %mul3A_404 : i32
            %add3A_406 = arith.constant 80 : i32
            %add3A_407 = arith.addi %mul3A_405, %add3A_406 : i32
            %swap3A_408 = arith.index_cast %scan3A_52 : i32 to index
            %swap3A_409 = arith.index_cast %add3A_407 : i32 to index
            %swap3A_410 = tpu.vector_load %arg8[%swap3A_408, %swap3A_409] {strides = array<i32>} : memref<4x2048xf32, #tpu.memory_space<vmem>>, vector<16xf32>,
            tpu.vector_store %arg8[%swap3A_408, %swap3A_409], %select_n3A_403 {strides = array<i32>} : memref<4x2048xf32, #tpu.memory_space<vmem>>, vector<16xf32>,
            %all_reduce_population_count3A_411 = tpu.all_reduce %and3A_216 {dim = 0 : i64, kind = #tpu.reduction_kind<sum>} : vector<16xi1> -> vector<16xi32>
            %add3A_412 = arith.addi %add3A_389, %all_reduce_population_count3A_411 : vector<16xi32>
            %convert_element_type3A_413 = arith.extui %and3A_235 : vector<16xi1> to vector<16xi32>
            %broadcast_in_dim3A_414 = arith.constant true
            %broadcast_in_dim3A_415 = vector.broadcast %broadcast_in_dim3A_414 : i1 to vector<16xi1>
            %masked_cumsum3A_416 = tpu.scan <sum>, %convert_element_type3A_413 masked %broadcast_in_dim3A_415 : vector<16xi32>, vector<16xi1> -> vector<16xi32>
            %add3A_417 = arith.addi %add3A_412, %masked_cumsum3A_416 : vector<16xi32>
            %le3A_418 = arith.constant 32 : i32
            %le3A_419 = vector.broadcast %le3A_418 : i32 to vector<16xi32>
            %le3A_420 = arith.cmpi sle, %add3A_417, %le3A_419 : vector<16xi32>
            %and3A_421 = arith.andi %le3A_420, %and3A_235 : vector<16xi1>
            %jit3A_422 = arith.constant 1.000000e+00 : f32
            %jit3A_423 = arith.constant 0.000000e+00 : f32
            %broadcast_in_dim3A_424 = vector.broadcast %jit3A_422 : f32 to vector<16xf32>
            %broadcast_in_dim3A_425 = vector.broadcast %jit3A_423 : f32 to vector<16xf32>
            %select_n3A_426 = arith.select %and3A_421, %broadcast_in_dim3A_424, %broadcast_in_dim3A_425 : vector<16xi1>, vector<16xf32>
            %mul3A_427 = arith.constant 128 : i32
            %mul3A_428 = arith.muli %scan3A_88, %mul3A_427 : i32
            %add3A_429 = arith.constant 96 : i32
            %add3A_430 = arith.addi %mul3A_428, %add3A_429 : i32
            %swap3A_431 = arith.index_cast %scan3A_52 : i32 to index
            %swap3A_432 = arith.index_cast %add3A_430 : i32 to index
            %swap3A_433 = tpu.vector_load %arg8[%swap3A_431, %swap3A_432] {strides = array<i32>} : memref<4x2048xf32, #tpu.memory_space<vmem>>, vector<16xf32>,
            tpu.vector_store %arg8[%swap3A_431, %swap3A_432], %select_n3A_426 {strides = array<i32>} : memref<4x2048xf32, #tpu.memory_space<vmem>>, vector<16xf32>,
            %all_reduce_population_count3A_434 = tpu.all_reduce %and3A_235 {dim = 0 : i64, kind = #tpu.reduction_kind<sum>} : vector<16xi1> -> vector<16xi32>
            %add3A_435 = arith.addi %add3A_412, %all_reduce_population_count3A_434 : vector<16xi32>
            %convert_element_type3A_436 = arith.extui %and3A_254 : vector<16xi1> to vector<16xi32>
            %broadcast_in_dim3A_437 = arith.constant true
            %broadcast_in_dim3A_438 = vector.broadcast %broadcast_in_dim3A_437 : i1 to vector<16xi1>
            %masked_cumsum3A_439 = tpu.scan <sum>, %convert_element_type3A_436 masked %broadcast_in_dim3A_438 : vector<16xi32>, vector<16xi1> -> vector<16xi32>
            %add3A_440 = arith.addi %add3A_435, %masked_cumsum3A_439 : vector<16xi32>
            %le3A_441 = arith.constant 32 : i32
            %le3A_442 = vector.broadcast %le3A_441 : i32 to vector<16xi32>
            %le3A_443 = arith.cmpi sle, %add3A_440, %le3A_442 : vector<16xi32>
            %and3A_444 = arith.andi %le3A_443, %and3A_254 : vector<16xi1>
            %jit3A_445 = arith.constant 1.000000e+00 : f32
            %jit3A_446 = arith.constant 0.000000e+00 : f32
            %broadcast_in_dim3A_447 = vector.broadcast %jit3A_445 : f32 to vector<16xf32>
            %broadcast_in_dim3A_448 = vector.broadcast %jit3A_446 : f32 to vector<16xf32>
            %select_n3A_449 = arith.select %and3A_444, %broadcast_in_dim3A_447, %broadcast_in_dim3A_448 : vector<16xi1>, vector<16xf32>
            %mul3A_450 = arith.constant 128 : i32
            %mul3A_451 = arith.muli %scan3A_88, %mul3A_450 : i32
            %add3A_452 = arith.constant 112 : i32
            %add3A_453 = arith.addi %mul3A_451, %add3A_452 : i32
            %swap3A_454 = arith.index_cast %scan3A_52 : i32 to index
            %swap3A_455 = arith.index_cast %add3A_453 : i32 to index
            %swap3A_456 = tpu.vector_load %arg8[%swap3A_454, %swap3A_455] {strides = array<i32>} : memref<4x2048xf32, #tpu.memory_space<vmem>>, vector<16xf32>,
            tpu.vector_store %arg8[%swap3A_454, %swap3A_455], %select_n3A_449 {strides = array<i32>} : memref<4x2048xf32, #tpu.memory_space<vmem>>, vector<16xf32>,
            %all_reduce_population_count3A_457 = tpu.all_reduce %and3A_254 {dim = 0 : i64, kind = #tpu.reduction_kind<sum>} : vector<16xi1> -> vector<16xi32>
            %add3A_458 = arith.addi %add3A_435, %all_reduce_population_count3A_457 : vector<16xi32>
            %reduce_max3A_459 = arith.constant true
            %reduce_max3A_460 = vector.broadcast %reduce_max3A_459 : i1 to vector<16xi1>
            %reduce_max3A_461 = arith.constant -2147483648 : i32
            %reduce_max3A_462 = vector.broadcast %reduce_max3A_461 : i32 to vector<16xi32>
            %reduce_max3A_463 = arith.xori %add3A_458, %reduce_max3A_462 : vector<16xi32>
            %reduce_max3A_464 = tpu.scan <max>, %reduce_max3A_463 masked %reduce_max3A_460 : vector<16xi32>, vector<16xi1> -> vector<16xi32>
            %reduce_max3A_465 = arith.xori %reduce_max3A_464, %reduce_max3A_462 : vector<16xi32>
            %reduce_max3A_466 = vector.extract %reduce_max3A_465[15] : i32 from vector<16xi32>
            %swap3A_467 = arith.constant 0 : i32
            %swap3A_468 = arith.index_cast %swap3A_467 : i32 to index
            %swap3A_469 = memref.load %arg9[%swap3A_468] : memref<1xi32, #tpu.memory_space<smem>>
            memref.store %reduce_max3A_466, %arg9[%swap3A_468] : memref<1xi32, #tpu.memory_space<smem>>
          } else {
          }
        } else {
        }
        %not3A = arith.constant true
        %not3A_98 = arith.xori %lt3A_94, %not3A : i1
        %convert_element_type3A_99 = arith.extui %not3A_98 : i1 to i32
        %cond3A_100 = arith.constant 0 : i32
        %cond3A_101 = arith.cmpi ne, %convert_element_type3A_99, %cond3A_100 : i32
        scf.if %cond3A_101 {
          %mul3A_103 = arith.constant 128 : i32
          %mul3A_104 = arith.muli %scan3A_88, %mul3A_103 : i32
          %add3A_105 = arith.constant 0 : i32
          %add3A_106 = arith.addi %mul3A_104, %add3A_105 : i32
          %swap3A_107 = arith.index_cast %scan3A_52 : i32 to index
          %swap3A_108 = arith.index_cast %add3A_106 : i32 to index
          %swap3A_109 = tpu.vector_load %arg8[%swap3A_107, %swap3A_108] {strides = array<i32>} : memref<4x2048xf32, #tpu.memory_space<vmem>>, vector<16xf32>,
          tpu.vector_store %arg8[%swap3A_107, %swap3A_108], %broadcast_in_dim3A_0 {strides = array<i32>} : memref<4x2048xf32, #tpu.memory_space<vmem>>, vector<16xf32>,
          %mul3A_110 = arith.constant 128 : i32
          %mul3A_111 = arith.muli %scan3A_88, %mul3A_110 : i32
          %add3A_112 = arith.constant 16 : i32
          %add3A_113 = arith.addi %mul3A_111, %add3A_112 : i32
          %swap3A_114 = arith.index_cast %scan3A_52 : i32 to index
          %swap3A_115 = arith.index_cast %add3A_113 : i32 to index
          %swap3A_116 = tpu.vector_load %arg8[%swap3A_114, %swap3A_115] {strides = array<i32>} : memref<4x2048xf32, #tpu.memory_space<vmem>>, vector<16xf32>,
          tpu.vector_store %arg8[%swap3A_114, %swap3A_115], %broadcast_in_dim3A_0 {strides = array<i32>} : memref<4x2048xf32, #tpu.memory_space<vmem>>, vector<16xf32>,
          %mul3A_117 = arith.constant 128 : i32
          %mul3A_118 = arith.muli %scan3A_88, %mul3A_117 : i32
          %add3A_119 = arith.constant 32 : i32
          %add3A_120 = arith.addi %mul3A_118, %add3A_119 : i32
          %swap3A_121 = arith.index_cast %scan3A_52 : i32 to index
          %swap3A_122 = arith.index_cast %add3A_120 : i32 to index
          %swap3A_123 = tpu.vector_load %arg8[%swap3A_121, %swap3A_122] {strides = array<i32>} : memref<4x2048xf32, #tpu.memory_space<vmem>>, vector<16xf32>,
          tpu.vector_store %arg8[%swap3A_121, %swap3A_122], %broadcast_in_dim3A_0 {strides = array<i32>} : memref<4x2048xf32, #tpu.memory_space<vmem>>, vector<16xf32>,
          %mul3A_124 = arith.constant 128 : i32
          %mul3A_125 = arith.muli %scan3A_88, %mul3A_124 : i32
          %add3A_126 = arith.constant 48 : i32
          %add3A_127 = arith.addi %mul3A_125, %add3A_126 : i32
          %swap3A_128 = arith.index_cast %scan3A_52 : i32 to index
          %swap3A_129 = arith.index_cast %add3A_127 : i32 to index
          %swap3A_130 = tpu.vector_load %arg8[%swap3A_128, %swap3A_129] {strides = array<i32>} : memref<4x2048xf32, #tpu.memory_space<vmem>>, vector<16xf32>,
          tpu.vector_store %arg8[%swap3A_128, %swap3A_129], %broadcast_in_dim3A_0 {strides = array<i32>} : memref<4x2048xf32, #tpu.memory_space<vmem>>, vector<16xf32>,
          %mul3A_131 = arith.constant 128 : i32
          %mul3A_132 = arith.muli %scan3A_88, %mul3A_131 : i32
          %add3A_133 = arith.constant 64 : i32
          %add3A_134 = arith.addi %mul3A_132, %add3A_133 : i32
          %swap3A_135 = arith.index_cast %scan3A_52 : i32 to index
          %swap3A_136 = arith.index_cast %add3A_134 : i32 to index
          %swap3A_137 = tpu.vector_load %arg8[%swap3A_135, %swap3A_136] {strides = array<i32>} : memref<4x2048xf32, #tpu.memory_space<vmem>>, vector<16xf32>,
          tpu.vector_store %arg8[%swap3A_135, %swap3A_136], %broadcast_in_dim3A_0 {strides = array<i32>} : memref<4x2048xf32, #tpu.memory_space<vmem>>, vector<16xf32>,
          %mul3A_138 = arith.constant 128 : i32
          %mul3A_139 = arith.muli %scan3A_88, %mul3A_138 : i32
          %add3A_140 = arith.constant 80 : i32
          %add3A_141 = arith.addi %mul3A_139, %add3A_140 : i32
          %swap3A_142 = arith.index_cast %scan3A_52 : i32 to index
          %swap3A_143 = arith.index_cast %add3A_141 : i32 to index
          %swap3A_144 = tpu.vector_load %arg8[%swap3A_142, %swap3A_143] {strides = array<i32>} : memref<4x2048xf32, #tpu.memory_space<vmem>>, vector<16xf32>,
          tpu.vector_store %arg8[%swap3A_142, %swap3A_143], %broadcast_in_dim3A_0 {strides = array<i32>} : memref<4x2048xf32, #tpu.memory_space<vmem>>, vector<16xf32>,
          %mul3A_145 = arith.constant 128 : i32
          %mul3A_146 = arith.muli %scan3A_88, %mul3A_145 : i32
          %add3A_147 = arith.constant 96 : i32
          %add3A_148 = arith.addi %mul3A_146, %add3A_147 : i32
          %swap3A_149 = arith.index_cast %scan3A_52 : i32 to index
          %swap3A_150 = arith.index_cast %add3A_148 : i32 to index
          %swap3A_151 = tpu.vector_load %arg8[%swap3A_149, %swap3A_150] {strides = array<i32>} : memref<4x2048xf32, #tpu.memory_space<vmem>>, vector<16xf32>,
          tpu.vector_store %arg8[%swap3A_149, %swap3A_150], %broadcast_in_dim3A_0 {strides = array<i32>} : memref<4x2048xf32, #tpu.memory_space<vmem>>, vector<16xf32>,
          %mul3A_152 = arith.constant 128 : i32
          %mul3A_153 = arith.muli %scan3A_88, %mul3A_152 : i32
          %add3A_154 = arith.constant 112 : i32
          %add3A_155 = arith.addi %mul3A_153, %add3A_154 : i32
          %swap3A_156 = arith.index_cast %scan3A_52 : i32 to index
          %swap3A_157 = arith.index_cast %add3A_155 : i32 to index
          %swap3A_158 = tpu.vector_load %arg8[%swap3A_156, %swap3A_157] {strides = array<i32>} : memref<4x2048xf32, #tpu.memory_space<vmem>>, vector<16xf32>,
          tpu.vector_store %arg8[%swap3A_156, %swap3A_157], %broadcast_in_dim3A_0 {strides = array<i32>} : memref<4x2048xf32, #tpu.memory_space<vmem>>, vector<16xf32>,
        } else {
        }
        %scan3A_102 = arith.constant 0 : i32
        scf.yield %scan3A_102 : i32
      }
      %scan3A_68 = arith.constant 16 : i32
      %dma_start3A = arith.constant 0 : i32
      %dma_start3A_69 = tpu.memref_slice %arg8[%scan3A_52, %dma_start3A] : memref<4x2048xf32, #tpu.memory_space<vmem>> -> memref<1x2048xf32, #tpu.memory_space<vmem>>
      %dma_start3A_70 = tpu.memref_squeeze %dma_start3A_69 : memref<1x2048xf32, #tpu.memory_space<vmem>> -> memref<2048xf32, #tpu.memory_space<vmem>>
      %dma_start3A_71 = arith.constant 0 : i32
      %dma_start3A_72 = tpu.memref_slice %arg4[%add3A_54, %dma_start3A_71] : memref<128x32768xf32, #tpu.memory_space<hbm>> -> memref<1x2048xf32, #tpu.memory_space<hbm>>
      %dma_start3A_73 = tpu.memref_squeeze %dma_start3A_72 : memref<1x2048xf32, #tpu.memory_space<hbm>> -> memref<2048xf32, #tpu.memory_space<hbm>>
      %dma_start3A_74 = arith.constant 0 : i32
      %dma_start3A_75 = tpu.memref_slice %arg4[%add3A_54, %dma_start3A_74] : memref<128x32768xf32, #tpu.memory_space<hbm>> -> memref<1x2048xf32, #tpu.memory_space<hbm>>
      %dma_start3A_76 = tpu.memref_squeeze %dma_start3A_75 : memref<1x2048xf32, #tpu.memory_space<hbm>> -> memref<2048xf32, #tpu.memory_space<hbm>>
      %dma_start3A_77 = arith.constant 0 : i32
      %dma_start3A_78 = tpu.memref_slice %arg8[%scan3A_52, %dma_start3A_77] : memref<4x2048xf32, #tpu.memory_space<vmem>> -> memref<1x2048xf32, #tpu.memory_space<vmem>>
      %dma_start3A_79 = tpu.memref_squeeze %dma_start3A_78 : memref<1x2048xf32, #tpu.memory_space<vmem>> -> memref<2048xf32, #tpu.memory_space<vmem>>
      tpu.enqueue_dma source(%dma_start3A_79 : memref<2048xf32, #tpu.memory_space<vmem>>) target(%dma_start3A_76 : memref<2048xf32, #tpu.memory_space<hbm>>) target_semaphore(%arg14 : memref<!tpu.dma_semaphore, #tpu.memory_space<semaphore_mem>>)
      %get3A_80 = arith.constant 0 : i32
      %get3A_81 = arith.index_cast %get3A_80 : i32 to index
      %get3A_82 = memref.load %arg9[%get3A_81] : memref<1xi32, #tpu.memory_space<smem>>
      %lt3A = arith.constant 32 : i32
      %lt3A_83 = arith.cmpi slt, %get3A_82, %lt3A : i32
      %convert_element_type3A_84 = arith.extui %lt3A_83 : i1 to i32
      %cond3A_85 = arith.constant 0 : i32
      %cond3A_86 = arith.cmpi ne, %convert_element_type3A_84, %cond3A_85 : i32
      scf.if %cond3A_86 {
        %dma_wait3A = arith.constant 0 : i32
        %dma_wait3A_88 = tpu.memref_slice %arg8[%scan3A_52, %dma_wait3A] : memref<4x2048xf32, #tpu.memory_space<vmem>> -> memref<1x2048xf32, #tpu.memory_space<vmem>>
        %dma_wait3A_89 = tpu.memref_squeeze %dma_wait3A_88 : memref<1x2048xf32, #tpu.memory_space<vmem>> -> memref<2048xf32, #tpu.memory_space<vmem>>
        %dma_wait3A_90 = arith.constant 0 : i32
        %dma_wait3A_91 = tpu.memref_slice %arg4[%add3A_54, %dma_wait3A_90] : memref<128x32768xf32, #tpu.memory_space<hbm>> -> memref<1x2048xf32, #tpu.memory_space<hbm>>
        %dma_wait3A_92 = tpu.memref_squeeze %dma_wait3A_91 : memref<1x2048xf32, #tpu.memory_space<hbm>> -> memref<2048xf32, #tpu.memory_space<hbm>>
        %dma_wait3A_93 = arith.constant 0 : i32
        %dma_wait3A_94 = tpu.memref_slice %arg4[%add3A_54, %dma_wait3A_93] : memref<128x32768xf32, #tpu.memory_space<hbm>> -> memref<1x2048xf32, #tpu.memory_space<hbm>>
        %dma_wait3A_95 = tpu.memref_squeeze %dma_wait3A_94 : memref<1x2048xf32, #tpu.memory_space<hbm>> -> memref<2048xf32, #tpu.memory_space<hbm>>
        %dma_wait3A_96 = arith.constant 0 : i32
        %dma_wait3A_97 = tpu.memref_slice %arg8[%scan3A_52, %dma_wait3A_96] : memref<4x2048xf32, #tpu.memory_space<vmem>> -> memref<1x2048xf32, #tpu.memory_space<vmem>>
        %dma_wait3A_98 = tpu.memref_squeeze %dma_wait3A_97 : memref<1x2048xf32, #tpu.memory_space<vmem>> -> memref<2048xf32, #tpu.memory_space<vmem>>
        tpu.wait_dma2 semaphore(%arg14 : memref<!tpu.dma_semaphore, #tpu.memory_space<semaphore_mem>>) src(%dma_wait3A_98 : memref<2048xf32, #tpu.memory_space<vmem>>) dst(%dma_wait3A_95 : memref<2048xf32, #tpu.memory_space<hbm>>)
        %swap3A_99 = arith.constant 1 : i32
        %swap3A_100 = arith.index_cast %scan3A_52 : i32 to index
        %swap3A_101 = memref.load %arg11[%swap3A_100] : memref<4xi32, #tpu.memory_space<smem>>
        memref.store %swap3A_99, %arg11[%swap3A_100] : memref<4xi32, #tpu.memory_space<smem>>
        %get3A_102 = arith.constant 0 : i32
        %get3A_103 = arith.index_cast %get3A_102 : i32 to index
        %get3A_104 = memref.load %arg10[%get3A_103] : memref<1xi32, #tpu.memory_space<smem>>
        %eq3A_105 = arith.constant 0 : i32
        %eq3A_106 = arith.cmpi eq, %get3A_104, %eq3A_105 : i32
        %convert_element_type3A_107 = arith.extui %eq3A_106 : i1 to i32
        %cond3A_108 = arith.constant 0 : i32
        %cond3A_109 = arith.cmpi ne, %convert_element_type3A_107, %cond3A_108 : i32
        scf.if %cond3A_109 {
          %scan3A_117 = arith.constant 0 : i32
          %scan3A_118 = arith.constant 0 : i32
          %scan3A_119 = arith.constant 4 : i32
          %scan3A_120 = arith.addi %scan3A_118, %scan3A_119 : i32
          %scan3A_121 = arith.constant 1 : i32
          %scan3A_122 = scf.for %scan3A_128 = %scan3A_118 to %scan3A_120 step %scan3A_121 iter_args(%scan3A_129 = %scan3A_117) -> (i32)  : i32 {
            %add3A_130 = arith.addi %mul3A_3, %scan3A_128 : i32
            %dma_wait3A_131 = arith.constant 0 : i32
            %dma_wait3A_132 = tpu.memref_slice %arg5[%dma_wait3A_131] : memref<7680xf32, #tpu.memory_space<vmem>> -> memref<7680xf32, #tpu.memory_space<vmem>>
            %dma_wait3A_133 = arith.constant 2048 : i32
            %dma_wait3A_134 = tpu.memref_slice %arg4[%add3A_130, %dma_wait3A_133] : memref<128x32768xf32, #tpu.memory_space<hbm>> -> memref<1x7680xf32, #tpu.memory_space<hbm>>
            %dma_wait3A_135 = tpu.memref_squeeze %dma_wait3A_134 : memref<1x7680xf32, #tpu.memory_space<hbm>> -> memref<7680xf32, #tpu.memory_space<hbm>>
            %dma_wait3A_136 = arith.constant 2048 : i32
            %dma_wait3A_137 = tpu.memref_slice %arg4[%add3A_130, %dma_wait3A_136] : memref<128x32768xf32, #tpu.memory_space<hbm>> -> memref<1x7680xf32, #tpu.memory_space<hbm>>
            %dma_wait3A_138 = tpu.memref_squeeze %dma_wait3A_137 : memref<1x7680xf32, #tpu.memory_space<hbm>> -> memref<7680xf32, #tpu.memory_space<hbm>>
            %dma_wait3A_139 = arith.constant 0 : i32
            %dma_wait3A_140 = tpu.memref_slice %arg5[%dma_wait3A_139] : memref<7680xf32, #tpu.memory_space<vmem>> -> memref<7680xf32, #tpu.memory_space<vmem>>
            tpu.wait_dma2 semaphore(%arg13 : memref<!tpu.dma_semaphore, #tpu.memory_space<semaphore_mem>>) src(%dma_wait3A_140 : memref<7680xf32, #tpu.memory_space<vmem>>) dst(%dma_wait3A_138 : memref<7680xf32, #tpu.memory_space<hbm>>)
            %dma_wait3A_141 = arith.constant 0 : i32
            %dma_wait3A_142 = tpu.memref_slice %arg5[%dma_wait3A_141] : memref<7680xf32, #tpu.memory_space<vmem>> -> memref<7680xf32, #tpu.memory_space<vmem>>
            %dma_wait3A_143 = arith.constant 9728 : i32
            %dma_wait3A_144 = tpu.memref_slice %arg4[%add3A_130, %dma_wait3A_143] : memref<128x32768xf32, #tpu.memory_space<hbm>> -> memref<1x7680xf32, #tpu.memory_space<hbm>>
            %dma_wait3A_145 = tpu.memref_squeeze %dma_wait3A_144 : memref<1x7680xf32, #tpu.memory_space<hbm>> -> memref<7680xf32, #tpu.memory_space<hbm>>
            %dma_wait3A_146 = arith.constant 9728 : i32
            %dma_wait3A_147 = tpu.memref_slice %arg4[%add3A_130, %dma_wait3A_146] : memref<128x32768xf32, #tpu.memory_space<hbm>> -> memref<1x7680xf32, #tpu.memory_space<hbm>>
            %dma_wait3A_148 = tpu.memref_squeeze %dma_wait3A_147 : memref<1x7680xf32, #tpu.memory_space<hbm>> -> memref<7680xf32, #tpu.memory_space<hbm>>
            %dma_wait3A_149 = arith.constant 0 : i32
            %dma_wait3A_150 = tpu.memref_slice %arg5[%dma_wait3A_149] : memref<7680xf32, #tpu.memory_space<vmem>> -> memref<7680xf32, #tpu.memory_space<vmem>>
            tpu.wait_dma2 semaphore(%arg13 : memref<!tpu.dma_semaphore, #tpu.memory_space<semaphore_mem>>) src(%dma_wait3A_150 : memref<7680xf32, #tpu.memory_space<vmem>>) dst(%dma_wait3A_148 : memref<7680xf32, #tpu.memory_space<hbm>>)
            %dma_wait3A_151 = arith.constant 0 : i32
            %dma_wait3A_152 = tpu.memref_slice %arg5[%dma_wait3A_151] : memref<7680xf32, #tpu.memory_space<vmem>> -> memref<7680xf32, #tpu.memory_space<vmem>>
            %dma_wait3A_153 = arith.constant 17408 : i32
            %dma_wait3A_154 = tpu.memref_slice %arg4[%add3A_130, %dma_wait3A_153] : memref<128x32768xf32, #tpu.memory_space<hbm>> -> memref<1x7680xf32, #tpu.memory_space<hbm>>
            %dma_wait3A_155 = tpu.memref_squeeze %dma_wait3A_154 : memref<1x7680xf32, #tpu.memory_space<hbm>> -> memref<7680xf32, #tpu.memory_space<hbm>>
            %dma_wait3A_156 = arith.constant 17408 : i32
            %dma_wait3A_157 = tpu.memref_slice %arg4[%add3A_130, %dma_wait3A_156] : memref<128x32768xf32, #tpu.memory_space<hbm>> -> memref<1x7680xf32, #tpu.memory_space<hbm>>
            %dma_wait3A_158 = tpu.memref_squeeze %dma_wait3A_157 : memref<1x7680xf32, #tpu.memory_space<hbm>> -> memref<7680xf32, #tpu.memory_space<hbm>>
            %dma_wait3A_159 = arith.constant 0 : i32
            %dma_wait3A_160 = tpu.memref_slice %arg5[%dma_wait3A_159] : memref<7680xf32, #tpu.memory_space<vmem>> -> memref<7680xf32, #tpu.memory_space<vmem>>
            tpu.wait_dma2 semaphore(%arg13 : memref<!tpu.dma_semaphore, #tpu.memory_space<semaphore_mem>>) src(%dma_wait3A_160 : memref<7680xf32, #tpu.memory_space<vmem>>) dst(%dma_wait3A_158 : memref<7680xf32, #tpu.memory_space<hbm>>)
            %dma_wait3A_161 = arith.constant 0 : i32
            %dma_wait3A_162 = tpu.memref_slice %arg5[%dma_wait3A_161] : memref<7680xf32, #tpu.memory_space<vmem>> -> memref<7680xf32, #tpu.memory_space<vmem>>
            %dma_wait3A_163 = arith.constant 25088 : i32
            %dma_wait3A_164 = tpu.memref_slice %arg4[%add3A_130, %dma_wait3A_163] : memref<128x32768xf32, #tpu.memory_space<hbm>> -> memref<1x7680xf32, #tpu.memory_space<hbm>>
            %dma_wait3A_165 = tpu.memref_squeeze %dma_wait3A_164 : memref<1x7680xf32, #tpu.memory_space<hbm>> -> memref<7680xf32, #tpu.memory_space<hbm>>
            %dma_wait3A_166 = arith.constant 25088 : i32
            %dma_wait3A_167 = tpu.memref_slice %arg4[%add3A_130, %dma_wait3A_166] : memref<128x32768xf32, #tpu.memory_space<hbm>> -> memref<1x7680xf32, #tpu.memory_space<hbm>>
            %dma_wait3A_168 = tpu.memref_squeeze %dma_wait3A_167 : memref<1x7680xf32, #tpu.memory_space<hbm>> -> memref<7680xf32, #tpu.memory_space<hbm>>
            %dma_wait3A_169 = arith.constant 0 : i32
            %dma_wait3A_170 = tpu.memref_slice %arg5[%dma_wait3A_169] : memref<7680xf32, #tpu.memory_space<vmem>> -> memref<7680xf32, #tpu.memory_space<vmem>>
            tpu.wait_dma2 semaphore(%arg13 : memref<!tpu.dma_semaphore, #tpu.memory_space<semaphore_mem>>) src(%dma_wait3A_170 : memref<7680xf32, #tpu.memory_space<vmem>>) dst(%dma_wait3A_168 : memref<7680xf32, #tpu.memory_space<hbm>>)
            %scan3A_171 = arith.constant 0 : i32
            scf.yield %scan3A_171 : i32
          }
          %scan3A_123 = arith.constant 4 : i32
          %swap3A_124 = arith.constant 1 : i32
          %swap3A_125 = arith.constant 0 : i32
          %swap3A_126 = arith.index_cast %swap3A_125 : i32 to index
          %swap3A_127 = memref.load %arg10[%swap3A_126] : memref<1xi32, #tpu.memory_space<smem>>
          memref.store %swap3A_124, %arg10[%swap3A_126] : memref<1xi32, #tpu.memory_space<smem>>
        } else {
        }
        %scan3A_110 = arith.constant 0 : i32
        %scan3A_111 = arith.constant 1 : i32
        %scan3A_112 = arith.constant 15 : i32
        %scan3A_113 = arith.addi %scan3A_111, %scan3A_112 : i32
        %scan3A_114 = arith.constant 1 : i32
        %scan3A_115 = scf.for %scan3A_117 = %scan3A_111 to %scan3A_113 step %scan3A_114 iter_args(%scan3A_118 = %scan3A_110) -> (i32)  : i32 {
          %get3A_119 = arith.constant 0 : i32
          %get3A_120 = arith.index_cast %get3A_119 : i32 to index
          %get3A_121 = memref.load %arg9[%get3A_120] : memref<1xi32, #tpu.memory_space<smem>>
          %lt3A_122 = arith.constant 32 : i32
          %lt3A_123 = arith.cmpi slt, %get3A_121, %lt3A_122 : i32
          %convert_element_type3A_124 = arith.extui %lt3A_123 : i1 to i32
          %cond3A_125 = arith.constant 0 : i32
          %cond3A_126 = arith.cmpi ne, %convert_element_type3A_124, %cond3A_125 : i32
          scf.if %cond3A_126 {
            %mul3A_128 = arith.constant 2048 : i32
            %mul3A_129 = arith.muli %scan3A_117, %mul3A_128 : i32
            "tpu.region"() ({
              %run_scoped3A = tpu.sem_alloc : memref<!tpu.dma_semaphore, #tpu.memory_space<semaphore_mem>>
              %dma_start3A_141 = arith.constant 0 : i32
              %dma_start3A_142 = tpu.memref_slice %arg6[%scan3A_52, %dma_start3A_141] : memref<4x2048xf32, #tpu.memory_space<vmem>> -> memref<1x2048xf32, #tpu.memory_space<vmem>>
              %dma_start3A_143 = tpu.memref_squeeze %dma_start3A_142 : memref<1x2048xf32, #tpu.memory_space<vmem>> -> memref<2048xf32, #tpu.memory_space<vmem>>
              %dma_start3A_144 = tpu.memref_slice %arg2[%add3A_54, %mul3A_129] : memref<128x32768xf32, #tpu.memory_space<hbm>> -> memref<1x2048xf32, #tpu.memory_space<hbm>>
              %dma_start3A_145 = tpu.memref_squeeze %dma_start3A_144 : memref<1x2048xf32, #tpu.memory_space<hbm>> -> memref<2048xf32, #tpu.memory_space<hbm>>
              %dma_start3A_146 = arith.constant 0 : i32
              %dma_start3A_147 = tpu.memref_slice %arg6[%scan3A_52, %dma_start3A_146] : memref<4x2048xf32, #tpu.memory_space<vmem>> -> memref<1x2048xf32, #tpu.memory_space<vmem>>
              %dma_start3A_148 = tpu.memref_squeeze %dma_start3A_147 : memref<1x2048xf32, #tpu.memory_space<vmem>> -> memref<2048xf32, #tpu.memory_space<vmem>>
              %dma_start3A_149 = tpu.memref_slice %arg2[%add3A_54, %mul3A_129] : memref<128x32768xf32, #tpu.memory_space<hbm>> -> memref<1x2048xf32, #tpu.memory_space<hbm>>
              %dma_start3A_150 = tpu.memref_squeeze %dma_start3A_149 : memref<1x2048xf32, #tpu.memory_space<hbm>> -> memref<2048xf32, #tpu.memory_space<hbm>>
              tpu.enqueue_dma source(%dma_start3A_150 : memref<2048xf32, #tpu.memory_space<hbm>>) target(%dma_start3A_148 : memref<2048xf32, #tpu.memory_space<vmem>>) target_semaphore(%run_scoped3A : memref<!tpu.dma_semaphore, #tpu.memory_space<semaphore_mem>>)
              %dma_wait3A_151 = arith.constant 0 : i32
              %dma_wait3A_152 = tpu.memref_slice %arg6[%scan3A_52, %dma_wait3A_151] : memref<4x2048xf32, #tpu.memory_space<vmem>> -> memref<1x2048xf32, #tpu.memory_space<vmem>>
              %dma_wait3A_153 = tpu.memref_squeeze %dma_wait3A_152 : memref<1x2048xf32, #tpu.memory_space<vmem>> -> memref<2048xf32, #tpu.memory_space<vmem>>
              %dma_wait3A_154 = tpu.memref_slice %arg2[%add3A_54, %mul3A_129] : memref<128x32768xf32, #tpu.memory_space<hbm>> -> memref<1x2048xf32, #tpu.memory_space<hbm>>
              %dma_wait3A_155 = tpu.memref_squeeze %dma_wait3A_154 : memref<1x2048xf32, #tpu.memory_space<hbm>> -> memref<2048xf32, #tpu.memory_space<hbm>>
              %dma_wait3A_156 = arith.constant 0 : i32
              %dma_wait3A_157 = tpu.memref_slice %arg6[%scan3A_52, %dma_wait3A_156] : memref<4x2048xf32, #tpu.memory_space<vmem>> -> memref<1x2048xf32, #tpu.memory_space<vmem>>
              %dma_wait3A_158 = tpu.memref_squeeze %dma_wait3A_157 : memref<1x2048xf32, #tpu.memory_space<vmem>> -> memref<2048xf32, #tpu.memory_space<vmem>>
              %dma_wait3A_159 = tpu.memref_slice %arg2[%add3A_54, %mul3A_129] : memref<128x32768xf32, #tpu.memory_space<hbm>> -> memref<1x2048xf32, #tpu.memory_space<hbm>>
              %dma_wait3A_160 = tpu.memref_squeeze %dma_wait3A_159 : memref<1x2048xf32, #tpu.memory_space<hbm>> -> memref<2048xf32, #tpu.memory_space<hbm>>
              tpu.wait_dma2 semaphore(%run_scoped3A : memref<!tpu.dma_semaphore, #tpu.memory_space<semaphore_mem>>) src(%dma_wait3A_160 : memref<2048xf32, #tpu.memory_space<hbm>>) dst(%dma_wait3A_158 : memref<2048xf32, #tpu.memory_space<vmem>>)
              tpu.yield
            }) : () -> ()
            %mul3A_130 = arith.constant 2048 : i32
            %mul3A_131 = arith.muli %scan3A_117, %mul3A_130 : i32
            "tpu.region"() ({
              %run_scoped3A = tpu.sem_alloc : memref<!tpu.dma_semaphore, #tpu.memory_space<semaphore_mem>>
              %dma_start3A_141 = arith.constant 0 : i32
              %dma_start3A_142 = tpu.memref_slice %arg7[%scan3A_52, %dma_start3A_141] : memref<4x2048xf32, #tpu.memory_space<vmem>> -> memref<1x2048xf32, #tpu.memory_space<vmem>>
              %dma_start3A_143 = tpu.memref_squeeze %dma_start3A_142 : memref<1x2048xf32, #tpu.memory_space<vmem>> -> memref<2048xf32, #tpu.memory_space<vmem>>
              %dma_start3A_144 = tpu.memref_slice %arg3[%add3A_54, %mul3A_131] : memref<128x32768xf32, #tpu.memory_space<hbm>> -> memref<1x2048xf32, #tpu.memory_space<hbm>>
              %dma_start3A_145 = tpu.memref_squeeze %dma_start3A_144 : memref<1x2048xf32, #tpu.memory_space<hbm>> -> memref<2048xf32, #tpu.memory_space<hbm>>
              %dma_start3A_146 = arith.constant 0 : i32
              %dma_start3A_147 = tpu.memref_slice %arg7[%scan3A_52, %dma_start3A_146] : memref<4x2048xf32, #tpu.memory_space<vmem>> -> memref<1x2048xf32, #tpu.memory_space<vmem>>
              %dma_start3A_148 = tpu.memref_squeeze %dma_start3A_147 : memref<1x2048xf32, #tpu.memory_space<vmem>> -> memref<2048xf32, #tpu.memory_space<vmem>>
              %dma_start3A_149 = tpu.memref_slice %arg3[%add3A_54, %mul3A_131] : memref<128x32768xf32, #tpu.memory_space<hbm>> -> memref<1x2048xf32, #tpu.memory_space<hbm>>
              %dma_start3A_150 = tpu.memref_squeeze %dma_start3A_149 : memref<1x2048xf32, #tpu.memory_space<hbm>> -> memref<2048xf32, #tpu.memory_space<hbm>>
              tpu.enqueue_dma source(%dma_start3A_150 : memref<2048xf32, #tpu.memory_space<hbm>>) target(%dma_start3A_148 : memref<2048xf32, #tpu.memory_space<vmem>>) target_semaphore(%run_scoped3A : memref<!tpu.dma_semaphore, #tpu.memory_space<semaphore_mem>>)
              %dma_wait3A_151 = arith.constant 0 : i32
              %dma_wait3A_152 = tpu.memref_slice %arg7[%scan3A_52, %dma_wait3A_151] : memref<4x2048xf32, #tpu.memory_space<vmem>> -> memref<1x2048xf32, #tpu.memory_space<vmem>>
              %dma_wait3A_153 = tpu.memref_squeeze %dma_wait3A_152 : memref<1x2048xf32, #tpu.memory_space<vmem>> -> memref<2048xf32, #tpu.memory_space<vmem>>
              %dma_wait3A_154 = tpu.memref_slice %arg3[%add3A_54, %mul3A_131] : memref<128x32768xf32, #tpu.memory_space<hbm>> -> memref<1x2048xf32, #tpu.memory_space<hbm>>
              %dma_wait3A_155 = tpu.memref_squeeze %dma_wait3A_154 : memref<1x2048xf32, #tpu.memory_space<hbm>> -> memref<2048xf32, #tpu.memory_space<hbm>>
              %dma_wait3A_156 = arith.constant 0 : i32
              %dma_wait3A_157 = tpu.memref_slice %arg7[%scan3A_52, %dma_wait3A_156] : memref<4x2048xf32, #tpu.memory_space<vmem>> -> memref<1x2048xf32, #tpu.memory_space<vmem>>
              %dma_wait3A_158 = tpu.memref_squeeze %dma_wait3A_157 : memref<1x2048xf32, #tpu.memory_space<vmem>> -> memref<2048xf32, #tpu.memory_space<vmem>>
              %dma_wait3A_159 = tpu.memref_slice %arg3[%add3A_54, %mul3A_131] : memref<128x32768xf32, #tpu.memory_space<hbm>> -> memref<1x2048xf32, #tpu.memory_space<hbm>>
              %dma_wait3A_160 = tpu.memref_squeeze %dma_wait3A_159 : memref<1x2048xf32, #tpu.memory_space<hbm>> -> memref<2048xf32, #tpu.memory_space<hbm>>
              tpu.wait_dma2 semaphore(%run_scoped3A : memref<!tpu.dma_semaphore, #tpu.memory_space<semaphore_mem>>) src(%dma_wait3A_160 : memref<2048xf32, #tpu.memory_space<hbm>>) dst(%dma_wait3A_158 : memref<2048xf32, #tpu.memory_space<vmem>>)
              tpu.yield
            }) : () -> ()
            %scan3A_132 = arith.constant 0 : i32
            %scan3A_133 = arith.constant 0 : i32
            %scan3A_134 = arith.constant 16 : i32
            %scan3A_135 = arith.addi %scan3A_133, %scan3A_134 : i32
            %scan3A_136 = arith.constant 1 : i32
            %scan3A_137 = scf.for %scan3A_141 = %scan3A_133 to %scan3A_135 step %scan3A_136 iter_args(%scan3A_142 = %scan3A_132) -> (i32)  : i32 {
              %get3A_143 = arith.constant 0 : i32
              %get3A_144 = arith.index_cast %get3A_143 : i32 to index
              %get3A_145 = memref.load %arg9[%get3A_144] : memref<1xi32, #tpu.memory_space<smem>>
              %lt3A_146 = arith.constant 32 : i32
              %lt3A_147 = arith.cmpi slt, %get3A_145, %lt3A_146 : i32
              %convert_element_type3A_148 = arith.extui %lt3A_147 : i1 to i32
              %cond3A_149 = arith.constant 0 : i32
              %cond3A_150 = arith.cmpi ne, %convert_element_type3A_148, %cond3A_149 : i32
              scf.if %cond3A_150 {
                %get3A_156 = arith.constant 0 : i32
                %get3A_157 = arith.index_cast %get3A_156 : i32 to index
                %get3A_158 = memref.load %arg9[%get3A_157] : memref<1xi32, #tpu.memory_space<smem>>
                %broadcast_in_dim3A_159 = arith.constant 0 : i32
                %broadcast_in_dim3A_160 = vector.broadcast %broadcast_in_dim3A_159 : i32 to vector<16xi32>
                %mul3A_161 = arith.constant 128 : i32
                %mul3A_162 = arith.muli %scan3A_141, %mul3A_161 : i32
                %add3A_163 = arith.constant 0 : i32
                %add3A_164 = arith.addi %mul3A_162, %add3A_163 : i32
                %get3A_165 = arith.index_cast %scan3A_52 : i32 to index
                %get3A_166 = arith.index_cast %add3A_164 : i32 to index
                %get3A_167 = tpu.vector_load %arg6[%get3A_165, %get3A_166] {strides = array<i32>} : memref<4x2048xf32, #tpu.memory_space<vmem>>, vector<16xf32>,
                %get3A_168 = arith.index_cast %scan3A_52 : i32 to index
                %get3A_169 = arith.index_cast %add3A_164 : i32 to index
                %get3A_170 = tpu.vector_load %arg7[%get3A_168, %get3A_169] {strides = array<i32>} : memref<4x2048xf32, #tpu.memory_space<vmem>>, vector<16xf32>,
                %gt3A = arith.constant 5.000000e-01 : f32
                %gt3A_171 = vector.broadcast %gt3A : f32 to vector<16xf32>
                %gt3A_172 = arith.cmpf ogt, %get3A_170, %gt3A_171 : vector<16xf32>
                %gt3A_173 = arith.constant 0.000000e+00 : f32
                %gt3A_174 = vector.broadcast %gt3A_173 : f32 to vector<16xf32>
                %gt3A_175 = arith.cmpf ogt, %get3A_167, %gt3A_174 : vector<16xf32>
                %and3A = arith.andi %gt3A_172, %gt3A_175 : vector<16xi1>
                %all_reduce_population_count3A = tpu.all_reduce %and3A {dim = 0 : i64, kind = #tpu.reduction_kind<sum>} : vector<16xi1> -> vector<16xi32>
                %add3A_176 = arith.addi %broadcast_in_dim3A_160, %all_reduce_population_count3A : vector<16xi32>
                %mul3A_177 = arith.constant 128 : i32
                %mul3A_178 = arith.muli %scan3A_141, %mul3A_177 : i32
                %add3A_179 = arith.constant 16 : i32
                %add3A_180 = arith.addi %mul3A_178, %add3A_179 : i32
                %get3A_181 = arith.index_cast %scan3A_52 : i32 to index
                %get3A_182 = arith.index_cast %add3A_180 : i32 to index
                %get3A_183 = tpu.vector_load %arg6[%get3A_181, %get3A_182] {strides = array<i32>} : memref<4x2048xf32, #tpu.memory_space<vmem>>, vector<16xf32>,
                %get3A_184 = arith.index_cast %scan3A_52 : i32 to index
                %get3A_185 = arith.index_cast %add3A_180 : i32 to index
                %get3A_186 = tpu.vector_load %arg7[%get3A_184, %get3A_185] {strides = array<i32>} : memref<4x2048xf32, #tpu.memory_space<vmem>>, vector<16xf32>,
                %gt3A_187 = arith.constant 5.000000e-01 : f32
                %gt3A_188 = vector.broadcast %gt3A_187 : f32 to vector<16xf32>
                %gt3A_189 = arith.cmpf ogt, %get3A_186, %gt3A_188 : vector<16xf32>
                %gt3A_190 = arith.constant 0.000000e+00 : f32
                %gt3A_191 = vector.broadcast %gt3A_190 : f32 to vector<16xf32>
                %gt3A_192 = arith.cmpf ogt, %get3A_183, %gt3A_191 : vector<16xf32>
                %and3A_193 = arith.andi %gt3A_189, %gt3A_192 : vector<16xi1>
                %all_reduce_population_count3A_194 = tpu.all_reduce %and3A_193 {dim = 0 : i64, kind = #tpu.reduction_kind<sum>} : vector<16xi1> -> vector<16xi32>
                %add3A_195 = arith.addi %add3A_176, %all_reduce_population_count3A_194 : vector<16xi32>
                %mul3A_196 = arith.constant 128 : i32
                %mul3A_197 = arith.muli %scan3A_141, %mul3A_196 : i32
                %add3A_198 = arith.constant 32 : i32
                %add3A_199 = arith.addi %mul3A_197, %add3A_198 : i32
                %get3A_200 = arith.index_cast %scan3A_52 : i32 to index
                %get3A_201 = arith.index_cast %add3A_199 : i32 to index
                %get3A_202 = tpu.vector_load %arg6[%get3A_200, %get3A_201] {strides = array<i32>} : memref<4x2048xf32, #tpu.memory_space<vmem>>, vector<16xf32>,
                %get3A_203 = arith.index_cast %scan3A_52 : i32 to index
                %get3A_204 = arith.index_cast %add3A_199 : i32 to index
                %get3A_205 = tpu.vector_load %arg7[%get3A_203, %get3A_204] {strides = array<i32>} : memref<4x2048xf32, #tpu.memory_space<vmem>>, vector<16xf32>,
                %gt3A_206 = arith.constant 5.000000e-01 : f32
                %gt3A_207 = vector.broadcast %gt3A_206 : f32 to vector<16xf32>
                %gt3A_208 = arith.cmpf ogt, %get3A_205, %gt3A_207 : vector<16xf32>
                %gt3A_209 = arith.constant 0.000000e+00 : f32
                %gt3A_210 = vector.broadcast %gt3A_209 : f32 to vector<16xf32>
                %gt3A_211 = arith.cmpf ogt, %get3A_202, %gt3A_210 : vector<16xf32>
                %and3A_212 = arith.andi %gt3A_208, %gt3A_211 : vector<16xi1>
                %all_reduce_population_count3A_213 = tpu.all_reduce %and3A_212 {dim = 0 : i64, kind = #tpu.reduction_kind<sum>} : vector<16xi1> -> vector<16xi32>
                %add3A_214 = arith.addi %add3A_195, %all_reduce_population_count3A_213 : vector<16xi32>
                %mul3A_215 = arith.constant 128 : i32
                %mul3A_216 = arith.muli %scan3A_141, %mul3A_215 : i32
                %add3A_217 = arith.constant 48 : i32
                %add3A_218 = arith.addi %mul3A_216, %add3A_217 : i32
                %get3A_219 = arith.index_cast %scan3A_52 : i32 to index
                %get3A_220 = arith.index_cast %add3A_218 : i32 to index
                %get3A_221 = tpu.vector_load %arg6[%get3A_219, %get3A_220] {strides = array<i32>} : memref<4x2048xf32, #tpu.memory_space<vmem>>, vector<16xf32>,
                %get3A_222 = arith.index_cast %scan3A_52 : i32 to index
                %get3A_223 = arith.index_cast %add3A_218 : i32 to index
                %get3A_224 = tpu.vector_load %arg7[%get3A_222, %get3A_223] {strides = array<i32>} : memref<4x2048xf32, #tpu.memory_space<vmem>>, vector<16xf32>,
                %gt3A_225 = arith.constant 5.000000e-01 : f32
                %gt3A_226 = vector.broadcast %gt3A_225 : f32 to vector<16xf32>
                %gt3A_227 = arith.cmpf ogt, %get3A_224, %gt3A_226 : vector<16xf32>
                %gt3A_228 = arith.constant 0.000000e+00 : f32
                %gt3A_229 = vector.broadcast %gt3A_228 : f32 to vector<16xf32>
                %gt3A_230 = arith.cmpf ogt, %get3A_221, %gt3A_229 : vector<16xf32>
                %and3A_231 = arith.andi %gt3A_227, %gt3A_230 : vector<16xi1>
                %all_reduce_population_count3A_232 = tpu.all_reduce %and3A_231 {dim = 0 : i64, kind = #tpu.reduction_kind<sum>} : vector<16xi1> -> vector<16xi32>
                %add3A_233 = arith.addi %add3A_214, %all_reduce_population_count3A_232 : vector<16xi32>
                %mul3A_234 = arith.constant 128 : i32
                %mul3A_235 = arith.muli %scan3A_141, %mul3A_234 : i32
                %add3A_236 = arith.constant 64 : i32
                %add3A_237 = arith.addi %mul3A_235, %add3A_236 : i32
                %get3A_238 = arith.index_cast %scan3A_52 : i32 to index
                %get3A_239 = arith.index_cast %add3A_237 : i32 to index
                %get3A_240 = tpu.vector_load %arg6[%get3A_238, %get3A_239] {strides = array<i32>} : memref<4x2048xf32, #tpu.memory_space<vmem>>, vector<16xf32>,
                %get3A_241 = arith.index_cast %scan3A_52 : i32 to index
                %get3A_242 = arith.index_cast %add3A_237 : i32 to index
                %get3A_243 = tpu.vector_load %arg7[%get3A_241, %get3A_242] {strides = array<i32>} : memref<4x2048xf32, #tpu.memory_space<vmem>>, vector<16xf32>,
                %gt3A_244 = arith.constant 5.000000e-01 : f32
                %gt3A_245 = vector.broadcast %gt3A_244 : f32 to vector<16xf32>
                %gt3A_246 = arith.cmpf ogt, %get3A_243, %gt3A_245 : vector<16xf32>
                %gt3A_247 = arith.constant 0.000000e+00 : f32
                %gt3A_248 = vector.broadcast %gt3A_247 : f32 to vector<16xf32>
                %gt3A_249 = arith.cmpf ogt, %get3A_240, %gt3A_248 : vector<16xf32>
                %and3A_250 = arith.andi %gt3A_246, %gt3A_249 : vector<16xi1>
                %all_reduce_population_count3A_251 = tpu.all_reduce %and3A_250 {dim = 0 : i64, kind = #tpu.reduction_kind<sum>} : vector<16xi1> -> vector<16xi32>
                %add3A_252 = arith.addi %add3A_233, %all_reduce_population_count3A_251 : vector<16xi32>
                %mul3A_253 = arith.constant 128 : i32
                %mul3A_254 = arith.muli %scan3A_141, %mul3A_253 : i32
                %add3A_255 = arith.constant 80 : i32
                %add3A_256 = arith.addi %mul3A_254, %add3A_255 : i32
                %get3A_257 = arith.index_cast %scan3A_52 : i32 to index
                %get3A_258 = arith.index_cast %add3A_256 : i32 to index
                %get3A_259 = tpu.vector_load %arg6[%get3A_257, %get3A_258] {strides = array<i32>} : memref<4x2048xf32, #tpu.memory_space<vmem>>, vector<16xf32>,
                %get3A_260 = arith.index_cast %scan3A_52 : i32 to index
                %get3A_261 = arith.index_cast %add3A_256 : i32 to index
                %get3A_262 = tpu.vector_load %arg7[%get3A_260, %get3A_261] {strides = array<i32>} : memref<4x2048xf32, #tpu.memory_space<vmem>>, vector<16xf32>,
                %gt3A_263 = arith.constant 5.000000e-01 : f32
                %gt3A_264 = vector.broadcast %gt3A_263 : f32 to vector<16xf32>
                %gt3A_265 = arith.cmpf ogt, %get3A_262, %gt3A_264 : vector<16xf32>
                %gt3A_266 = arith.constant 0.000000e+00 : f32
                %gt3A_267 = vector.broadcast %gt3A_266 : f32 to vector<16xf32>
                %gt3A_268 = arith.cmpf ogt, %get3A_259, %gt3A_267 : vector<16xf32>
                %and3A_269 = arith.andi %gt3A_265, %gt3A_268 : vector<16xi1>
                %all_reduce_population_count3A_270 = tpu.all_reduce %and3A_269 {dim = 0 : i64, kind = #tpu.reduction_kind<sum>} : vector<16xi1> -> vector<16xi32>
                %add3A_271 = arith.addi %add3A_252, %all_reduce_population_count3A_270 : vector<16xi32>
                %mul3A_272 = arith.constant 128 : i32
                %mul3A_273 = arith.muli %scan3A_141, %mul3A_272 : i32
                %add3A_274 = arith.constant 96 : i32
                %add3A_275 = arith.addi %mul3A_273, %add3A_274 : i32
                %get3A_276 = arith.index_cast %scan3A_52 : i32 to index
                %get3A_277 = arith.index_cast %add3A_275 : i32 to index
                %get3A_278 = tpu.vector_load %arg6[%get3A_276, %get3A_277] {strides = array<i32>} : memref<4x2048xf32, #tpu.memory_space<vmem>>, vector<16xf32>,
                %get3A_279 = arith.index_cast %scan3A_52 : i32 to index
                %get3A_280 = arith.index_cast %add3A_275 : i32 to index
                %get3A_281 = tpu.vector_load %arg7[%get3A_279, %get3A_280] {strides = array<i32>} : memref<4x2048xf32, #tpu.memory_space<vmem>>, vector<16xf32>,
                %gt3A_282 = arith.constant 5.000000e-01 : f32
                %gt3A_283 = vector.broadcast %gt3A_282 : f32 to vector<16xf32>
                %gt3A_284 = arith.cmpf ogt, %get3A_281, %gt3A_283 : vector<16xf32>
                %gt3A_285 = arith.constant 0.000000e+00 : f32
                %gt3A_286 = vector.broadcast %gt3A_285 : f32 to vector<16xf32>
                %gt3A_287 = arith.cmpf ogt, %get3A_278, %gt3A_286 : vector<16xf32>
                %and3A_288 = arith.andi %gt3A_284, %gt3A_287 : vector<16xi1>
                %all_reduce_population_count3A_289 = tpu.all_reduce %and3A_288 {dim = 0 : i64, kind = #tpu.reduction_kind<sum>} : vector<16xi1> -> vector<16xi32>
                %add3A_290 = arith.addi %add3A_271, %all_reduce_population_count3A_289 : vector<16xi32>
                %mul3A_291 = arith.constant 128 : i32
                %mul3A_292 = arith.muli %scan3A_141, %mul3A_291 : i32
                %add3A_293 = arith.constant 112 : i32
                %add3A_294 = arith.addi %mul3A_292, %add3A_293 : i32
                %get3A_295 = arith.index_cast %scan3A_52 : i32 to index
                %get3A_296 = arith.index_cast %add3A_294 : i32 to index
                %get3A_297 = tpu.vector_load %arg6[%get3A_295, %get3A_296] {strides = array<i32>} : memref<4x2048xf32, #tpu.memory_space<vmem>>, vector<16xf32>,
                %get3A_298 = arith.index_cast %scan3A_52 : i32 to index
                %get3A_299 = arith.index_cast %add3A_294 : i32 to index
                %get3A_300 = tpu.vector_load %arg7[%get3A_298, %get3A_299] {strides = array<i32>} : memref<4x2048xf32, #tpu.memory_space<vmem>>, vector<16xf32>,
                %gt3A_301 = arith.constant 5.000000e-01 : f32
                %gt3A_302 = vector.broadcast %gt3A_301 : f32 to vector<16xf32>
                %gt3A_303 = arith.cmpf ogt, %get3A_300, %gt3A_302 : vector<16xf32>
                %gt3A_304 = arith.constant 0.000000e+00 : f32
                %gt3A_305 = vector.broadcast %gt3A_304 : f32 to vector<16xf32>
                %gt3A_306 = arith.cmpf ogt, %get3A_297, %gt3A_305 : vector<16xf32>
                %and3A_307 = arith.andi %gt3A_303, %gt3A_306 : vector<16xi1>
                %all_reduce_population_count3A_308 = tpu.all_reduce %and3A_307 {dim = 0 : i64, kind = #tpu.reduction_kind<sum>} : vector<16xi1> -> vector<16xi32>
                %add3A_309 = arith.addi %add3A_290, %all_reduce_population_count3A_308 : vector<16xi32>
                %reduce_max3A = arith.constant true
                %reduce_max3A_310 = vector.broadcast %reduce_max3A : i1 to vector<16xi1>
                %reduce_max3A_311 = arith.constant -2147483648 : i32
                %reduce_max3A_312 = vector.broadcast %reduce_max3A_311 : i32 to vector<16xi32>
                %reduce_max3A_313 = arith.xori %add3A_309, %reduce_max3A_312 : vector<16xi32>
                %reduce_max3A_314 = tpu.scan <max>, %reduce_max3A_313 masked %reduce_max3A_310 : vector<16xi32>, vector<16xi1> -> vector<16xi32>
                %reduce_max3A_315 = arith.xori %reduce_max3A_314, %reduce_max3A_312 : vector<16xi32>
                %reduce_max3A_316 = vector.extract %reduce_max3A_315[15] : i32 from vector<16xi32>
                %add3A_317 = arith.addi %get3A_158, %reduce_max3A_316 : i32
                %gt3A_318 = arith.constant 32 : i32
                %gt3A_319 = arith.cmpi sgt, %add3A_317, %gt3A_318 : i32
                %not3A_320 = arith.constant true
                %not3A_321 = arith.xori %gt3A_319, %not3A_320 : i1
                %convert_element_type3A_322 = arith.extui %not3A_321 : i1 to i32
                %cond3A_323 = arith.constant 0 : i32
                %cond3A_324 = arith.cmpi ne, %convert_element_type3A_322, %cond3A_323 : i32
                scf.if %cond3A_324 {
                  %jit3A = arith.constant 1.000000e+00 : f32
                  %jit3A_328 = arith.constant 0.000000e+00 : f32
                  %broadcast_in_dim3A_329 = vector.broadcast %jit3A : f32 to vector<16xf32>
                  %broadcast_in_dim3A_330 = vector.broadcast %jit3A_328 : f32 to vector<16xf32>
                  %select_n3A = arith.select %and3A, %broadcast_in_dim3A_329, %broadcast_in_dim3A_330 : vector<16xi1>, vector<16xf32>
                  %mul3A_331 = arith.constant 128 : i32
                  %mul3A_332 = arith.muli %scan3A_141, %mul3A_331 : i32
                  %add3A_333 = arith.constant 0 : i32
                  %add3A_334 = arith.addi %mul3A_332, %add3A_333 : i32
                  %swap3A_335 = arith.index_cast %scan3A_52 : i32 to index
                  %swap3A_336 = arith.index_cast %add3A_334 : i32 to index
                  %swap3A_337 = tpu.vector_load %arg8[%swap3A_335, %swap3A_336] {strides = array<i32>} : memref<4x2048xf32, #tpu.memory_space<vmem>>, vector<16xf32>,
                  tpu.vector_store %arg8[%swap3A_335, %swap3A_336], %select_n3A {strides = array<i32>} : memref<4x2048xf32, #tpu.memory_space<vmem>>, vector<16xf32>,
                  %jit3A_338 = arith.constant 1.000000e+00 : f32
                  %jit3A_339 = arith.constant 0.000000e+00 : f32
                  %broadcast_in_dim3A_340 = vector.broadcast %jit3A_338 : f32 to vector<16xf32>
                  %broadcast_in_dim3A_341 = vector.broadcast %jit3A_339 : f32 to vector<16xf32>
                  %select_n3A_342 = arith.select %and3A_193, %broadcast_in_dim3A_340, %broadcast_in_dim3A_341 : vector<16xi1>, vector<16xf32>
                  %mul3A_343 = arith.constant 128 : i32
                  %mul3A_344 = arith.muli %scan3A_141, %mul3A_343 : i32
                  %add3A_345 = arith.constant 16 : i32
                  %add3A_346 = arith.addi %mul3A_344, %add3A_345 : i32
                  %swap3A_347 = arith.index_cast %scan3A_52 : i32 to index
                  %swap3A_348 = arith.index_cast %add3A_346 : i32 to index
                  %swap3A_349 = tpu.vector_load %arg8[%swap3A_347, %swap3A_348] {strides = array<i32>} : memref<4x2048xf32, #tpu.memory_space<vmem>>, vector<16xf32>,
                  tpu.vector_store %arg8[%swap3A_347, %swap3A_348], %select_n3A_342 {strides = array<i32>} : memref<4x2048xf32, #tpu.memory_space<vmem>>, vector<16xf32>,
                  %jit3A_350 = arith.constant 1.000000e+00 : f32
                  %jit3A_351 = arith.constant 0.000000e+00 : f32
                  %broadcast_in_dim3A_352 = vector.broadcast %jit3A_350 : f32 to vector<16xf32>
                  %broadcast_in_dim3A_353 = vector.broadcast %jit3A_351 : f32 to vector<16xf32>
                  %select_n3A_354 = arith.select %and3A_212, %broadcast_in_dim3A_352, %broadcast_in_dim3A_353 : vector<16xi1>, vector<16xf32>
                  %mul3A_355 = arith.constant 128 : i32
                  %mul3A_356 = arith.muli %scan3A_141, %mul3A_355 : i32
                  %add3A_357 = arith.constant 32 : i32
                  %add3A_358 = arith.addi %mul3A_356, %add3A_357 : i32
                  %swap3A_359 = arith.index_cast %scan3A_52 : i32 to index
                  %swap3A_360 = arith.index_cast %add3A_358 : i32 to index
                  %swap3A_361 = tpu.vector_load %arg8[%swap3A_359, %swap3A_360] {strides = array<i32>} : memref<4x2048xf32, #tpu.memory_space<vmem>>, vector<16xf32>,
                  tpu.vector_store %arg8[%swap3A_359, %swap3A_360], %select_n3A_354 {strides = array<i32>} : memref<4x2048xf32, #tpu.memory_space<vmem>>, vector<16xf32>,
                  %jit3A_362 = arith.constant 1.000000e+00 : f32
                  %jit3A_363 = arith.constant 0.000000e+00 : f32
                  %broadcast_in_dim3A_364 = vector.broadcast %jit3A_362 : f32 to vector<16xf32>
                  %broadcast_in_dim3A_365 = vector.broadcast %jit3A_363 : f32 to vector<16xf32>
                  %select_n3A_366 = arith.select %and3A_231, %broadcast_in_dim3A_364, %broadcast_in_dim3A_365 : vector<16xi1>, vector<16xf32>
                  %mul3A_367 = arith.constant 128 : i32
                  %mul3A_368 = arith.muli %scan3A_141, %mul3A_367 : i32
                  %add3A_369 = arith.constant 48 : i32
                  %add3A_370 = arith.addi %mul3A_368, %add3A_369 : i32
                  %swap3A_371 = arith.index_cast %scan3A_52 : i32 to index
                  %swap3A_372 = arith.index_cast %add3A_370 : i32 to index
                  %swap3A_373 = tpu.vector_load %arg8[%swap3A_371, %swap3A_372] {strides = array<i32>} : memref<4x2048xf32, #tpu.memory_space<vmem>>, vector<16xf32>,
                  tpu.vector_store %arg8[%swap3A_371, %swap3A_372], %select_n3A_366 {strides = array<i32>} : memref<4x2048xf32, #tpu.memory_space<vmem>>, vector<16xf32>,
                  %jit3A_374 = arith.constant 1.000000e+00 : f32
                  %jit3A_375 = arith.constant 0.000000e+00 : f32
                  %broadcast_in_dim3A_376 = vector.broadcast %jit3A_374 : f32 to vector<16xf32>
                  %broadcast_in_dim3A_377 = vector.broadcast %jit3A_375 : f32 to vector<16xf32>
                  %select_n3A_378 = arith.select %and3A_250, %broadcast_in_dim3A_376, %broadcast_in_dim3A_377 : vector<16xi1>, vector<16xf32>
                  %mul3A_379 = arith.constant 128 : i32
                  %mul3A_380 = arith.muli %scan3A_141, %mul3A_379 : i32
                  %add3A_381 = arith.constant 64 : i32
                  %add3A_382 = arith.addi %mul3A_380, %add3A_381 : i32
                  %swap3A_383 = arith.index_cast %scan3A_52 : i32 to index
                  %swap3A_384 = arith.index_cast %add3A_382 : i32 to index
                  %swap3A_385 = tpu.vector_load %arg8[%swap3A_383, %swap3A_384] {strides = array<i32>} : memref<4x2048xf32, #tpu.memory_space<vmem>>, vector<16xf32>,
                  tpu.vector_store %arg8[%swap3A_383, %swap3A_384], %select_n3A_378 {strides = array<i32>} : memref<4x2048xf32, #tpu.memory_space<vmem>>, vector<16xf32>,
                  %jit3A_386 = arith.constant 1.000000e+00 : f32
                  %jit3A_387 = arith.constant 0.000000e+00 : f32
                  %broadcast_in_dim3A_388 = vector.broadcast %jit3A_386 : f32 to vector<16xf32>
                  %broadcast_in_dim3A_389 = vector.broadcast %jit3A_387 : f32 to vector<16xf32>
                  %select_n3A_390 = arith.select %and3A_269, %broadcast_in_dim3A_388, %broadcast_in_dim3A_389 : vector<16xi1>, vector<16xf32>
                  %mul3A_391 = arith.constant 128 : i32
                  %mul3A_392 = arith.muli %scan3A_141, %mul3A_391 : i32
                  %add3A_393 = arith.constant 80 : i32
                  %add3A_394 = arith.addi %mul3A_392, %add3A_393 : i32
                  %swap3A_395 = arith.index_cast %scan3A_52 : i32 to index
                  %swap3A_396 = arith.index_cast %add3A_394 : i32 to index
                  %swap3A_397 = tpu.vector_load %arg8[%swap3A_395, %swap3A_396] {strides = array<i32>} : memref<4x2048xf32, #tpu.memory_space<vmem>>, vector<16xf32>,
                  tpu.vector_store %arg8[%swap3A_395, %swap3A_396], %select_n3A_390 {strides = array<i32>} : memref<4x2048xf32, #tpu.memory_space<vmem>>, vector<16xf32>,
                  %jit3A_398 = arith.constant 1.000000e+00 : f32
                  %jit3A_399 = arith.constant 0.000000e+00 : f32
                  %broadcast_in_dim3A_400 = vector.broadcast %jit3A_398 : f32 to vector<16xf32>
                  %broadcast_in_dim3A_401 = vector.broadcast %jit3A_399 : f32 to vector<16xf32>
                  %select_n3A_402 = arith.select %and3A_288, %broadcast_in_dim3A_400, %broadcast_in_dim3A_401 : vector<16xi1>, vector<16xf32>
                  %mul3A_403 = arith.constant 128 : i32
                  %mul3A_404 = arith.muli %scan3A_141, %mul3A_403 : i32
                  %add3A_405 = arith.constant 96 : i32
                  %add3A_406 = arith.addi %mul3A_404, %add3A_405 : i32
                  %swap3A_407 = arith.index_cast %scan3A_52 : i32 to index
                  %swap3A_408 = arith.index_cast %add3A_406 : i32 to index
                  %swap3A_409 = tpu.vector_load %arg8[%swap3A_407, %swap3A_408] {strides = array<i32>} : memref<4x2048xf32, #tpu.memory_space<vmem>>, vector<16xf32>,
                  tpu.vector_store %arg8[%swap3A_407, %swap3A_408], %select_n3A_402 {strides = array<i32>} : memref<4x2048xf32, #tpu.memory_space<vmem>>, vector<16xf32>,
                  %jit3A_410 = arith.constant 1.000000e+00 : f32
                  %jit3A_411 = arith.constant 0.000000e+00 : f32
                  %broadcast_in_dim3A_412 = vector.broadcast %jit3A_410 : f32 to vector<16xf32>
                  %broadcast_in_dim3A_413 = vector.broadcast %jit3A_411 : f32 to vector<16xf32>
                  %select_n3A_414 = arith.select %and3A_307, %broadcast_in_dim3A_412, %broadcast_in_dim3A_413 : vector<16xi1>, vector<16xf32>
                  %mul3A_415 = arith.constant 128 : i32
                  %mul3A_416 = arith.muli %scan3A_141, %mul3A_415 : i32
                  %add3A_417 = arith.constant 112 : i32
                  %add3A_418 = arith.addi %mul3A_416, %add3A_417 : i32
                  %swap3A_419 = arith.index_cast %scan3A_52 : i32 to index
                  %swap3A_420 = arith.index_cast %add3A_418 : i32 to index
                  %swap3A_421 = tpu.vector_load %arg8[%swap3A_419, %swap3A_420] {strides = array<i32>} : memref<4x2048xf32, #tpu.memory_space<vmem>>, vector<16xf32>,
                  tpu.vector_store %arg8[%swap3A_419, %swap3A_420], %select_n3A_414 {strides = array<i32>} : memref<4x2048xf32, #tpu.memory_space<vmem>>, vector<16xf32>,
                  %swap3A_422 = arith.constant 0 : i32
                  %swap3A_423 = arith.index_cast %swap3A_422 : i32 to index
                  %swap3A_424 = memref.load %arg9[%swap3A_423] : memref<1xi32, #tpu.memory_space<smem>>
                  memref.store %add3A_317, %arg9[%swap3A_423] : memref<1xi32, #tpu.memory_space<smem>>
                } else {
                }
                %convert_element_type3A_325 = arith.extui %gt3A_319 : i1 to i32
                %cond3A_326 = arith.constant 0 : i32
                %cond3A_327 = arith.cmpi ne, %convert_element_type3A_325, %cond3A_326 : i32
                scf.if %cond3A_327 {
                  %broadcast_in_dim3A_328 = arith.constant 0 : i32
                  %broadcast_in_dim3A_329 = vector.broadcast %broadcast_in_dim3A_328 : i32 to vector<16xi32>
                  %add3A_330 = vector.broadcast %get3A_158 : i32 to vector<16xi32>
                  %add3A_331 = arith.addi %add3A_330, %broadcast_in_dim3A_329 : vector<16xi32>
                  %convert_element_type3A_332 = arith.extui %and3A : vector<16xi1> to vector<16xi32>
                  %broadcast_in_dim3A_333 = arith.constant true
                  %broadcast_in_dim3A_334 = vector.broadcast %broadcast_in_dim3A_333 : i1 to vector<16xi1>
                  %masked_cumsum3A = tpu.scan <sum>, %convert_element_type3A_332 masked %broadcast_in_dim3A_334 : vector<16xi32>, vector<16xi1> -> vector<16xi32>
                  %add3A_335 = arith.addi %add3A_331, %masked_cumsum3A : vector<16xi32>
                  %le3A = arith.constant 32 : i32
                  %le3A_336 = vector.broadcast %le3A : i32 to vector<16xi32>
                  %le3A_337 = arith.cmpi sle, %add3A_335, %le3A_336 : vector<16xi32>
                  %and3A_338 = arith.andi %le3A_337, %and3A : vector<16xi1>
                  %jit3A = arith.constant 1.000000e+00 : f32
                  %jit3A_339 = arith.constant 0.000000e+00 : f32
                  %broadcast_in_dim3A_340 = vector.broadcast %jit3A : f32 to vector<16xf32>
                  %broadcast_in_dim3A_341 = vector.broadcast %jit3A_339 : f32 to vector<16xf32>
                  %select_n3A = arith.select %and3A_338, %broadcast_in_dim3A_340, %broadcast_in_dim3A_341 : vector<16xi1>, vector<16xf32>
                  %mul3A_342 = arith.constant 128 : i32
                  %mul3A_343 = arith.muli %scan3A_141, %mul3A_342 : i32
                  %add3A_344 = arith.constant 0 : i32
                  %add3A_345 = arith.addi %mul3A_343, %add3A_344 : i32
                  %swap3A_346 = arith.index_cast %scan3A_52 : i32 to index
                  %swap3A_347 = arith.index_cast %add3A_345 : i32 to index
                  %swap3A_348 = tpu.vector_load %arg8[%swap3A_346, %swap3A_347] {strides = array<i32>} : memref<4x2048xf32, #tpu.memory_space<vmem>>, vector<16xf32>,
                  tpu.vector_store %arg8[%swap3A_346, %swap3A_347], %select_n3A {strides = array<i32>} : memref<4x2048xf32, #tpu.memory_space<vmem>>, vector<16xf32>,
                  %all_reduce_population_count3A_349 = tpu.all_reduce %and3A {dim = 0 : i64, kind = #tpu.reduction_kind<sum>} : vector<16xi1> -> vector<16xi32>
                  %add3A_350 = arith.addi %add3A_331, %all_reduce_population_count3A_349 : vector<16xi32>
                  %convert_element_type3A_351 = arith.extui %and3A_193 : vector<16xi1> to vector<16xi32>
                  %broadcast_in_dim3A_352 = arith.constant true
                  %broadcast_in_dim3A_353 = vector.broadcast %broadcast_in_dim3A_352 : i1 to vector<16xi1>
                  %masked_cumsum3A_354 = tpu.scan <sum>, %convert_element_type3A_351 masked %broadcast_in_dim3A_353 : vector<16xi32>, vector<16xi1> -> vector<16xi32>
                  %add3A_355 = arith.addi %add3A_350, %masked_cumsum3A_354 : vector<16xi32>
                  %le3A_356 = arith.constant 32 : i32
                  %le3A_357 = vector.broadcast %le3A_356 : i32 to vector<16xi32>
                  %le3A_358 = arith.cmpi sle, %add3A_355, %le3A_357 : vector<16xi32>
                  %and3A_359 = arith.andi %le3A_358, %and3A_193 : vector<16xi1>
                  %jit3A_360 = arith.constant 1.000000e+00 : f32
                  %jit3A_361 = arith.constant 0.000000e+00 : f32
                  %broadcast_in_dim3A_362 = vector.broadcast %jit3A_360 : f32 to vector<16xf32>
                  %broadcast_in_dim3A_363 = vector.broadcast %jit3A_361 : f32 to vector<16xf32>
                  %select_n3A_364 = arith.select %and3A_359, %broadcast_in_dim3A_362, %broadcast_in_dim3A_363 : vector<16xi1>, vector<16xf32>
                  %mul3A_365 = arith.constant 128 : i32
                  %mul3A_366 = arith.muli %scan3A_141, %mul3A_365 : i32
                  %add3A_367 = arith.constant 16 : i32
                  %add3A_368 = arith.addi %mul3A_366, %add3A_367 : i32
                  %swap3A_369 = arith.index_cast %scan3A_52 : i32 to index
                  %swap3A_370 = arith.index_cast %add3A_368 : i32 to index
                  %swap3A_371 = tpu.vector_load %arg8[%swap3A_369, %swap3A_370] {strides = array<i32>} : memref<4x2048xf32, #tpu.memory_space<vmem>>, vector<16xf32>,
                  tpu.vector_store %arg8[%swap3A_369, %swap3A_370], %select_n3A_364 {strides = array<i32>} : memref<4x2048xf32, #tpu.memory_space<vmem>>, vector<16xf32>,
                  %all_reduce_population_count3A_372 = tpu.all_reduce %and3A_193 {dim = 0 : i64, kind = #tpu.reduction_kind<sum>} : vector<16xi1> -> vector<16xi32>
                  %add3A_373 = arith.addi %add3A_350, %all_reduce_population_count3A_372 : vector<16xi32>
                  %convert_element_type3A_374 = arith.extui %and3A_212 : vector<16xi1> to vector<16xi32>
                  %broadcast_in_dim3A_375 = arith.constant true
                  %broadcast_in_dim3A_376 = vector.broadcast %broadcast_in_dim3A_375 : i1 to vector<16xi1>
                  %masked_cumsum3A_377 = tpu.scan <sum>, %convert_element_type3A_374 masked %broadcast_in_dim3A_376 : vector<16xi32>, vector<16xi1> -> vector<16xi32>
                  %add3A_378 = arith.addi %add3A_373, %masked_cumsum3A_377 : vector<16xi32>
                  %le3A_379 = arith.constant 32 : i32
                  %le3A_380 = vector.broadcast %le3A_379 : i32 to vector<16xi32>
                  %le3A_381 = arith.cmpi sle, %add3A_378, %le3A_380 : vector<16xi32>
                  %and3A_382 = arith.andi %le3A_381, %and3A_212 : vector<16xi1>
                  %jit3A_383 = arith.constant 1.000000e+00 : f32
                  %jit3A_384 = arith.constant 0.000000e+00 : f32
                  %broadcast_in_dim3A_385 = vector.broadcast %jit3A_383 : f32 to vector<16xf32>
                  %broadcast_in_dim3A_386 = vector.broadcast %jit3A_384 : f32 to vector<16xf32>
                  %select_n3A_387 = arith.select %and3A_382, %broadcast_in_dim3A_385, %broadcast_in_dim3A_386 : vector<16xi1>, vector<16xf32>
                  %mul3A_388 = arith.constant 128 : i32
                  %mul3A_389 = arith.muli %scan3A_141, %mul3A_388 : i32
                  %add3A_390 = arith.constant 32 : i32
                  %add3A_391 = arith.addi %mul3A_389, %add3A_390 : i32
                  %swap3A_392 = arith.index_cast %scan3A_52 : i32 to index
                  %swap3A_393 = arith.index_cast %add3A_391 : i32 to index
                  %swap3A_394 = tpu.vector_load %arg8[%swap3A_392, %swap3A_393] {strides = array<i32>} : memref<4x2048xf32, #tpu.memory_space<vmem>>, vector<16xf32>,
                  tpu.vector_store %arg8[%swap3A_392, %swap3A_393], %select_n3A_387 {strides = array<i32>} : memref<4x2048xf32, #tpu.memory_space<vmem>>, vector<16xf32>,
                  %all_reduce_population_count3A_395 = tpu.all_reduce %and3A_212 {dim = 0 : i64, kind = #tpu.reduction_kind<sum>} : vector<16xi1> -> vector<16xi32>
                  %add3A_396 = arith.addi %add3A_373, %all_reduce_population_count3A_395 : vector<16xi32>
                  %convert_element_type3A_397 = arith.extui %and3A_231 : vector<16xi1> to vector<16xi32>
                  %broadcast_in_dim3A_398 = arith.constant true
                  %broadcast_in_dim3A_399 = vector.broadcast %broadcast_in_dim3A_398 : i1 to vector<16xi1>
                  %masked_cumsum3A_400 = tpu.scan <sum>, %convert_element_type3A_397 masked %broadcast_in_dim3A_399 : vector<16xi32>, vector<16xi1> -> vector<16xi32>
                  %add3A_401 = arith.addi %add3A_396, %masked_cumsum3A_400 : vector<16xi32>
                  %le3A_402 = arith.constant 32 : i32
                  %le3A_403 = vector.broadcast %le3A_402 : i32 to vector<16xi32>
                  %le3A_404 = arith.cmpi sle, %add3A_401, %le3A_403 : vector<16xi32>
                  %and3A_405 = arith.andi %le3A_404, %and3A_231 : vector<16xi1>
                  %jit3A_406 = arith.constant 1.000000e+00 : f32
                  %jit3A_407 = arith.constant 0.000000e+00 : f32
                  %broadcast_in_dim3A_408 = vector.broadcast %jit3A_406 : f32 to vector<16xf32>
                  %broadcast_in_dim3A_409 = vector.broadcast %jit3A_407 : f32 to vector<16xf32>
                  %select_n3A_410 = arith.select %and3A_405, %broadcast_in_dim3A_408, %broadcast_in_dim3A_409 : vector<16xi1>, vector<16xf32>
                  %mul3A_411 = arith.constant 128 : i32
                  %mul3A_412 = arith.muli %scan3A_141, %mul3A_411 : i32
                  %add3A_413 = arith.constant 48 : i32
                  %add3A_414 = arith.addi %mul3A_412, %add3A_413 : i32
                  %swap3A_415 = arith.index_cast %scan3A_52 : i32 to index
                  %swap3A_416 = arith.index_cast %add3A_414 : i32 to index
                  %swap3A_417 = tpu.vector_load %arg8[%swap3A_415, %swap3A_416] {strides = array<i32>} : memref<4x2048xf32, #tpu.memory_space<vmem>>, vector<16xf32>,
                  tpu.vector_store %arg8[%swap3A_415, %swap3A_416], %select_n3A_410 {strides = array<i32>} : memref<4x2048xf32, #tpu.memory_space<vmem>>, vector<16xf32>,
                  %all_reduce_population_count3A_418 = tpu.all_reduce %and3A_231 {dim = 0 : i64, kind = #tpu.reduction_kind<sum>} : vector<16xi1> -> vector<16xi32>
                  %add3A_419 = arith.addi %add3A_396, %all_reduce_population_count3A_418 : vector<16xi32>
                  %convert_element_type3A_420 = arith.extui %and3A_250 : vector<16xi1> to vector<16xi32>
                  %broadcast_in_dim3A_421 = arith.constant true
                  %broadcast_in_dim3A_422 = vector.broadcast %broadcast_in_dim3A_421 : i1 to vector<16xi1>
                  %masked_cumsum3A_423 = tpu.scan <sum>, %convert_element_type3A_420 masked %broadcast_in_dim3A_422 : vector<16xi32>, vector<16xi1> -> vector<16xi32>
                  %add3A_424 = arith.addi %add3A_419, %masked_cumsum3A_423 : vector<16xi32>
                  %le3A_425 = arith.constant 32 : i32
                  %le3A_426 = vector.broadcast %le3A_425 : i32 to vector<16xi32>
                  %le3A_427 = arith.cmpi sle, %add3A_424, %le3A_426 : vector<16xi32>
                  %and3A_428 = arith.andi %le3A_427, %and3A_250 : vector<16xi1>
                  %jit3A_429 = arith.constant 1.000000e+00 : f32
                  %jit3A_430 = arith.constant 0.000000e+00 : f32
                  %broadcast_in_dim3A_431 = vector.broadcast %jit3A_429 : f32 to vector<16xf32>
                  %broadcast_in_dim3A_432 = vector.broadcast %jit3A_430 : f32 to vector<16xf32>
                  %select_n3A_433 = arith.select %and3A_428, %broadcast_in_dim3A_431, %broadcast_in_dim3A_432 : vector<16xi1>, vector<16xf32>
                  %mul3A_434 = arith.constant 128 : i32
                  %mul3A_435 = arith.muli %scan3A_141, %mul3A_434 : i32
                  %add3A_436 = arith.constant 64 : i32
                  %add3A_437 = arith.addi %mul3A_435, %add3A_436 : i32
                  %swap3A_438 = arith.index_cast %scan3A_52 : i32 to index
                  %swap3A_439 = arith.index_cast %add3A_437 : i32 to index
                  %swap3A_440 = tpu.vector_load %arg8[%swap3A_438, %swap3A_439] {strides = array<i32>} : memref<4x2048xf32, #tpu.memory_space<vmem>>, vector<16xf32>,
                  tpu.vector_store %arg8[%swap3A_438, %swap3A_439], %select_n3A_433 {strides = array<i32>} : memref<4x2048xf32, #tpu.memory_space<vmem>>, vector<16xf32>,
                  %all_reduce_population_count3A_441 = tpu.all_reduce %and3A_250 {dim = 0 : i64, kind = #tpu.reduction_kind<sum>} : vector<16xi1> -> vector<16xi32>
                  %add3A_442 = arith.addi %add3A_419, %all_reduce_population_count3A_441 : vector<16xi32>
                  %convert_element_type3A_443 = arith.extui %and3A_269 : vector<16xi1> to vector<16xi32>
                  %broadcast_in_dim3A_444 = arith.constant true
                  %broadcast_in_dim3A_445 = vector.broadcast %broadcast_in_dim3A_444 : i1 to vector<16xi1>
                  %masked_cumsum3A_446 = tpu.scan <sum>, %convert_element_type3A_443 masked %broadcast_in_dim3A_445 : vector<16xi32>, vector<16xi1> -> vector<16xi32>
                  %add3A_447 = arith.addi %add3A_442, %masked_cumsum3A_446 : vector<16xi32>
                  %le3A_448 = arith.constant 32 : i32
                  %le3A_449 = vector.broadcast %le3A_448 : i32 to vector<16xi32>
                  %le3A_450 = arith.cmpi sle, %add3A_447, %le3A_449 : vector<16xi32>
                  %and3A_451 = arith.andi %le3A_450, %and3A_269 : vector<16xi1>
                  %jit3A_452 = arith.constant 1.000000e+00 : f32
                  %jit3A_453 = arith.constant 0.000000e+00 : f32
                  %broadcast_in_dim3A_454 = vector.broadcast %jit3A_452 : f32 to vector<16xf32>
                  %broadcast_in_dim3A_455 = vector.broadcast %jit3A_453 : f32 to vector<16xf32>
                  %select_n3A_456 = arith.select %and3A_451, %broadcast_in_dim3A_454, %broadcast_in_dim3A_455 : vector<16xi1>, vector<16xf32>
                  %mul3A_457 = arith.constant 128 : i32
                  %mul3A_458 = arith.muli %scan3A_141, %mul3A_457 : i32
                  %add3A_459 = arith.constant 80 : i32
                  %add3A_460 = arith.addi %mul3A_458, %add3A_459 : i32
                  %swap3A_461 = arith.index_cast %scan3A_52 : i32 to index
                  %swap3A_462 = arith.index_cast %add3A_460 : i32 to index
                  %swap3A_463 = tpu.vector_load %arg8[%swap3A_461, %swap3A_462] {strides = array<i32>} : memref<4x2048xf32, #tpu.memory_space<vmem>>, vector<16xf32>,
                  tpu.vector_store %arg8[%swap3A_461, %swap3A_462], %select_n3A_456 {strides = array<i32>} : memref<4x2048xf32, #tpu.memory_space<vmem>>, vector<16xf32>,
                  %all_reduce_population_count3A_464 = tpu.all_reduce %and3A_269 {dim = 0 : i64, kind = #tpu.reduction_kind<sum>} : vector<16xi1> -> vector<16xi32>
                  %add3A_465 = arith.addi %add3A_442, %all_reduce_population_count3A_464 : vector<16xi32>
                  %convert_element_type3A_466 = arith.extui %and3A_288 : vector<16xi1> to vector<16xi32>
                  %broadcast_in_dim3A_467 = arith.constant true
                  %broadcast_in_dim3A_468 = vector.broadcast %broadcast_in_dim3A_467 : i1 to vector<16xi1>
                  %masked_cumsum3A_469 = tpu.scan <sum>, %convert_element_type3A_466 masked %broadcast_in_dim3A_468 : vector<16xi32>, vector<16xi1> -> vector<16xi32>
                  %add3A_470 = arith.addi %add3A_465, %masked_cumsum3A_469 : vector<16xi32>
                  %le3A_471 = arith.constant 32 : i32
                  %le3A_472 = vector.broadcast %le3A_471 : i32 to vector<16xi32>
                  %le3A_473 = arith.cmpi sle, %add3A_470, %le3A_472 : vector<16xi32>
                  %and3A_474 = arith.andi %le3A_473, %and3A_288 : vector<16xi1>
                  %jit3A_475 = arith.constant 1.000000e+00 : f32
                  %jit3A_476 = arith.constant 0.000000e+00 : f32
                  %broadcast_in_dim3A_477 = vector.broadcast %jit3A_475 : f32 to vector<16xf32>
                  %broadcast_in_dim3A_478 = vector.broadcast %jit3A_476 : f32 to vector<16xf32>
                  %select_n3A_479 = arith.select %and3A_474, %broadcast_in_dim3A_477, %broadcast_in_dim3A_478 : vector<16xi1>, vector<16xf32>
                  %mul3A_480 = arith.constant 128 : i32
                  %mul3A_481 = arith.muli %scan3A_141, %mul3A_480 : i32
                  %add3A_482 = arith.constant 96 : i32
                  %add3A_483 = arith.addi %mul3A_481, %add3A_482 : i32
                  %swap3A_484 = arith.index_cast %scan3A_52 : i32 to index
                  %swap3A_485 = arith.index_cast %add3A_483 : i32 to index
                  %swap3A_486 = tpu.vector_load %arg8[%swap3A_484, %swap3A_485] {strides = array<i32>} : memref<4x2048xf32, #tpu.memory_space<vmem>>, vector<16xf32>,
                  tpu.vector_store %arg8[%swap3A_484, %swap3A_485], %select_n3A_479 {strides = array<i32>} : memref<4x2048xf32, #tpu.memory_space<vmem>>, vector<16xf32>,
                  %all_reduce_population_count3A_487 = tpu.all_reduce %and3A_288 {dim = 0 : i64, kind = #tpu.reduction_kind<sum>} : vector<16xi1> -> vector<16xi32>
                  %add3A_488 = arith.addi %add3A_465, %all_reduce_population_count3A_487 : vector<16xi32>
                  %convert_element_type3A_489 = arith.extui %and3A_307 : vector<16xi1> to vector<16xi32>
                  %broadcast_in_dim3A_490 = arith.constant true
                  %broadcast_in_dim3A_491 = vector.broadcast %broadcast_in_dim3A_490 : i1 to vector<16xi1>
                  %masked_cumsum3A_492 = tpu.scan <sum>, %convert_element_type3A_489 masked %broadcast_in_dim3A_491 : vector<16xi32>, vector<16xi1> -> vector<16xi32>
                  %add3A_493 = arith.addi %add3A_488, %masked_cumsum3A_492 : vector<16xi32>
                  %le3A_494 = arith.constant 32 : i32
                  %le3A_495 = vector.broadcast %le3A_494 : i32 to vector<16xi32>
                  %le3A_496 = arith.cmpi sle, %add3A_493, %le3A_495 : vector<16xi32>
                  %and3A_497 = arith.andi %le3A_496, %and3A_307 : vector<16xi1>
                  %jit3A_498 = arith.constant 1.000000e+00 : f32
                  %jit3A_499 = arith.constant 0.000000e+00 : f32
                  %broadcast_in_dim3A_500 = vector.broadcast %jit3A_498 : f32 to vector<16xf32>
                  %broadcast_in_dim3A_501 = vector.broadcast %jit3A_499 : f32 to vector<16xf32>
                  %select_n3A_502 = arith.select %and3A_497, %broadcast_in_dim3A_500, %broadcast_in_dim3A_501 : vector<16xi1>, vector<16xf32>
                  %mul3A_503 = arith.constant 128 : i32
                  %mul3A_504 = arith.muli %scan3A_141, %mul3A_503 : i32
                  %add3A_505 = arith.constant 112 : i32
                  %add3A_506 = arith.addi %mul3A_504, %add3A_505 : i32
                  %swap3A_507 = arith.index_cast %scan3A_52 : i32 to index
                  %swap3A_508 = arith.index_cast %add3A_506 : i32 to index
                  %swap3A_509 = tpu.vector_load %arg8[%swap3A_507, %swap3A_508] {strides = array<i32>} : memref<4x2048xf32, #tpu.memory_space<vmem>>, vector<16xf32>,
                  tpu.vector_store %arg8[%swap3A_507, %swap3A_508], %select_n3A_502 {strides = array<i32>} : memref<4x2048xf32, #tpu.memory_space<vmem>>, vector<16xf32>,
                  %all_reduce_population_count3A_510 = tpu.all_reduce %and3A_307 {dim = 0 : i64, kind = #tpu.reduction_kind<sum>} : vector<16xi1> -> vector<16xi32>
                  %add3A_511 = arith.addi %add3A_488, %all_reduce_population_count3A_510 : vector<16xi32>
                  %reduce_max3A_512 = arith.constant true
                  %reduce_max3A_513 = vector.broadcast %reduce_max3A_512 : i1 to vector<16xi1>
                  %reduce_max3A_514 = arith.constant -2147483648 : i32
                  %reduce_max3A_515 = vector.broadcast %reduce_max3A_514 : i32 to vector<16xi32>
                  %reduce_max3A_516 = arith.xori %add3A_511, %reduce_max3A_515 : vector<16xi32>
                  %reduce_max3A_517 = tpu.scan <max>, %reduce_max3A_516 masked %reduce_max3A_513 : vector<16xi32>, vector<16xi1> -> vector<16xi32>
                  %reduce_max3A_518 = arith.xori %reduce_max3A_517, %reduce_max3A_515 : vector<16xi32>
                  %reduce_max3A_519 = vector.extract %reduce_max3A_518[15] : i32 from vector<16xi32>
                  %swap3A_520 = arith.constant 0 : i32
                  %swap3A_521 = arith.index_cast %swap3A_520 : i32 to index
                  %swap3A_522 = memref.load %arg9[%swap3A_521] : memref<1xi32, #tpu.memory_space<smem>>
                  memref.store %reduce_max3A_519, %arg9[%swap3A_521] : memref<1xi32, #tpu.memory_space<smem>>
                } else {
                }
              } else {
              }
              %not3A = arith.constant true
              %not3A_151 = arith.xori %lt3A_147, %not3A : i1
              %convert_element_type3A_152 = arith.extui %not3A_151 : i1 to i32
              %cond3A_153 = arith.constant 0 : i32
              %cond3A_154 = arith.cmpi ne, %convert_element_type3A_152, %cond3A_153 : i32
              scf.if %cond3A_154 {
                %mul3A_156 = arith.constant 128 : i32
                %mul3A_157 = arith.muli %scan3A_141, %mul3A_156 : i32
                %add3A_158 = arith.constant 0 : i32
                %add3A_159 = arith.addi %mul3A_157, %add3A_158 : i32
                %swap3A_160 = arith.index_cast %scan3A_52 : i32 to index
                %swap3A_161 = arith.index_cast %add3A_159 : i32 to index
                %swap3A_162 = tpu.vector_load %arg8[%swap3A_160, %swap3A_161] {strides = array<i32>} : memref<4x2048xf32, #tpu.memory_space<vmem>>, vector<16xf32>,
                tpu.vector_store %arg8[%swap3A_160, %swap3A_161], %broadcast_in_dim3A_0 {strides = array<i32>} : memref<4x2048xf32, #tpu.memory_space<vmem>>, vector<16xf32>,
                %mul3A_163 = arith.constant 128 : i32
                %mul3A_164 = arith.muli %scan3A_141, %mul3A_163 : i32
                %add3A_165 = arith.constant 16 : i32
                %add3A_166 = arith.addi %mul3A_164, %add3A_165 : i32
                %swap3A_167 = arith.index_cast %scan3A_52 : i32 to index
                %swap3A_168 = arith.index_cast %add3A_166 : i32 to index
                %swap3A_169 = tpu.vector_load %arg8[%swap3A_167, %swap3A_168] {strides = array<i32>} : memref<4x2048xf32, #tpu.memory_space<vmem>>, vector<16xf32>,
                tpu.vector_store %arg8[%swap3A_167, %swap3A_168], %broadcast_in_dim3A_0 {strides = array<i32>} : memref<4x2048xf32, #tpu.memory_space<vmem>>, vector<16xf32>,
                %mul3A_170 = arith.constant 128 : i32
                %mul3A_171 = arith.muli %scan3A_141, %mul3A_170 : i32
                %add3A_172 = arith.constant 32 : i32
                %add3A_173 = arith.addi %mul3A_171, %add3A_172 : i32
                %swap3A_174 = arith.index_cast %scan3A_52 : i32 to index
                %swap3A_175 = arith.index_cast %add3A_173 : i32 to index
                %swap3A_176 = tpu.vector_load %arg8[%swap3A_174, %swap3A_175] {strides = array<i32>} : memref<4x2048xf32, #tpu.memory_space<vmem>>, vector<16xf32>,
                tpu.vector_store %arg8[%swap3A_174, %swap3A_175], %broadcast_in_dim3A_0 {strides = array<i32>} : memref<4x2048xf32, #tpu.memory_space<vmem>>, vector<16xf32>,
                %mul3A_177 = arith.constant 128 : i32
                %mul3A_178 = arith.muli %scan3A_141, %mul3A_177 : i32
                %add3A_179 = arith.constant 48 : i32
                %add3A_180 = arith.addi %mul3A_178, %add3A_179 : i32
                %swap3A_181 = arith.index_cast %scan3A_52 : i32 to index
                %swap3A_182 = arith.index_cast %add3A_180 : i32 to index
                %swap3A_183 = tpu.vector_load %arg8[%swap3A_181, %swap3A_182] {strides = array<i32>} : memref<4x2048xf32, #tpu.memory_space<vmem>>, vector<16xf32>,
                tpu.vector_store %arg8[%swap3A_181, %swap3A_182], %broadcast_in_dim3A_0 {strides = array<i32>} : memref<4x2048xf32, #tpu.memory_space<vmem>>, vector<16xf32>,
                %mul3A_184 = arith.constant 128 : i32
                %mul3A_185 = arith.muli %scan3A_141, %mul3A_184 : i32
                %add3A_186 = arith.constant 64 : i32
                %add3A_187 = arith.addi %mul3A_185, %add3A_186 : i32
                %swap3A_188 = arith.index_cast %scan3A_52 : i32 to index
                %swap3A_189 = arith.index_cast %add3A_187 : i32 to index
                %swap3A_190 = tpu.vector_load %arg8[%swap3A_188, %swap3A_189] {strides = array<i32>} : memref<4x2048xf32, #tpu.memory_space<vmem>>, vector<16xf32>,
                tpu.vector_store %arg8[%swap3A_188, %swap3A_189], %broadcast_in_dim3A_0 {strides = array<i32>} : memref<4x2048xf32, #tpu.memory_space<vmem>>, vector<16xf32>,
                %mul3A_191 = arith.constant 128 : i32
                %mul3A_192 = arith.muli %scan3A_141, %mul3A_191 : i32
                %add3A_193 = arith.constant 80 : i32
                %add3A_194 = arith.addi %mul3A_192, %add3A_193 : i32
                %swap3A_195 = arith.index_cast %scan3A_52 : i32 to index
                %swap3A_196 = arith.index_cast %add3A_194 : i32 to index
                %swap3A_197 = tpu.vector_load %arg8[%swap3A_195, %swap3A_196] {strides = array<i32>} : memref<4x2048xf32, #tpu.memory_space<vmem>>, vector<16xf32>,
                tpu.vector_store %arg8[%swap3A_195, %swap3A_196], %broadcast_in_dim3A_0 {strides = array<i32>} : memref<4x2048xf32, #tpu.memory_space<vmem>>, vector<16xf32>,
                %mul3A_198 = arith.constant 128 : i32
                %mul3A_199 = arith.muli %scan3A_141, %mul3A_198 : i32
                %add3A_200 = arith.constant 96 : i32
                %add3A_201 = arith.addi %mul3A_199, %add3A_200 : i32
                %swap3A_202 = arith.index_cast %scan3A_52 : i32 to index
                %swap3A_203 = arith.index_cast %add3A_201 : i32 to index
                %swap3A_204 = tpu.vector_load %arg8[%swap3A_202, %swap3A_203] {strides = array<i32>} : memref<4x2048xf32, #tpu.memory_space<vmem>>, vector<16xf32>,
                tpu.vector_store %arg8[%swap3A_202, %swap3A_203], %broadcast_in_dim3A_0 {strides = array<i32>} : memref<4x2048xf32, #tpu.memory_space<vmem>>, vector<16xf32>,
                %mul3A_205 = arith.constant 128 : i32
                %mul3A_206 = arith.muli %scan3A_141, %mul3A_205 : i32
                %add3A_207 = arith.constant 112 : i32
                %add3A_208 = arith.addi %mul3A_206, %add3A_207 : i32
                %swap3A_209 = arith.index_cast %scan3A_52 : i32 to index
                %swap3A_210 = arith.index_cast %add3A_208 : i32 to index
                %swap3A_211 = tpu.vector_load %arg8[%swap3A_209, %swap3A_210] {strides = array<i32>} : memref<4x2048xf32, #tpu.memory_space<vmem>>, vector<16xf32>,
                tpu.vector_store %arg8[%swap3A_209, %swap3A_210], %broadcast_in_dim3A_0 {strides = array<i32>} : memref<4x2048xf32, #tpu.memory_space<vmem>>, vector<16xf32>,
              } else {
              }
              %scan3A_155 = arith.constant 0 : i32
              scf.yield %scan3A_155 : i32
            }
            %scan3A_138 = arith.constant 16 : i32
            %mul3A_139 = arith.constant 2048 : i32
            %mul3A_140 = arith.muli %scan3A_117, %mul3A_139 : i32
            "tpu.region"() ({
              %run_scoped3A = tpu.sem_alloc : memref<!tpu.dma_semaphore, #tpu.memory_space<semaphore_mem>>
              %dma_start3A_141 = arith.constant 0 : i32
              %dma_start3A_142 = tpu.memref_slice %arg8[%scan3A_52, %dma_start3A_141] : memref<4x2048xf32, #tpu.memory_space<vmem>> -> memref<1x2048xf32, #tpu.memory_space<vmem>>
              %dma_start3A_143 = tpu.memref_squeeze %dma_start3A_142 : memref<1x2048xf32, #tpu.memory_space<vmem>> -> memref<2048xf32, #tpu.memory_space<vmem>>
              %dma_start3A_144 = tpu.memref_slice %arg4[%add3A_54, %mul3A_140] : memref<128x32768xf32, #tpu.memory_space<hbm>> -> memref<1x2048xf32, #tpu.memory_space<hbm>>
              %dma_start3A_145 = tpu.memref_squeeze %dma_start3A_144 : memref<1x2048xf32, #tpu.memory_space<hbm>> -> memref<2048xf32, #tpu.memory_space<hbm>>
              %dma_start3A_146 = tpu.memref_slice %arg4[%add3A_54, %mul3A_140] : memref<128x32768xf32, #tpu.memory_space<hbm>> -> memref<1x2048xf32, #tpu.memory_space<hbm>>
              %dma_start3A_147 = tpu.memref_squeeze %dma_start3A_146 : memref<1x2048xf32, #tpu.memory_space<hbm>> -> memref<2048xf32, #tpu.memory_space<hbm>>
              %dma_start3A_148 = arith.constant 0 : i32
              %dma_start3A_149 = tpu.memref_slice %arg8[%scan3A_52, %dma_start3A_148] : memref<4x2048xf32, #tpu.memory_space<vmem>> -> memref<1x2048xf32, #tpu.memory_space<vmem>>
              %dma_start3A_150 = tpu.memref_squeeze %dma_start3A_149 : memref<1x2048xf32, #tpu.memory_space<vmem>> -> memref<2048xf32, #tpu.memory_space<vmem>>
              tpu.enqueue_dma source(%dma_start3A_150 : memref<2048xf32, #tpu.memory_space<vmem>>) target(%dma_start3A_147 : memref<2048xf32, #tpu.memory_space<hbm>>) target_semaphore(%run_scoped3A : memref<!tpu.dma_semaphore, #tpu.memory_space<semaphore_mem>>)
              %dma_wait3A_151 = arith.constant 0 : i32
              %dma_wait3A_152 = tpu.memref_slice %arg8[%scan3A_52, %dma_wait3A_151] : memref<4x2048xf32, #tpu.memory_space<vmem>> -> memref<1x2048xf32, #tpu.memory_space<vmem>>
              %dma_wait3A_153 = tpu.memref_squeeze %dma_wait3A_152 : memref<1x2048xf32, #tpu.memory_space<vmem>> -> memref<2048xf32, #tpu.memory_space<vmem>>
              %dma_wait3A_154 = tpu.memref_slice %arg4[%add3A_54, %mul3A_140] : memref<128x32768xf32, #tpu.memory_space<hbm>> -> memref<1x2048xf32, #tpu.memory_space<hbm>>
              %dma_wait3A_155 = tpu.memref_squeeze %dma_wait3A_154 : memref<1x2048xf32, #tpu.memory_space<hbm>> -> memref<2048xf32, #tpu.memory_space<hbm>>
              %dma_wait3A_156 = tpu.memref_slice %arg4[%add3A_54, %mul3A_140] : memref<128x32768xf32, #tpu.memory_space<hbm>> -> memref<1x2048xf32, #tpu.memory_space<hbm>>
              %dma_wait3A_157 = tpu.memref_squeeze %dma_wait3A_156 : memref<1x2048xf32, #tpu.memory_space<hbm>> -> memref<2048xf32, #tpu.memory_space<hbm>>
              %dma_wait3A_158 = arith.constant 0 : i32
              %dma_wait3A_159 = tpu.memref_slice %arg8[%scan3A_52, %dma_wait3A_158] : memref<4x2048xf32, #tpu.memory_space<vmem>> -> memref<1x2048xf32, #tpu.memory_space<vmem>>
              %dma_wait3A_160 = tpu.memref_squeeze %dma_wait3A_159 : memref<1x2048xf32, #tpu.memory_space<vmem>> -> memref<2048xf32, #tpu.memory_space<vmem>>
              tpu.wait_dma2 semaphore(%run_scoped3A : memref<!tpu.dma_semaphore, #tpu.memory_space<semaphore_mem>>) src(%dma_wait3A_160 : memref<2048xf32, #tpu.memory_space<vmem>>) dst(%dma_wait3A_157 : memref<2048xf32, #tpu.memory_space<hbm>>)
              tpu.yield
            }) : () -> ()
          } else {
          }
          %scan3A_127 = arith.constant 0 : i32
          scf.yield %scan3A_127 : i32
        }
        %scan3A_116 = arith.constant 15 : i32
      } else {
      }
      %scan3A_87 = arith.constant 0 : i32
      scf.yield %scan3A_87 : i32
    }
    %scan3A_40 = arith.constant 4 : i32
    %scan3A_41 = arith.constant 0 : i32
    %scan3A_42 = arith.constant 0 : i32
    %scan3A_43 = arith.constant 4 : i32
    %scan3A_44 = arith.addi %scan3A_42, %scan3A_43 : i32
    %scan3A_45 = arith.constant 1 : i32
    %scan3A_46 = scf.for %scan3A_52 = %scan3A_42 to %scan3A_44 step %scan3A_45 iter_args(%scan3A_53 = %scan3A_41) -> (i32)  : i32 {
      %add3A_54 = arith.addi %mul3A_3, %scan3A_52 : i32
      %get3A_55 = arith.index_cast %scan3A_52 : i32 to index
      %get3A_56 = memref.load %arg11[%get3A_55] : memref<4xi32, #tpu.memory_space<smem>>
      %eq3A_57 = arith.constant 0 : i32
      %eq3A_58 = arith.cmpi eq, %get3A_56, %eq3A_57 : i32
      %convert_element_type3A_59 = arith.extui %eq3A_58 : i1 to i32
      %cond3A_60 = arith.constant 0 : i32
      %cond3A_61 = arith.cmpi ne, %convert_element_type3A_59, %cond3A_60 : i32
      scf.if %cond3A_61 {
        %dma_wait3A = arith.constant 0 : i32
        %dma_wait3A_63 = tpu.memref_slice %arg8[%scan3A_52, %dma_wait3A] : memref<4x2048xf32, #tpu.memory_space<vmem>> -> memref<1x2048xf32, #tpu.memory_space<vmem>>
        %dma_wait3A_64 = tpu.memref_squeeze %dma_wait3A_63 : memref<1x2048xf32, #tpu.memory_space<vmem>> -> memref<2048xf32, #tpu.memory_space<vmem>>
        %dma_wait3A_65 = arith.constant 0 : i32
        %dma_wait3A_66 = tpu.memref_slice %arg4[%add3A_54, %dma_wait3A_65] : memref<128x32768xf32, #tpu.memory_space<hbm>> -> memref<1x2048xf32, #tpu.memory_space<hbm>>
        %dma_wait3A_67 = tpu.memref_squeeze %dma_wait3A_66 : memref<1x2048xf32, #tpu.memory_space<hbm>> -> memref<2048xf32, #tpu.memory_space<hbm>>
        %dma_wait3A_68 = arith.constant 0 : i32
        %dma_wait3A_69 = tpu.memref_slice %arg4[%add3A_54, %dma_wait3A_68] : memref<128x32768xf32, #tpu.memory_space<hbm>> -> memref<1x2048xf32, #tpu.memory_space<hbm>>
        %dma_wait3A_70 = tpu.memref_squeeze %dma_wait3A_69 : memref<1x2048xf32, #tpu.memory_space<hbm>> -> memref<2048xf32, #tpu.memory_space<hbm>>
        %dma_wait3A_71 = arith.constant 0 : i32
        %dma_wait3A_72 = tpu.memref_slice %arg8[%scan3A_52, %dma_wait3A_71] : memref<4x2048xf32, #tpu.memory_space<vmem>> -> memref<1x2048xf32, #tpu.memory_space<vmem>>
        %dma_wait3A_73 = tpu.memref_squeeze %dma_wait3A_72 : memref<1x2048xf32, #tpu.memory_space<vmem>> -> memref<2048xf32, #tpu.memory_space<vmem>>
        tpu.wait_dma2 semaphore(%arg14 : memref<!tpu.dma_semaphore, #tpu.memory_space<semaphore_mem>>) src(%dma_wait3A_73 : memref<2048xf32, #tpu.memory_space<vmem>>) dst(%dma_wait3A_70 : memref<2048xf32, #tpu.memory_space<hbm>>)
      } else {
      }
      %scan3A_62 = arith.constant 0 : i32
      scf.yield %scan3A_62 : i32
    }
    %scan3A_47 = arith.constant 4 : i32
    %get3A = arith.constant 0 : i32
    %get3A_48 = arith.index_cast %get3A : i32 to index
    %get3A_49 = memref.load %arg10[%get3A_48] : memref<1xi32, #tpu.memory_space<smem>>
    %eq3A = arith.constant 0 : i32
    %eq3A_50 = arith.cmpi eq, %get3A_49, %eq3A : i32
    %convert_element_type3A = arith.extui %eq3A_50 : i1 to i32
    %cond3A = arith.constant 0 : i32
    %cond3A_51 = arith.cmpi ne, %convert_element_type3A, %cond3A : i32
    scf.if %cond3A_51 {
      %scan3A_52 = arith.constant 0 : i32
      %scan3A_53 = arith.constant 0 : i32
      %scan3A_54 = arith.constant 4 : i32
      %scan3A_55 = arith.addi %scan3A_53, %scan3A_54 : i32
      %scan3A_56 = arith.constant 1 : i32
      %scan3A_57 = scf.for %scan3A_59 = %scan3A_53 to %scan3A_55 step %scan3A_56 iter_args(%scan3A_60 = %scan3A_52) -> (i32)  : i32 {
        %add3A_61 = arith.addi %mul3A_3, %scan3A_59 : i32
        %dma_wait3A = arith.constant 0 : i32
        %dma_wait3A_62 = tpu.memref_slice %arg5[%dma_wait3A] : memref<7680xf32, #tpu.memory_space<vmem>> -> memref<7680xf32, #tpu.memory_space<vmem>>
        %dma_wait3A_63 = arith.constant 2048 : i32
        %dma_wait3A_64 = tpu.memref_slice %arg4[%add3A_61, %dma_wait3A_63] : memref<128x32768xf32, #tpu.memory_space<hbm>> -> memref<1x7680xf32, #tpu.memory_space<hbm>>
        %dma_wait3A_65 = tpu.memref_squeeze %dma_wait3A_64 : memref<1x7680xf32, #tpu.memory_space<hbm>> -> memref<7680xf32, #tpu.memory_space<hbm>>
        %dma_wait3A_66 = arith.constant 2048 : i32
        %dma_wait3A_67 = tpu.memref_slice %arg4[%add3A_61, %dma_wait3A_66] : memref<128x32768xf32, #tpu.memory_space<hbm>> -> memref<1x7680xf32, #tpu.memory_space<hbm>>
        %dma_wait3A_68 = tpu.memref_squeeze %dma_wait3A_67 : memref<1x7680xf32, #tpu.memory_space<hbm>> -> memref<7680xf32, #tpu.memory_space<hbm>>
        %dma_wait3A_69 = arith.constant 0 : i32
        %dma_wait3A_70 = tpu.memref_slice %arg5[%dma_wait3A_69] : memref<7680xf32, #tpu.memory_space<vmem>> -> memref<7680xf32, #tpu.memory_space<vmem>>
        tpu.wait_dma2 semaphore(%arg13 : memref<!tpu.dma_semaphore, #tpu.memory_space<semaphore_mem>>) src(%dma_wait3A_70 : memref<7680xf32, #tpu.memory_space<vmem>>) dst(%dma_wait3A_68 : memref<7680xf32, #tpu.memory_space<hbm>>)
        %dma_wait3A_71 = arith.constant 0 : i32
        %dma_wait3A_72 = tpu.memref_slice %arg5[%dma_wait3A_71] : memref<7680xf32, #tpu.memory_space<vmem>> -> memref<7680xf32, #tpu.memory_space<vmem>>
        %dma_wait3A_73 = arith.constant 9728 : i32
        %dma_wait3A_74 = tpu.memref_slice %arg4[%add3A_61, %dma_wait3A_73] : memref<128x32768xf32, #tpu.memory_space<hbm>> -> memref<1x7680xf32, #tpu.memory_space<hbm>>
        %dma_wait3A_75 = tpu.memref_squeeze %dma_wait3A_74 : memref<1x7680xf32, #tpu.memory_space<hbm>> -> memref<7680xf32, #tpu.memory_space<hbm>>
        %dma_wait3A_76 = arith.constant 9728 : i32
        %dma_wait3A_77 = tpu.memref_slice %arg4[%add3A_61, %dma_wait3A_76] : memref<128x32768xf32, #tpu.memory_space<hbm>> -> memref<1x7680xf32, #tpu.memory_space<hbm>>
        %dma_wait3A_78 = tpu.memref_squeeze %dma_wait3A_77 : memref<1x7680xf32, #tpu.memory_space<hbm>> -> memref<7680xf32, #tpu.memory_space<hbm>>
        %dma_wait3A_79 = arith.constant 0 : i32
        %dma_wait3A_80 = tpu.memref_slice %arg5[%dma_wait3A_79] : memref<7680xf32, #tpu.memory_space<vmem>> -> memref<7680xf32, #tpu.memory_space<vmem>>
        tpu.wait_dma2 semaphore(%arg13 : memref<!tpu.dma_semaphore, #tpu.memory_space<semaphore_mem>>) src(%dma_wait3A_80 : memref<7680xf32, #tpu.memory_space<vmem>>) dst(%dma_wait3A_78 : memref<7680xf32, #tpu.memory_space<hbm>>)
        %dma_wait3A_81 = arith.constant 0 : i32
        %dma_wait3A_82 = tpu.memref_slice %arg5[%dma_wait3A_81] : memref<7680xf32, #tpu.memory_space<vmem>> -> memref<7680xf32, #tpu.memory_space<vmem>>
        %dma_wait3A_83 = arith.constant 17408 : i32
        %dma_wait3A_84 = tpu.memref_slice %arg4[%add3A_61, %dma_wait3A_83] : memref<128x32768xf32, #tpu.memory_space<hbm>> -> memref<1x7680xf32, #tpu.memory_space<hbm>>
        %dma_wait3A_85 = tpu.memref_squeeze %dma_wait3A_84 : memref<1x7680xf32, #tpu.memory_space<hbm>> -> memref<7680xf32, #tpu.memory_space<hbm>>
        %dma_wait3A_86 = arith.constant 17408 : i32
        %dma_wait3A_87 = tpu.memref_slice %arg4[%add3A_61, %dma_wait3A_86] : memref<128x32768xf32, #tpu.memory_space<hbm>> -> memref<1x7680xf32, #tpu.memory_space<hbm>>
        %dma_wait3A_88 = tpu.memref_squeeze %dma_wait3A_87 : memref<1x7680xf32, #tpu.memory_space<hbm>> -> memref<7680xf32, #tpu.memory_space<hbm>>
        %dma_wait3A_89 = arith.constant 0 : i32
        %dma_wait3A_90 = tpu.memref_slice %arg5[%dma_wait3A_89] : memref<7680xf32, #tpu.memory_space<vmem>> -> memref<7680xf32, #tpu.memory_space<vmem>>
        tpu.wait_dma2 semaphore(%arg13 : memref<!tpu.dma_semaphore, #tpu.memory_space<semaphore_mem>>) src(%dma_wait3A_90 : memref<7680xf32, #tpu.memory_space<vmem>>) dst(%dma_wait3A_88 : memref<7680xf32, #tpu.memory_space<hbm>>)
        %dma_wait3A_91 = arith.constant 0 : i32
        %dma_wait3A_92 = tpu.memref_slice %arg5[%dma_wait3A_91] : memref<7680xf32, #tpu.memory_space<vmem>> -> memref<7680xf32, #tpu.memory_space<vmem>>
        %dma_wait3A_93 = arith.constant 25088 : i32
        %dma_wait3A_94 = tpu.memref_slice %arg4[%add3A_61, %dma_wait3A_93] : memref<128x32768xf32, #tpu.memory_space<hbm>> -> memref<1x7680xf32, #tpu.memory_space<hbm>>
        %dma_wait3A_95 = tpu.memref_squeeze %dma_wait3A_94 : memref<1x7680xf32, #tpu.memory_space<hbm>> -> memref<7680xf32, #tpu.memory_space<hbm>>
        %dma_wait3A_96 = arith.constant 25088 : i32
        %dma_wait3A_97 = tpu.memref_slice %arg4[%add3A_61, %dma_wait3A_96] : memref<128x32768xf32, #tpu.memory_space<hbm>> -> memref<1x7680xf32, #tpu.memory_space<hbm>>
        %dma_wait3A_98 = tpu.memref_squeeze %dma_wait3A_97 : memref<1x7680xf32, #tpu.memory_space<hbm>> -> memref<7680xf32, #tpu.memory_space<hbm>>
        %dma_wait3A_99 = arith.constant 0 : i32
        %dma_wait3A_100 = tpu.memref_slice %arg5[%dma_wait3A_99] : memref<7680xf32, #tpu.memory_space<vmem>> -> memref<7680xf32, #tpu.memory_space<vmem>>
        tpu.wait_dma2 semaphore(%arg13 : memref<!tpu.dma_semaphore, #tpu.memory_space<semaphore_mem>>) src(%dma_wait3A_100 : memref<7680xf32, #tpu.memory_space<vmem>>) dst(%dma_wait3A_98 : memref<7680xf32, #tpu.memory_space<hbm>>)
        %scan3A_101 = arith.constant 0 : i32
        scf.yield %scan3A_101 : i32
      }
      %scan3A_58 = arith.constant 4 : i32
    } else {
    }
    return
  }
}

</mosaic_0001>

<sc_bundles>
// kernel: kernel.3.cloned.1.call-start
scs
__scs_entry_jumppad:
0x0: {  	(pc) =	sbr.rel $0x88, $3  }
0x1: {  	(tag) =	ssettag $0x0;
	lr =	simm.s32 $0x1  }
0x2: {  	[smem:$0x3F9F] =	sst lr;
	_ =	strace $0xD0000000  }
0x3: {  	_ = 	snop  }
0x4: {  	_ = 	snop  }
0x5: {  	_ = 	snop  }
0x6: {  	_ = 	snop  }
0x7: {  	_ = 	snop  }
__scs_overlays_trampoline_lowered:
0x8: {  	[smem:$0x3FAE] =	sst s0  }
0x9: {  	[smem:$0x3FAF] =	sst s1  }
0xa: {  	[smem:$0x3FB0] =	sst s2  }
0xb: {  	[smem:$0x3FB1] =	sst s3  }
0xc: {  	[smem:$0x3FB2] =	sst s4  }
0xd: {  	[smem:$0x3FB3] =	sst s5  }
0xe: {  	[smem:$0x3FB4] =	sst s6  }
0xf: {  	[smem:$0x3FB5] =	sst s7  }
0x10: {  	[smem:$0x3FB6] =	sst s8  }
0x11: {  	[smem:$0x3FB7] =	sst s9;
	s0 =	simm.s32 @!p0 $0x0  }
0x12: {  	s1 =	sld [smem:$0x3F9D];
	s0 =	simm.s32 @p0 $0x1  }
0x13: {  	[smem:$0x3FB8] =	sst s0;
	s0 =	simm.s32 @!p1 $0x0  }
0x14: {  	s2 =	sld [smem:$0x3F9C];
	s0 =	simm.s32 @p1 $0x1  }
0x15: {  	[smem:$0x3FB9] =	sst s0;
	s0 =	simm.s32 @!p2 $0x0  }
0x16: {  	s3 =	sld [smem:$0x3FDB];
	s0 =	simm.s32 @p2 $0x1  }
0x17: {  	s4 =	simm.s32 $0x1BF5;
	[smem:$0x3FBB] =	sst s0  }
0x18: {  	s0 =	sld [smem:$0x3F9E];
	_ =	swait.ge [sflag:s4], $0x0  }
0x19: {  	s7 =	sld [smem:$0x3F9F]  }
0x1a: {  	s8 =	sadd.s32 $0xFFFFE003, lr  }
0x1b: {  	s9 =	sadd.s32 $0xFFFFFEF7, lr;
	s5 =	simm.s32 $0xFFFFFFFF;
	p2 =	slt.u32 s8, $0xFFFFF086  }
0x1c: {  	p1 =	slt.u32 s9, $0xF7A;
	s5 =	simm.s32 @!p2 $0x0  }
0x1d: {  	s5 =	simm.s32 @p1 $0x1;
	p0 =	seq.s32 s7, s2  }
0x1e: {  	s7 =	smul.u32 @!p0 $0xF7A, s2;
	p2 =	seq.s32 @!p0 s5, $0x0  }
0x1f: {  	s9 =	smul.u32 $0xF7A, s1;
	s8 =	simm.s32 @!p0 $0x1BF5;
	p2 =	por !p2, p0  }
0x20: {  	[sflag:s8] =	ssyncset.s32 @!p0 $0xFFFFF086;
	s6 =	sadd.s32 @!p0 s3, s7;
	s7 =	simm.s32 @!p0 $0x108  }
0x21: {  	s3 =	sadd.s32 s3, s9;
	s6 =	sadd.s32 @!p0 $0x88, s6;
	s7 =	simm.s32 @p2 $0x1082  }
0x22: {  	[simem:s7], [sflag:s8] =	dma.local @!p0 [hbm:s6], $0xF7A  }
0x23: {  	s9 =	sor.u32 $0xD0000000, s2;
	s6 =	simm.s32 $0x108;
	_ =	swait.ge @!p0 [sflag:s8], $0x0  }
0x24: {  	s3 =	sadd.s32 $0x88, s3;
	s6 =	simm.s32 @!p1 $0x1082;
	[sflag:s4] =	ssyncset.s32 $0xFFFFF086  }
0x25: {  	[simem:s6], [sflag:s4] =	dma.local [hbm:s3], $0xF7A  }
0x26: {  	[smem:$0x3F9F] =	sst s1;
	(tag) =	ssettag s2;
	_ =	strace s9  }
0x27: {  	s1 =	sld [smem:$0x3FAF]  }
0x28: {  	s2 =	sld [smem:$0x3FB0]  }
0x29: {  	s4 =	sld [smem:$0x3FB2]  }
0x2a: {  	p0 =	seq.s32 s5, $0x0;
	s5 =	sld [smem:$0x3FB3]  }
0x2b: {  	s6 =	sld [smem:$0x3FB4]  }
0x2c: {  	s7 =	sld [smem:$0x3FB5]  }
0x2d: {  	s3 =	simm.s32 $0x108;
	s8 =	sld [smem:$0x3FB6]  }
0x2e: {  	s3 =	simm.s32 @!p0 $0x1082;
	s9 =	sld [smem:$0x3FB7]  }
0x2f: {  	lr =	sadd.s32 s0, s3;
	s0 =	sld [smem:$0x3FAE]  }
0x30: {  	s3 =	sld [smem:$0x3FB1]  }
0x31: {  	[smem:$0x3FBA] =	sst s10  }
0x32: {  	s10 =	sld [smem:$0x3FB8];
	_ =	sdelay $0x3  }
0x33: {  	p0 =	seq.s32 s10, $0x1;
	s10 =	sld [smem:$0x3FBA];
	_ =	sdelay $0x3  }
0x34: {  	[smem:$0x3FBA] =	sst s10  }
0x35: {  	s10 =	sld [smem:$0x3FB9];
	_ =	sdelay $0x3  }
0x36: {  	p1 =	seq.s32 s10, $0x1;
	s10 =	sld [smem:$0x3FBA];
	_ =	sdelay $0x3  }
0x37: {  	[smem:$0x3FBA] =	sst s10  }
0x38: {  	s10 =	sld [smem:$0x3FBB]  }
0x39: {  	_ = 	snop;
	(pc) =	sbr.ind lr, $3  }
0x3a: {  	_ = 	snop  }
0x3b: {  	_ = 	snop  }
0x3c: {  	p2 =	seq.s32 s10, $0x1;
	s10 =	sld [smem:$0x3FBA]  }
0x3d: {  	_ =	shalt  }
0x3e: {  	_ =	shalt  }
0x3f: {  	_ =	shalt  }
0x40: {  	_ =	shalt  }
0x41: {  	_ =	shalt  }
0x42: {  	_ =	shalt  }
0x43: {  	_ =	shalt  }
0x44: {  	_ =	shalt  }
0x45: {  	_ =	shalt  }
0x46: {  	_ =	shalt  }
0x47: {  	_ =	shalt  }
0x48: {  	_ =	shalt  }
0x49: {  	_ =	shalt  }
0x4a: {  	_ =	shalt  }
0x4b: {  	_ =	shalt  }
0x4c: {  	_ =	shalt  }
0x4d: {  	_ =	shalt  }
0x4e: {  	_ =	shalt  }
0x4f: {  	_ =	shalt  }
0x50: {  	_ =	shalt  }
0x51: {  	_ =	shalt  }
0x52: {  	_ =	shalt  }
0x53: {  	_ =	shalt  }
0x54: {  	_ =	shalt  }
0x55: {  	_ =	shalt  }
0x56: {  	_ =	shalt  }
0x57: {  	_ =	shalt  }
0x58: {  	_ =	shalt  }
0x59: {  	_ =	shalt  }
0x5a: {  	_ =	shalt  }
0x5b: {  	_ =	shalt  }
0x5c: {  	_ =	shalt  }
0x5d: {  	_ =	shalt  }
0x5e: {  	_ =	shalt  }
0x5f: {  	_ =	shalt  }
0x60: {  	_ =	shalt  }
0x61: {  	_ =	shalt  }
0x62: {  	_ =	shalt  }
0x63: {  	_ =	shalt  }
0x64: {  	_ =	shalt  }
0x65: {  	_ =	shalt  }
0x66: {  	_ =	shalt  }
0x67: {  	_ =	shalt  }
0x68: {  	_ =	shalt  }
0x69: {  	_ =	shalt  }
0x6a: {  	_ =	shalt  }
0x6b: {  	_ =	shalt  }
0x6c: {  	_ =	shalt  }
0x6d: {  	_ =	shalt  }
0x6e: {  	_ =	shalt  }
0x6f: {  	_ =	shalt  }
0x70: {  	_ =	shalt  }
0x71: {  	_ =	shalt  }
0x72: {  	_ =	shalt  }
0x73: {  	_ =	shalt  }
0x74: {  	_ =	shalt  }
0x75: {  	_ =	shalt  }
0x76: {  	_ =	shalt  }
0x77: {  	_ =	shalt  }
0x78: {  	_ =	shalt  }
0x79: {  	_ =	shalt  }
0x7a: {  	_ =	shalt  }
0x7b: {  	_ =	shalt  }
0x7c: {  	_ =	shalt  }
0x7d: {  	_ =	shalt  }
0x7e: {  	_ =	shalt  }
0x7f: {  	_ =	shalt  }
0x80: {  	_ =	shalt  }
0x81: {  	_ =	shalt  }
0x82: {  	_ =	shalt  }
0x83: {  	_ =	shalt  }
0x84: {  	_ =	shalt  }
0x85: {  	_ =	shalt  }
0x86: {  	_ =	shalt  }
0x87: {  	_ =	shalt  }
.Lfunc_end0:
.L_simem_size_0:
called_computation_lowered:
.L_overlay_start_0:
0x88: {  	s2 =	sld [smem:$0x3FD9]  }
0x89: {  	s3 =	sld [smem:$0x3FFE];
	_ =	sdelay $0x1  }
0x8a: {  	s1 =	srdreg.scid  }
0x8b: {  	s0 =	sand.u32 $0x1, s1  }
0x8c: {  	s18 =	sshll.u32 s0, $0xA;
	s2 =	sadd.s32 s3, s2  }
0x8d: {  	s2 =	sadd.s32 s2, s18  }
0x8e: {  	[smem:$0x3FC6] =	sst s2  }
0x8f: {  	_ = 	snop  }
0x90: {  	s2 =	sld [smem:$0x3FC9]  }
0x91: {  	s19 =	sld [smem:$0x3FC8]  }
0x92: {  	s4 =	sld [smem:$0x3FD0];
	(tm) =	ssettm $0x1  }
0x93: {  	s5 =	sld [smem:$0x3FFB];
	_ =	sdelay $0x3  }
0x94: {  	_ =	strace s5  }
0x95: {  	s5 =	sld [smem:$0x3FFC];
	_ =	sdelay $0x3  }
0x96: {  	_ =	strace s5  }
0x97: {  	s5 =	sld [smem:$0x3FFD];
	_ =	sdelay $0x3  }
0x98: {  	_ =	strace s5  }
0x99: {  	_ =	strace $0x8FFFFFFF  }
0x9a: {  	s20 =	sld [smem:$0x3FDB];
	_ =	sdelay $0x1  }
0x9b: {  	s6 =	simm.s32 $_scs_section_size  }
0x9c: {  	s7 =	simm.s32 $_size__tile_overlayer_lowered;
	s8 =	simm.s32 $_tile_overlayer_lowered  }
0x9d: {  	s23 =	simm.s32 $0x1BFF;
	s22 =	sshll.u32 s8, $0x1;
	s5 =	sadd.s32 s6, s20  }
0x9e: {  	s9 =	simm.s32 $0x0;
	s21 =	sshll.u32 s7, $0x1;
	s7 =	sadd.s32 s22, s5  }
0x9f: {  	[timem:s9], [sflag:s23] =	dma.local [hbm:s7], s21  }
0xa0: {  	_ =	swait.ge [sflag:s23], s21  }
0xa1: {  	s6 =	ssub.s32 $0x0, s21;
	[sflag:s23] =	ssyncset.done $0x0  }
0xa2: {  	[sflag:s23] =	ssyncadd.s32 s6;
	_ =	sdelay $0x1  }
0xa3: {  	s24 =	simm.s32 $0x1B8B  }
0xa4: {  	_ =	swait.ge [sflag:s24], $0x1  }
0xa5: {  	[sflag:s24] =	ssyncset.done $0x0  }
0xa6: {  	s25 =	simm.s32 $0x1B8E;
	[sflag:s24] =	ssyncadd.s32 $0xFFFFFFFF  }
0xa7: {  	s26 =	simm.s32 $execute0_lowered;
	[smem:$0x3FD2] =	sst s25  }
0xa8: {  	s6 =	sshll.u32 s26, $0x1;
	_ =	strace $0x80000046;
	[dreg:$0x1] =	wrdreg $0xFFFFFFFF  }
0xa9: {  	s28 =	simm.s32 $_size_execute0_lowered;
	s5 =	sadd.s32 s5, s6;
	[dreg:$0x0] =	wrdreg $0x0  }
0xaa: {  	s6 =	sshll.u32 s28, $0x1;
	[dreg:$0x2] =	wrdreg s5  }
0xab: {  	[dreg:$0x3] =	wrdreg s6  }
0xac: {  	[dreg:$0x4] =	wrdreg $0xC0  }
0xad: {  	_ =	task [dreg:s9], $0x5FFFF  }
0xae: {  	[dreg:$0x1] =	wrdreg $0xFFFFFFFF  }
0xaf: {  	[dreg:$0x0] =	wrdreg $0x60  }
0xb0: {  	[dreg:$0x2] =	wrdreg s2  }
0xb1: {  	[dreg:$0x3] =	wrdreg s19  }
0xb2: {  	[dreg:$0x4] =	wrdreg s4  }
0xb3: {  	[dreg:$0x5] =	wrdreg $0x9  }
0xb4: {  	_ =	task.clear_ibuf [dreg:s9], $0x6FFFF;
	_ =	strace $0x90000046  }
0xb5: {  	s29 =	simm.s32 $0x9;
	_ =	strace $0x80000048  }
0xb6: {  	_ =	swait.ge [sflag:s29], $0x1  }
0xb7: {  	[sflag:s29] =	ssyncadd.s32 $0xFFFFFFFF  }
0xb8: {  	_ =	strace $0x90000048  }
0xb9: {  	_ =	sfence  }
0xba: {  	s30 =	sld [smem:$0x0];
	_ =	sdelay $0x2  }
0xbb: {  	s31 =	sshll.u32 s1, $0xD;
	s1 =	sshrl.u32 s1, $0x2  }
0xbc: {  	s3 =	sand.u32 $0x4000, s31;
	s1 =	sadd.s32 s1, s30  }
0xbd: {  	s0 =	sor.u32 s3, s0;
	s1 =	sshll.u32 s1, $0x11  }
0xbe: {  	s0 =	sor.u32 s1, s0  }
0xbf: {  	s0 =	sadd.s32 $0x8F2B, s0  }
0xc0: {  	[sflag:s0] =	ssyncadd.remote.s32 $0x1  }
0xc1: {  	_ =	sfence.sel $0xFFFF  }
0xc2: {  	[dreg:$0x0] =	wrdreg $0xFFFFFFFF;
	(pc) =	sbr.abs _section_cstart, $3  }
0xc3: {  	[dreg:$0x1] =	wrdreg $0xFFFFFFFF  }
0xc4: {  	_ =	task.clear_ibuf [dreg:s9], $0x2FFFF;
	_ =	strace $0x9FFFFFFF  }
0xc5: {  	(tm) =	ssettm $0x7FFFFFFF  }
tec
execute0_lowered:
.L_overlay_start_1:
0x0: {  	(tag) =	ssettag $0x1  }
0x1: {  	s0 =	srdreg.scid;
	s12 =	rddreg [dreg:$0x0]  }
0x2: {  	s13 =	rddreg [dreg:$0x1];
	s14 =	stileid.u32;
	s0 =	sand.u32 $0x1, s0  }
0x3: {  	s9 =	rddreg [dreg:$0x2];
	s31 =	sshll.u32 s14, $0xF;
	s5 =	sshll.u32 s0, $0x6  }
0x4: {  	s4 =	simm.s32 $0x0;
	s3 =	sadd.s32 $0x800, s9;
	s8 =	sor.u32 s31, s5  }
0x5: {  	[smem:$0x7FF] =	sst s4;
	s6 =	sadd.s32 $0x2600, s9;
	s10 =	sadd.s32 s8, s3  }
0x6: {  	s7 =	sadd.s32 $0x4400, s9;
	s15 =	sadd.s32 s8, s6;
	[dreg:$0x4] =	wrdreg s10  }
0x7: {  	s9 =	sadd.s32 $0x6200, s9;
	s16 =	sadd.s32 s8, s7;
	[dreg:$0x5] =	wrdreg s15  }
0x8: {  	s17 =	sadd.s32 s8, s9;
	s18 =	sor.u32 $0x10, s8;
	[dreg:$0x6] =	wrdreg s16  }
0x9: {  	[dreg:$0x7] =	wrdreg s17;
	s11 =	sadd.s32 s18, s3  }
0xa: {  	s19 =	sadd.s32 s18, s6;
	[dreg:$0x8] =	wrdreg s11  }
0xb: {  	s15 =	sadd.s32 s18, s7;
	[dreg:$0x9] =	wrdreg s19  }
0xc: {  	s20 =	sor.u32 $0x20, s8;
	s10 =	sadd.s32 s18, s9;
	[dreg:$0xa] =	wrdreg s15  }
0xd: {  	s21 =	sadd.s32 s20, s3;
	[dreg:$0xb] =	wrdreg s10  }
0xe: {  	s22 =	sadd.s32 s20, s6;
	[dreg:$0xc] =	wrdreg s21  }
0xf: {  	s23 =	sadd.s32 s20, s7;
	[dreg:$0xd] =	wrdreg s22  }
0x10: {  	s8 =	sor.u32 $0x30, s8;
	s24 =	sadd.s32 s20, s9;
	[dreg:$0xe] =	wrdreg s23  }
0x11: {  	s1 =	ssub.s32 $0x2, s0;
	s3 =	sadd.s32 s8, s3;
	[dreg:$0xf] =	wrdreg s24  }
0x12: {  	s2 =	sshrl.u32 s1, $0x1;
	s25 =	sadd.s32 s8, s6;
	[dreg:$0x10] =	wrdreg s3  }
0x13: {  	s1 =	ssub.s32 s1, s2;
	s26 =	sadd.s32 s8, s7;
	[dreg:$0x11] =	wrdreg s25  }
0x14: {  	s2 =	sadd.s32 s31, s12;
	s28 =	sadd.s32 s8, s9;
	[dreg:$0x12] =	wrdreg s26  }
0x15: {  	s29 =	sadd.s32 s31, s13;
	s2 =	sadd.s32 s5, s2;
	[dreg:$0x13] =	wrdreg s28  }
.Ltmp0:
0x16: {  	s3 =	sadd.s32 s5, s29;
	[dreg:$0x15] =	wrdreg s2;
	(pc) =	sbr.rel .LBB2_1-.Ltmp0, $4  }
0x17: {  	s0 =	sshll.u32 s0, $0x2;
	[dreg:$0x14] =	wrdreg s3  }
0x18: {  	s30 =	smax.u32 s1, $0x1;
	_ =	strace $0x80000047;
	[dreg:$0x16] =	wrdreg s0  }
0x19: {  	s31 =	sshll.u32 s14, $0x12;
	[dreg:$0x17] =	wrdreg s30  }
0x1a: {  	v0 =	vimm.f32 $0.0e+00;
	v1 =	vimm.s32 $0x0;
	s2 =	simm.s32 $0x0;
	[dreg:$0x18] =	wrdreg s31  }
.LBB2_26:
0x1b: {  	s0 =	sld [smem:$0x100];
	_ =	sdelay $0x2  }
0x1c: {  	p0 =	sne.s32 s0, $0x0  }
0x1d: {  	s0 =	simm.s32 @!p0 $0x3  }
0x1e: {  	_ =	swait.ge @!p0 [sflag:s0], $0x800  }
0x1f: {  	[sflag:s0] =	ssyncset.done @!p0 $0x0  }
0x20: {  	[sflag:s0] =	ssyncadd.s32 @!p0 $0xFFFFF800  }
0x21: {  	s0 =	sld [smem:$0x101];
	_ =	sdelay $0x2  }
0x22: {  	p0 =	sne.s32 s0, $0x0  }
0x23: {  	s0 =	simm.s32 @!p0 $0x3  }
0x24: {  	_ =	swait.ge @!p0 [sflag:s0], $0x800  }
0x25: {  	[sflag:s0] =	ssyncset.done @!p0 $0x0  }
0x26: {  	[sflag:s0] =	ssyncadd.s32 @!p0 $0xFFFFF800  }
0x27: {  	s0 =	sld [smem:$0x102];
	_ =	sdelay $0x2  }
0x28: {  	p0 =	sne.s32 s0, $0x0  }
0x29: {  	s0 =	simm.s32 @!p0 $0x3  }
0x2a: {  	_ =	swait.ge @!p0 [sflag:s0], $0x800  }
0x2b: {  	[sflag:s0] =	ssyncset.done @!p0 $0x0  }
0x2c: {  	[sflag:s0] =	ssyncadd.s32 @!p0 $0xFFFFF800  }
0x2d: {  	s0 =	sld [smem:$0x103];
	_ =	sdelay $0x2  }
0x2e: {  	p0 =	sne.s32 s0, $0x0  }
0x2f: {  	s0 =	simm.s32 @!p0 $0x3  }
0x30: {  	_ =	swait.ge @!p0 [sflag:s0], $0x800  }
0x31: {  	[sflag:s0] =	ssyncset.done @!p0 $0x0  }
0x32: {  	[sflag:s0] =	ssyncadd.s32 @!p0 $0xFFFFF800  }
0x33: {  	s0 =	sld [smem:$0x80];
	_ =	sdelay $0x2  }
0x34: {  	p0 =	sne.s32 s0, $0x0  }
0x35: {  	s0 =	simm.s32 @!p0 $0x2  }
0x36: {  	_ =	swait.ge @!p0 [sflag:s0], $0x1E00  }
0x37: {  	[sflag:s0] =	ssyncset.done @!p0 $0x0  }
0x38: {  	[sflag:s0] =	ssyncadd.s32 @!p0 $0xFFFFE200  }
0x39: {  	_ =	swait.ge @!p0 [sflag:s0], $0x1E00  }
0x3a: {  	[sflag:s0] =	ssyncset.done @!p0 $0x0  }
0x3b: {  	[sflag:s0] =	ssyncadd.s32 @!p0 $0xFFFFE200  }
0x3c: {  	_ =	swait.ge @!p0 [sflag:s0], $0x1E00  }
0x3d: {  	[sflag:s0] =	ssyncset.done @!p0 $0x0  }
0x3e: {  	[sflag:s0] =	ssyncadd.s32 @!p0 $0xFFFFE200  }
0x3f: {  	_ =	swait.ge @!p0 [sflag:s0], $0x1E00  }
0x40: {  	[sflag:s0] =	ssyncset.done @!p0 $0x0  }
0x41: {  	[sflag:s0] =	ssyncadd.s32 @!p0 $0xFFFFE200  }
0x42: {  	_ =	swait.ge @!p0 [sflag:s0], $0x1E00  }
0x43: {  	[sflag:s0] =	ssyncset.done @!p0 $0x0  }
0x44: {  	[sflag:s0] =	ssyncadd.s32 @!p0 $0xFFFFE200  }
0x45: {  	_ =	swait.ge @!p0 [sflag:s0], $0x1E00  }
0x46: {  	[sflag:s0] =	ssyncset.done @!p0 $0x0  }
0x47: {  	[sflag:s0] =	ssyncadd.s32 @!p0 $0xFFFFE200  }
0x48: {  	_ =	swait.ge @!p0 [sflag:s0], $0x1E00  }
0x49: {  	[sflag:s0] =	ssyncset.done @!p0 $0x0  }
0x4a: {  	[sflag:s0] =	ssyncadd.s32 @!p0 $0xFFFFE200  }
0x4b: {  	_ =	swait.ge @!p0 [sflag:s0], $0x1E00  }
0x4c: {  	[sflag:s0] =	ssyncset.done @!p0 $0x0  }
0x4d: {  	[sflag:s0] =	ssyncadd.s32 @!p0 $0xFFFFE200  }
0x4e: {  	_ =	swait.ge @!p0 [sflag:s0], $0x1E00  }
0x4f: {  	[sflag:s0] =	ssyncset.done @!p0 $0x0  }
0x50: {  	[sflag:s0] =	ssyncadd.s32 @!p0 $0xFFFFE200  }
0x51: {  	_ =	swait.ge @!p0 [sflag:s0], $0x1E00  }
0x52: {  	[sflag:s0] =	ssyncset.done @!p0 $0x0  }
0x53: {  	[sflag:s0] =	ssyncadd.s32 @!p0 $0xFFFFE200  }
0x54: {  	_ =	swait.ge @!p0 [sflag:s0], $0x1E00  }
0x55: {  	[sflag:s0] =	ssyncset.done @!p0 $0x0  }
0x56: {  	[sflag:s0] =	ssyncadd.s32 @!p0 $0xFFFFE200  }
0x57: {  	_ =	swait.ge @!p0 [sflag:s0], $0x1E00  }
0x58: {  	[sflag:s0] =	ssyncset.done @!p0 $0x0  }
0x59: {  	[sflag:s0] =	ssyncadd.s32 @!p0 $0xFFFFE200  }
0x5a: {  	_ =	swait.ge @!p0 [sflag:s0], $0x1E00  }
0x5b: {  	[sflag:s0] =	ssyncset.done @!p0 $0x0  }
0x5c: {  	[sflag:s0] =	ssyncadd.s32 @!p0 $0xFFFFE200  }
0x5d: {  	_ =	swait.ge @!p0 [sflag:s0], $0x1E00  }
0x5e: {  	[sflag:s0] =	ssyncset.done @!p0 $0x0  }
0x5f: {  	[sflag:s0] =	ssyncadd.s32 @!p0 $0xFFFFE200  }
0x60: {  	_ =	swait.ge @!p0 [sflag:s0], $0x1E00  }
0x61: {  	[sflag:s0] =	ssyncset.done @!p0 $0x0  }
0x62: {  	[sflag:s0] =	ssyncadd.s32 @!p0 $0xFFFFE200  }
0x63: {  	_ =	swait.ge @!p0 [sflag:s0], $0x1E00  }
0x64: {  	s2 =	rddreg [dreg:$0x19]  }
0x65: {  	s1 =	rddreg [dreg:$0x17];
	s2 =	sadd.s32 $0x1, s2  }
0x66: {  	p1 =	sne.s32 s2, s1  }
.Ltmp1:
0x67: {  	_ = 	snop;
	(pc) =	sbr.rel @!p1 .LBB2_27-.Ltmp1, $3  }
0x68: {  	_ =	sdelay $0x1  }
0x69: {  	[sflag:s0] =	ssyncset.done @!p0 $0x0  }
0x6a: {  	[sflag:s0] =	ssyncadd.s32 @!p0 $0xFFFFE200  }
.LBB2_1:
0x6b: {  	[dreg:$0x19] =	wrdreg s2;
	s0 =	simm.s32 $0x0;
	s1 =	simm.s32 $0x400  }
.LBB2_2:
0x6c: {  	p0 =	sne.s32 s1, $0x7400;
	[tilespmem:s0+$0xF0] =	vst v0  }
0x6d: {  	[tilespmem:s0+$0x0] =	vst v0  }
0x6e: {  	[tilespmem:s0+$0x10] =	vst v0  }
0x6f: {  	[tilespmem:s0+$0x20] =	vst v0  }
0x70: {  	[tilespmem:s0+$0x30] =	vst v0  }
0x71: {  	[tilespmem:s0+$0x40] =	vst v0  }
0x72: {  	[tilespmem:s0+$0x50] =	vst v0  }
0x73: {  	[tilespmem:s0+$0x60] =	vst v0  }
0x74: {  	[tilespmem:s0+$0x70] =	vst v0  }
0x75: {  	[tilespmem:s0+$0x80] =	vst v0  }
0x76: {  	[tilespmem:s0+$0x90] =	vst v0  }
.Ltmp2:
0x77: {  	[tilespmem:s0+$0xA0] =	vst v0;
	(pc) =	sbr.rel @p0 .LBB2_2-.Ltmp2, $4  }
0x78: {  	[tilespmem:s0+$0xB0] =	vst v0  }
0x79: {  	[tilespmem:s0+$0xC0] =	vst v0  }
0x7a: {  	[tilespmem:s0+$0xD0] =	vst v0  }
0x7b: {  	[tilespmem:s0+$0xE0] =	vst v0;
	s0 =	sshra.s32 s1, $0x2;
	s1 =	sadd.s32 $0x400, s1  }
0x7c: {  	[tilespmem:s0+$0xF0] =	vst v0  }
0x7d: {  	[tilespmem:s0+$0x0] =	vst v0  }
0x7e: {  	[tilespmem:s0+$0x10] =	vst v0  }
0x7f: {  	[tilespmem:s0+$0x20] =	vst v0  }
0x80: {  	[tilespmem:s0+$0x30] =	vst v0  }
0x81: {  	[tilespmem:s0+$0x40] =	vst v0  }
0x82: {  	[tilespmem:s0+$0x50] =	vst v0  }
0x83: {  	[tilespmem:s0+$0x60] =	vst v0  }
0x84: {  	[tilespmem:s0+$0x70] =	vst v0  }
0x85: {  	[tilespmem:s0+$0x80] =	vst v0  }
0x86: {  	[tilespmem:s0+$0x90] =	vst v0  }
0x87: {  	[tilespmem:s0+$0xA0] =	vst v0  }
0x88: {  	[tilespmem:s0+$0xB0] =	vst v0  }
0x89: {  	[tilespmem:s0+$0xC0] =	vst v0  }
0x8a: {  	[tilespmem:s0+$0xD0] =	vst v0  }
0x8b: {  	[tilespmem:s0+$0xE0] =	vst v0;
	s0 =	simm.s32 $0x0  }
0x8c: {  	s1 =	rddreg [dreg:$0x4];
	s2 =	simm.s32 $0x80;
	s3 =	simm.s32 $0x400  }
0x8d: {  	[hbm4b:s1+s2] =	stream.strided.scatter [tilespmem:s0], [sflag:$0x2], $0x1E00, s3, s2, $0x38;
	[tilespmem:$0x7E00] =	vst v63  }
0x8e: {  	s9 =	rddreg [dreg:$0x5]  }
0x8f: {  	[hbm4b:s9+s2] =	stream.strided.scatter [tilespmem:s0], [sflag:$0x2], $0x1E00, s3, s2, $0x38;
	[tilespmem:$0x7E00] =	vst v63  }
0x90: {  	s10 =	rddreg [dreg:$0x6]  }
0x91: {  	[hbm4b:s10+s2] =	stream.strided.scatter [tilespmem:s0], [sflag:$0x2], $0x1E00, s3, s2, $0x38;
	[tilespmem:$0x7E00] =	vst v63  }
0x92: {  	s11 =	rddreg [dreg:$0x7]  }
0x93: {  	[hbm4b:s11+s2] =	stream.strided.scatter [tilespmem:s0], [sflag:$0x2], $0x1E00, s3, s2, $0x38;
	[tilespmem:$0x7E00] =	vst v63  }
0x94: {  	s12 =	rddreg [dreg:$0x8]  }
0x95: {  	[hbm4b:s12+s2] =	stream.strided.scatter [tilespmem:s0], [sflag:$0x2], $0x1E00, s3, s2, $0x38;
	[tilespmem:$0x7E00] =	vst v63  }
0x96: {  	s13 =	rddreg [dreg:$0x9]  }
0x97: {  	[hbm4b:s13+s2] =	stream.strided.scatter [tilespmem:s0], [sflag:$0x2], $0x1E00, s3, s2, $0x38;
	[tilespmem:$0x7E00] =	vst v63  }
0x98: {  	s14 =	rddreg [dreg:$0xa]  }
0x99: {  	[hbm4b:s14+s2] =	stream.strided.scatter [tilespmem:s0], [sflag:$0x2], $0x1E00, s3, s2, $0x38;
	[tilespmem:$0x7E00] =	vst v63  }
0x9a: {  	s15 =	rddreg [dreg:$0xb]  }
0x9b: {  	[hbm4b:s15+s2] =	stream.strided.scatter [tilespmem:s0], [sflag:$0x2], $0x1E00, s3, s2, $0x38;
	[tilespmem:$0x7E00] =	vst v63  }
0x9c: {  	s16 =	rddreg [dreg:$0xc]  }
0x9d: {  	[hbm4b:s16+s2] =	stream.strided.scatter [tilespmem:s0], [sflag:$0x2], $0x1E00, s3, s2, $0x38;
	[tilespmem:$0x7E00] =	vst v63  }
0x9e: {  	s17 =	rddreg [dreg:$0xd]  }
0x9f: {  	[hbm4b:s17+s2] =	stream.strided.scatter [tilespmem:s0], [sflag:$0x2], $0x1E00, s3, s2, $0x38;
	[tilespmem:$0x7E00] =	vst v63  }
0xa0: {  	s18 =	rddreg [dreg:$0xe]  }
0xa1: {  	[hbm4b:s18+s2] =	stream.strided.scatter [tilespmem:s0], [sflag:$0x2], $0x1E00, s3, s2, $0x38;
	[tilespmem:$0x7E00] =	vst v63  }
0xa2: {  	s19 =	rddreg [dreg:$0xf]  }
0xa3: {  	[hbm4b:s19+s2] =	stream.strided.scatter [tilespmem:s0], [sflag:$0x2], $0x1E00, s3, s2, $0x38;
	[tilespmem:$0x7E00] =	vst v63  }
0xa4: {  	s20 =	rddreg [dreg:$0x10]  }
0xa5: {  	[hbm4b:s20+s2] =	stream.strided.scatter [tilespmem:s0], [sflag:$0x2], $0x1E00, s3, s2, $0x38;
	[tilespmem:$0x7E00] =	vst v63  }
0xa6: {  	s21 =	rddreg [dreg:$0x11]  }
0xa7: {  	[hbm4b:s21+s2] =	stream.strided.scatter [tilespmem:s0], [sflag:$0x2], $0x1E00, s3, s2, $0x38;
	[tilespmem:$0x7E00] =	vst v63  }
0xa8: {  	s22 =	rddreg [dreg:$0x12]  }
0xa9: {  	[hbm4b:s22+s2] =	stream.strided.scatter [tilespmem:s0], [sflag:$0x2], $0x1E00, s3, s2, $0x38;
	[tilespmem:$0x7E00] =	vst v63  }
0xaa: {  	s23 =	rddreg [dreg:$0x13]  }
0xab: {  	[hbm4b:s23+s2] =	stream.strided.scatter [tilespmem:s0], [sflag:$0x2], $0x1E00, s3, s2, $0x38;
	[tilespmem:$0x7E00] =	vst v63  }
0xac: {  	s24 =	simm.s32 $0x1E00;
	s3 =	rddreg [dreg:$0x15]  }
0xad: {  	[tilespmem:s24], [sflag:$0x1] =	stream.linear.gather [hbm4b:s3+s4], $0x80, $0x38;
	[tilespmem:$0x7E00] =	vst v63  }
0xae: {  	s26 =	simm.s32 $0x2000;
	s25 =	sadd.s32 $0x80, s3  }
0xaf: {  	[tilespmem:s26], [sflag:$0x1] =	stream.linear.gather [hbm4b:s25+s4], $0x80, $0x38;
	[tilespmem:$0x7E00] =	vst v63  }
0xb0: {  	s29 =	simm.s32 $0x2200;
	s28 =	sadd.s32 $0x100, s3  }
0xb1: {  	[tilespmem:s29], [sflag:$0x1] =	stream.linear.gather [hbm4b:s28+s4], $0x80, $0x38;
	[tilespmem:$0x7E00] =	vst v63  }
0xb2: {  	s31 =	simm.s32 $0x2400;
	s30 =	sadd.s32 $0x180, s3  }
0xb3: {  	[tilespmem:s31], [sflag:$0x1] =	stream.linear.gather [hbm4b:s30+s4], $0x80, $0x38;
	[tilespmem:$0x7E00] =	vst v63  }
0xb4: {  	s5 =	simm.s32 $0x2600;
	s2 =	sadd.s32 $0x200, s3  }
0xb5: {  	[tilespmem:s5], [sflag:$0x1] =	stream.linear.gather [hbm4b:s2+s4], $0x80, $0x38;
	[tilespmem:$0x7E00] =	vst v63  }
0xb6: {  	s7 =	simm.s32 $0x2800;
	s6 =	sadd.s32 $0x280, s3  }
0xb7: {  	[tilespmem:s7], [sflag:$0x1] =	stream.linear.gather [hbm4b:s6+s4], $0x80, $0x38;
	[tilespmem:$0x7E00] =	vst v63  }
0xb8: {  	s9 =	simm.s32 $0x2A00;
	s8 =	sadd.s32 $0x300, s3  }
0xb9: {  	[tilespmem:s9], [sflag:$0x1] =	stream.linear.gather [hbm4b:s8+s4], $0x80, $0x38;
	[tilespmem:$0x7E00] =	vst v63  }
0xba: {  	s11 =	simm.s32 $0x2C00;
	s10 =	sadd.s32 $0x380, s3  }
0xbb: {  	[tilespmem:s11], [sflag:$0x1] =	stream.linear.gather [hbm4b:s10+s4], $0x80, $0x38;
	[tilespmem:$0x7E00] =	vst v63  }
0xbc: {  	s13 =	simm.s32 $0x2E00;
	s12 =	sadd.s32 $0x400, s3  }
0xbd: {  	[tilespmem:s13], [sflag:$0x1] =	stream.linear.gather [hbm4b:s12+s4], $0x80, $0x38;
	[tilespmem:$0x7E00] =	vst v63  }
0xbe: {  	s15 =	simm.s32 $0x3000;
	s14 =	sadd.s32 $0x480, s3  }
0xbf: {  	[tilespmem:s15], [sflag:$0x1] =	stream.linear.gather [hbm4b:s14+s4], $0x80, $0x38;
	[tilespmem:$0x7E00] =	vst v63  }
0xc0: {  	s17 =	simm.s32 $0x3200;
	s16 =	sadd.s32 $0x500, s3  }
0xc1: {  	[tilespmem:s17], [sflag:$0x1] =	stream.linear.gather [hbm4b:s16+s4], $0x80, $0x38;
	[tilespmem:$0x7E00] =	vst v63  }
0xc2: {  	s19 =	simm.s32 $0x3400;
	s18 =	sadd.s32 $0x580, s3  }
0xc3: {  	[tilespmem:s19], [sflag:$0x1] =	stream.linear.gather [hbm4b:s18+s4], $0x80, $0x38;
	[tilespmem:$0x7E00] =	vst v63  }
0xc4: {  	s21 =	simm.s32 $0x3600;
	s20 =	sadd.s32 $0x600, s3  }
0xc5: {  	[tilespmem:s21], [sflag:$0x1] =	stream.linear.gather [hbm4b:s20+s4], $0x80, $0x38;
	[tilespmem:$0x7E00] =	vst v63  }
0xc6: {  	s23 =	simm.s32 $0x3800;
	s22 =	sadd.s32 $0x680, s3  }
0xc7: {  	[tilespmem:s23], [sflag:$0x1] =	stream.linear.gather [hbm4b:s22+s4], $0x80, $0x38;
	[tilespmem:$0x7E00] =	vst v63  }
0xc8: {  	s24 =	sadd.s32 $0x700, s3;
	s25 =	simm.s32 $0x3A00  }
0xc9: {  	[tilespmem:s25], [sflag:$0x1] =	stream.linear.gather [hbm4b:s24+s4], $0x80, $0x38;
	[tilespmem:$0x7E00] =	vst v63  }
0xca: {  	s26 =	sadd.s32 $0x780, s3;
	s28 =	simm.s32 $0x3C00  }
0xcb: {  	[tilespmem:s28], [sflag:$0x1] =	stream.linear.gather [hbm4b:s26+s4], $0x80, $0x38;
	[tilespmem:$0x7E00] =	vst v63  }
0xcc: {  	s29 =	simm.s32 $0x3E00;
	s5 =	rddreg [dreg:$0x14]  }
0xcd: {  	[tilespmem:s29], [sflag:$0x1] =	stream.linear.gather [hbm4b:s5+s4], $0x80, $0x38;
	[tilespmem:$0x7E00] =	vst v63  }
0xce: {  	s31 =	simm.s32 $0x4000;
	s30 =	sadd.s32 $0x80, s5  }
0xcf: {  	[tilespmem:s31], [sflag:$0x1] =	stream.linear.gather [hbm4b:s30+s4], $0x80, $0x38;
	[tilespmem:$0x7E00] =	vst v63  }
0xd0: {  	s2 =	sadd.s32 $0x100, s5;
	s6 =	simm.s32 $0x4200  }
0xd1: {  	[tilespmem:s6], [sflag:$0x1] =	stream.linear.gather [hbm4b:s2+s4], $0x80, $0x38;
	[tilespmem:$0x7E00] =	vst v63  }
0xd2: {  	s7 =	sadd.s32 $0x180, s5;
	s8 =	simm.s32 $0x4400  }
0xd3: {  	[tilespmem:s8], [sflag:$0x1] =	stream.linear.gather [hbm4b:s7+s4], $0x80, $0x38;
	[tilespmem:$0x7E00] =	vst v63  }
0xd4: {  	s9 =	sadd.s32 $0x200, s5;
	s10 =	simm.s32 $0x4600  }
0xd5: {  	[tilespmem:s10], [sflag:$0x1] =	stream.linear.gather [hbm4b:s9+s4], $0x80, $0x38;
	[tilespmem:$0x7E00] =	vst v63  }
0xd6: {  	s11 =	sadd.s32 $0x280, s5;
	s12 =	simm.s32 $0x4800  }
0xd7: {  	[tilespmem:s12], [sflag:$0x1] =	stream.linear.gather [hbm4b:s11+s4], $0x80, $0x38;
	[tilespmem:$0x7E00] =	vst v63  }
0xd8: {  	s13 =	sadd.s32 $0x300, s5;
	s14 =	simm.s32 $0x4A00  }
0xd9: {  	[tilespmem:s14], [sflag:$0x1] =	stream.linear.gather [hbm4b:s13+s4], $0x80, $0x38;
	[tilespmem:$0x7E00] =	vst v63  }
0xda: {  	s15 =	sadd.s32 $0x380, s5;
	s16 =	simm.s32 $0x4C00  }
0xdb: {  	[tilespmem:s16], [sflag:$0x1] =	stream.linear.gather [hbm4b:s15+s4], $0x80, $0x38;
	[tilespmem:$0x7E00] =	vst v63  }
0xdc: {  	[smem:$0x80] =	sst s0;
	s17 =	sadd.s32 $0x400, s5;
	s18 =	simm.s32 $0x4E00  }
0xdd: {  	[tilespmem:s18], [sflag:$0x1] =	stream.linear.gather [hbm4b:s17+s4], $0x80, $0x38;
	[tilespmem:$0x7E00] =	vst v63  }
0xde: {  	s0 =	simm.s32 $0x80;
	s19 =	sadd.s32 $0x480, s5;
	s20 =	simm.s32 $0x5000  }
0xdf: {  	[tilespmem:s20], [sflag:$0x1] =	stream.linear.gather [hbm4b:s19+s4], $0x80, $0x38;
	[tilespmem:$0x7E00] =	vst v63  }
0xe0: {  	s1 =	sadd.s32 $0x10, s5;
	s21 =	sadd.s32 $0x500, s5;
	s22 =	simm.s32 $0x5200  }
0xe1: {  	[tilespmem:s22], [sflag:$0x1] =	stream.linear.gather [hbm4b:s21+s4], $0x80, $0x38;
	[tilespmem:$0x7E00] =	vst v63  }
0xe2: {  	s23 =	sadd.s32 $0x580, s5;
	s24 =	simm.s32 $0x5400;
	s25 =	sadd.s32 $0x600, s5  }
0xe3: {  	[tilespmem:s24], [sflag:$0x1] =	stream.linear.gather [hbm4b:s23+s4], $0x80, $0x38;
	[tilespmem:$0x7E00] =	vst v63  }
0xe4: {  	s26 =	simm.s32 $0x5600;
	s28 =	sadd.s32 $0x680, s5;
	s29 =	simm.s32 $0x5800  }
0xe5: {  	[tilespmem:s26], [sflag:$0x1] =	stream.linear.gather [hbm4b:s25+s4], $0x80, $0x38;
	[tilespmem:$0x7E00] =	vst v63  }
0xe6: {  	s30 =	sadd.s32 $0x700, s5;
	s31 =	simm.s32 $0x5A00;
	s6 =	simm.s32 $0x400  }
0xe7: {  	[tilespmem:s29], [sflag:$0x1] =	stream.linear.gather [hbm4b:s28+s4], $0x80, $0x38;
	[tilespmem:$0x7E00] =	vst v63  }
0xe8: {  	s2 =	sadd.s32 $0x10, s3;
	s3 =	simm.s32 $0x5C00;
	s7 =	sadd.s32 $0x780, s5  }
0xe9: {  	[tilespmem:s31], [sflag:$0x1] =	stream.linear.gather [hbm4b:s30+s4], $0x80, $0x38;
	[tilespmem:$0x7E00] =	vst v63  }
.LBB2_4:
0xea: {  	[tilespmem:s3], [sflag:$0x1] =	stream.linear.gather [hbm4b:s7+s4], $0x80, $0x38;
	[tilespmem:$0x7E00] =	vst v63  }
0xeb: {  	s3 =	smov.u32 s0;
	s0 =	smov.u32 s6  }
0xec: {  	s5 =	sadd.s32 $0x200, s6;
	s0 =	sshra.s32 s0, $0x2;
	s7 =	sadd.s32 $0x1E00, s3  }
0xed: {  	[tilespmem:s7], [sflag:$0x1] =	stream.linear.gather [hbm4b:s2+s4], $0x80, $0x38;
	[tilespmem:$0x7E00] =	vst v63  }
0xee: {  	p0 =	sne.s32 s6, $0x600;
	s6 =	sadd.s32 $0x80, s2;
	s7 =	sadd.s32 $0x2000, s3  }
0xef: {  	[tilespmem:s7], [sflag:$0x1] =	stream.linear.gather [hbm4b:s6+s4], $0x80, $0x38;
	[tilespmem:$0x7E00] =	vst v63  }
0xf0: {  	s6 =	sadd.s32 $0x100, s2;
	s7 =	sadd.s32 $0x2200, s3  }
0xf1: {  	[tilespmem:s7], [sflag:$0x1] =	stream.linear.gather [hbm4b:s6+s4], $0x80, $0x38;
	[tilespmem:$0x7E00] =	vst v63  }
0xf2: {  	s6 =	sadd.s32 $0x180, s2;
	s7 =	sadd.s32 $0x2400, s3  }
0xf3: {  	[tilespmem:s7], [sflag:$0x1] =	stream.linear.gather [hbm4b:s6+s4], $0x80, $0x38;
	[tilespmem:$0x7E00] =	vst v63  }
0xf4: {  	s6 =	sadd.s32 $0x200, s2;
	s7 =	sadd.s32 $0x2600, s3  }
0xf5: {  	[tilespmem:s7], [sflag:$0x1] =	stream.linear.gather [hbm4b:s6+s4], $0x80, $0x38;
	[tilespmem:$0x7E00] =	vst v63  }
0xf6: {  	s6 =	sadd.s32 $0x280, s2;
	s7 =	sadd.s32 $0x2800, s3  }
0xf7: {  	[tilespmem:s7], [sflag:$0x1] =	stream.linear.gather [hbm4b:s6+s4], $0x80, $0x38;
	[tilespmem:$0x7E00] =	vst v63  }
0xf8: {  	s6 =	sadd.s32 $0x300, s2;
	s7 =	sadd.s32 $0x2A00, s3  }
0xf9: {  	[tilespmem:s7], [sflag:$0x1] =	stream.linear.gather [hbm4b:s6+s4], $0x80, $0x38;
	[tilespmem:$0x7E00] =	vst v63  }
0xfa: {  	s6 =	sadd.s32 $0x380, s2;
	s7 =	sadd.s32 $0x2C00, s3  }
0xfb: {  	[tilespmem:s7], [sflag:$0x1] =	stream.linear.gather [hbm4b:s6+s4], $0x80, $0x38;
	[tilespmem:$0x7E00] =	vst v63  }
0xfc: {  	s6 =	sadd.s32 $0x400, s2;
	s7 =	sadd.s32 $0x2E00, s3  }
0xfd: {  	[tilespmem:s7], [sflag:$0x1] =	stream.linear.gather [hbm4b:s6+s4], $0x80, $0x38;
	[tilespmem:$0x7E00] =	vst v63  }
0xfe: {  	s6 =	sadd.s32 $0x480, s2;
	s7 =	sadd.s32 $0x3000, s3  }
0xff: {  	[tilespmem:s7], [sflag:$0x1] =	stream.linear.gather [hbm4b:s6+s4], $0x80, $0x38;
	[tilespmem:$0x7E00] =	vst v63  }
0x100: {  	s6 =	sadd.s32 $0x500, s2;
	s7 =	sadd.s32 $0x3200, s3  }
0x101: {  	[tilespmem:s7], [sflag:$0x1] =	stream.linear.gather [hbm4b:s6+s4], $0x80, $0x38;
	[tilespmem:$0x7E00] =	vst v63  }
0x102: {  	s6 =	sadd.s32 $0x580, s2;
	s7 =	sadd.s32 $0x3400, s3  }
0x103: {  	[tilespmem:s7], [sflag:$0x1] =	stream.linear.gather [hbm4b:s6+s4], $0x80, $0x38;
	[tilespmem:$0x7E00] =	vst v63  }
0x104: {  	s6 =	sadd.s32 $0x600, s2;
	s7 =	sadd.s32 $0x3600, s3  }
0x105: {  	[tilespmem:s7], [sflag:$0x1] =	stream.linear.gather [hbm4b:s6+s4], $0x80, $0x38;
	[tilespmem:$0x7E00] =	vst v63  }
0x106: {  	s6 =	sadd.s32 $0x680, s2;
	s7 =	sadd.s32 $0x3800, s3  }
0x107: {  	[tilespmem:s7], [sflag:$0x1] =	stream.linear.gather [hbm4b:s6+s4], $0x80, $0x38;
	[tilespmem:$0x7E00] =	vst v63  }
0x108: {  	s6 =	sadd.s32 $0x700, s2;
	s7 =	sadd.s32 $0x3A00, s3  }
0x109: {  	[tilespmem:s7], [sflag:$0x1] =	stream.linear.gather [hbm4b:s6+s4], $0x80, $0x38;
	[tilespmem:$0x7E00] =	vst v63  }
0x10a: {  	s6 =	sadd.s32 $0x780, s2;
	s7 =	sadd.s32 $0x3C00, s3  }
0x10b: {  	[tilespmem:s7], [sflag:$0x1] =	stream.linear.gather [hbm4b:s6+s4], $0x80, $0x38;
	[tilespmem:$0x7E00] =	vst v63  }
0x10c: {  	s6 =	sadd.s32 $0x3E00, s3  }
0x10d: {  	[tilespmem:s6], [sflag:$0x1] =	stream.linear.gather [hbm4b:s1+s4], $0x80, $0x38;
	[tilespmem:$0x7E00] =	vst v63  }
0x10e: {  	s7 =	sadd.s32 $0x4000, s3;
	s6 =	sadd.s32 $0x80, s1  }
0x10f: {  	[tilespmem:s7], [sflag:$0x1] =	stream.linear.gather [hbm4b:s6+s4], $0x80, $0x38;
	[tilespmem:$0x7E00] =	vst v63  }
0x110: {  	s6 =	sadd.s32 $0x100, s1;
	s7 =	sadd.s32 $0x4200, s3  }
0x111: {  	[tilespmem:s7], [sflag:$0x1] =	stream.linear.gather [hbm4b:s6+s4], $0x80, $0x38;
	[tilespmem:$0x7E00] =	vst v63  }
0x112: {  	s6 =	sadd.s32 $0x180, s1;
	s7 =	sadd.s32 $0x4400, s3  }
0x113: {  	[tilespmem:s7], [sflag:$0x1] =	stream.linear.gather [hbm4b:s6+s4], $0x80, $0x38;
	[tilespmem:$0x7E00] =	vst v63  }
0x114: {  	s6 =	sadd.s32 $0x200, s1;
	s7 =	sadd.s32 $0x4600, s3  }
0x115: {  	[tilespmem:s7], [sflag:$0x1] =	stream.linear.gather [hbm4b:s6+s4], $0x80, $0x38;
	[tilespmem:$0x7E00] =	vst v63  }
0x116: {  	s6 =	sadd.s32 $0x280, s1;
	s7 =	sadd.s32 $0x4800, s3  }
0x117: {  	[tilespmem:s7], [sflag:$0x1] =	stream.linear.gather [hbm4b:s6+s4], $0x80, $0x38;
	[tilespmem:$0x7E00] =	vst v63  }
0x118: {  	s6 =	sadd.s32 $0x300, s1;
	s7 =	sadd.s32 $0x4A00, s3  }
0x119: {  	[tilespmem:s7], [sflag:$0x1] =	stream.linear.gather [hbm4b:s6+s4], $0x80, $0x38;
	[tilespmem:$0x7E00] =	vst v63  }
0x11a: {  	s6 =	sadd.s32 $0x380, s1;
	s7 =	sadd.s32 $0x4C00, s3  }
0x11b: {  	[tilespmem:s7], [sflag:$0x1] =	stream.linear.gather [hbm4b:s6+s4], $0x80, $0x38;
	[tilespmem:$0x7E00] =	vst v63  }
0x11c: {  	s6 =	sadd.s32 $0x400, s1;
	s7 =	sadd.s32 $0x4E00, s3  }
0x11d: {  	[tilespmem:s7], [sflag:$0x1] =	stream.linear.gather [hbm4b:s6+s4], $0x80, $0x38;
	[tilespmem:$0x7E00] =	vst v63  }
0x11e: {  	s6 =	sadd.s32 $0x480, s1;
	s7 =	sadd.s32 $0x5000, s3  }
0x11f: {  	[tilespmem:s7], [sflag:$0x1] =	stream.linear.gather [hbm4b:s6+s4], $0x80, $0x38;
	[tilespmem:$0x7E00] =	vst v63  }
0x120: {  	s6 =	sadd.s32 $0x500, s1;
	s7 =	sadd.s32 $0x5200, s3  }
0x121: {  	[tilespmem:s7], [sflag:$0x1] =	stream.linear.gather [hbm4b:s6+s4], $0x80, $0x38;
	[tilespmem:$0x7E00] =	vst v63  }
0x122: {  	s6 =	sadd.s32 $0x580, s1;
	s7 =	sadd.s32 $0x5400, s3  }
0x123: {  	[tilespmem:s7], [sflag:$0x1] =	stream.linear.gather [hbm4b:s6+s4], $0x80, $0x38;
	[tilespmem:$0x7E00] =	vst v63  }
0x124: {  	s2 =	sadd.s32 $0x10, s2;
	s6 =	sadd.s32 $0x600, s1;
	s7 =	sadd.s32 $0x5600, s3  }
0x125: {  	[tilespmem:s7], [sflag:$0x1] =	stream.linear.gather [hbm4b:s6+s4], $0x80, $0x38;
	[tilespmem:$0x7E00] =	vst v63  }
.Ltmp3:
0x126: {  	s6 =	sadd.s32 $0x680, s1;
	s7 =	sadd.s32 $0x5800, s3;
	(pc) =	sbr.rel @p0 .LBB2_4-.Ltmp3, $4  }
0x127: {  	[tilespmem:s7], [sflag:$0x1] =	stream.linear.gather [hbm4b:s6+s4], $0x80, $0x38;
	[tilespmem:$0x7E00] =	vst v63  }
0x128: {  	s6 =	sadd.s32 $0x700, s1;
	s7 =	sadd.s32 $0x5A00, s3;
	s3 =	sadd.s32 $0x5C00, s3  }
0x129: {  	[tilespmem:s7], [sflag:$0x1] =	stream.linear.gather [hbm4b:s6+s4], $0x80, $0x38;
	[tilespmem:$0x7E00] =	vst v63  }
0x12a: {  	s7 =	sadd.s32 $0x780, s1;
	s1 =	sadd.s32 $0x10, s1;
	s6 =	smov.u32 s5  }
0x12b: {  	[tilespmem:s3], [sflag:$0x1] =	stream.linear.gather [hbm4b:s7+s4], $0x80, $0x38;
	[tilespmem:$0x7E00] =	vst v63  }
0x12c: {  	s21 =	sadd.s32 $0x1E00, s0  }
0x12d: {  	[tilespmem:s21], [sflag:$0x1] =	stream.linear.gather [hbm4b:s2+s4], $0x80, $0x38;
	[tilespmem:$0x7E00] =	vst v63  }
0x12e: {  	s22 =	sadd.s32 $0x80, s2;
	s5 =	sadd.s32 $0x2000, s0  }
0x12f: {  	[tilespmem:s5], [sflag:$0x1] =	stream.linear.gather [hbm4b:s22+s4], $0x80, $0x38;
	[tilespmem:$0x7E00] =	vst v63  }
0x130: {  	s23 =	sadd.s32 $0x100, s2;
	s24 =	sadd.s32 $0x2200, s0  }
0x131: {  	[tilespmem:s24], [sflag:$0x1] =	stream.linear.gather [hbm4b:s23+s4], $0x80, $0x38;
	[tilespmem:$0x7E00] =	vst v63  }
0x132: {  	s25 =	sadd.s32 $0x180, s2;
	s26 =	sadd.s32 $0x2400, s0  }
0x133: {  	[tilespmem:s26], [sflag:$0x1] =	stream.linear.gather [hbm4b:s25+s4], $0x80, $0x38;
	[tilespmem:$0x7E00] =	vst v63  }
0x134: {  	s28 =	sadd.s32 $0x200, s2;
	s29 =	sadd.s32 $0x2600, s0  }
0x135: {  	[tilespmem:s29], [sflag:$0x1] =	stream.linear.gather [hbm4b:s28+s4], $0x80, $0x38;
	[tilespmem:$0x7E00] =	vst v63  }
0x136: {  	s30 =	sadd.s32 $0x280, s2;
	s31 =	sadd.s32 $0x2800, s0  }
0x137: {  	[tilespmem:s31], [sflag:$0x1] =	stream.linear.gather [hbm4b:s30+s4], $0x80, $0x38;
	[tilespmem:$0x7E00] =	vst v63  }
0x138: {  	s6 =	sadd.s32 $0x300, s2;
	s7 =	sadd.s32 $0x2A00, s0  }
0x139: {  	[tilespmem:s7], [sflag:$0x1] =	stream.linear.gather [hbm4b:s6+s4], $0x80, $0x38;
	[tilespmem:$0x7E00] =	vst v63  }
0x13a: {  	s8 =	sadd.s32 $0x380, s2;
	s9 =	sadd.s32 $0x2C00, s0  }
0x13b: {  	[tilespmem:s9], [sflag:$0x1] =	stream.linear.gather [hbm4b:s8+s4], $0x80, $0x38;
	[tilespmem:$0x7E00] =	vst v63  }
0x13c: {  	s10 =	sadd.s32 $0x400, s2;
	s11 =	sadd.s32 $0x2E00, s0  }
0x13d: {  	[tilespmem:s11], [sflag:$0x1] =	stream.linear.gather [hbm4b:s10+s4], $0x80, $0x38;
	[tilespmem:$0x7E00] =	vst v63  }
0x13e: {  	s12 =	sadd.s32 $0x480, s2;
	s13 =	sadd.s32 $0x3000, s0  }
0x13f: {  	[tilespmem:s13], [sflag:$0x1] =	stream.linear.gather [hbm4b:s12+s4], $0x80, $0x38;
	[tilespmem:$0x7E00] =	vst v63  }
0x140: {  	s14 =	sadd.s32 $0x500, s2;
	s15 =	sadd.s32 $0x3200, s0  }
0x141: {  	[tilespmem:s15], [sflag:$0x1] =	stream.linear.gather [hbm4b:s14+s4], $0x80, $0x38;
	[tilespmem:$0x7E00] =	vst v63  }
0x142: {  	s16 =	sadd.s32 $0x580, s2;
	s17 =	sadd.s32 $0x3400, s0  }
0x143: {  	[tilespmem:s17], [sflag:$0x1] =	stream.linear.gather [hbm4b:s16+s4], $0x80, $0x38;
	[tilespmem:$0x7E00] =	vst v63  }
0x144: {  	s18 =	sadd.s32 $0x600, s2;
	s19 =	sadd.s32 $0x3600, s0  }
0x145: {  	[tilespmem:s19], [sflag:$0x1] =	stream.linear.gather [hbm4b:s18+s4], $0x80, $0x38;
	[tilespmem:$0x7E00] =	vst v63  }
0x146: {  	s20 =	sadd.s32 $0x680, s2;
	s21 =	sadd.s32 $0x3800, s0  }
0x147: {  	[tilespmem:s21], [sflag:$0x1] =	stream.linear.gather [hbm4b:s20+s4], $0x80, $0x38;
	[tilespmem:$0x7E00] =	vst v63  }
0x148: {  	s22 =	sadd.s32 $0x700, s2;
	s23 =	sadd.s32 $0x3A00, s0  }
0x149: {  	[tilespmem:s23], [sflag:$0x1] =	stream.linear.gather [hbm4b:s22+s4], $0x80, $0x38;
	[tilespmem:$0x7E00] =	vst v63  }
0x14a: {  	s24 =	sadd.s32 $0x780, s2;
	s25 =	sadd.s32 $0x3C00, s0  }
0x14b: {  	[tilespmem:s25], [sflag:$0x1] =	stream.linear.gather [hbm4b:s24+s4], $0x80, $0x38;
	[tilespmem:$0x7E00] =	vst v63  }
0x14c: {  	s26 =	sadd.s32 $0x3E00, s0  }
0x14d: {  	[tilespmem:s26], [sflag:$0x1] =	stream.linear.gather [hbm4b:s1+s4], $0x80, $0x38;
	[tilespmem:$0x7E00] =	vst v63  }
0x14e: {  	s28 =	sadd.s32 $0x80, s1;
	s29 =	sadd.s32 $0x4000, s0  }
0x14f: {  	[tilespmem:s29], [sflag:$0x1] =	stream.linear.gather [hbm4b:s28+s4], $0x80, $0x38;
	[tilespmem:$0x7E00] =	vst v63  }
0x150: {  	s30 =	sadd.s32 $0x100, s1;
	s31 =	sadd.s32 $0x4200, s0  }
0x151: {  	[tilespmem:s31], [sflag:$0x1] =	stream.linear.gather [hbm4b:s30+s4], $0x80, $0x38;
	[tilespmem:$0x7E00] =	vst v63  }
0x152: {  	s3 =	sadd.s32 $0x180, s1;
	s5 =	sadd.s32 $0x4400, s0  }
0x153: {  	[tilespmem:s5], [sflag:$0x1] =	stream.linear.gather [hbm4b:s3+s4], $0x80, $0x38;
	[tilespmem:$0x7E00] =	vst v63  }
0x154: {  	s6 =	sadd.s32 $0x200, s1;
	s7 =	sadd.s32 $0x4600, s0  }
0x155: {  	[tilespmem:s7], [sflag:$0x1] =	stream.linear.gather [hbm4b:s6+s4], $0x80, $0x38;
	[tilespmem:$0x7E00] =	vst v63  }
0x156: {  	s8 =	sadd.s32 $0x280, s1;
	s9 =	sadd.s32 $0x4800, s0  }
0x157: {  	[tilespmem:s9], [sflag:$0x1] =	stream.linear.gather [hbm4b:s8+s4], $0x80, $0x38;
	[tilespmem:$0x7E00] =	vst v63  }
0x158: {  	s10 =	sadd.s32 $0x300, s1;
	s11 =	sadd.s32 $0x4A00, s0  }
0x159: {  	[tilespmem:s11], [sflag:$0x1] =	stream.linear.gather [hbm4b:s10+s4], $0x80, $0x38;
	[tilespmem:$0x7E00] =	vst v63  }
0x15a: {  	s12 =	sadd.s32 $0x380, s1;
	s13 =	sadd.s32 $0x4C00, s0  }
0x15b: {  	[tilespmem:s13], [sflag:$0x1] =	stream.linear.gather [hbm4b:s12+s4], $0x80, $0x38;
	[tilespmem:$0x7E00] =	vst v63  }
0x15c: {  	s14 =	sadd.s32 $0x400, s1;
	s15 =	sadd.s32 $0x4E00, s0  }
0x15d: {  	[tilespmem:s15], [sflag:$0x1] =	stream.linear.gather [hbm4b:s14+s4], $0x80, $0x38;
	[tilespmem:$0x7E00] =	vst v63  }
0x15e: {  	s16 =	sadd.s32 $0x480, s1;
	s17 =	sadd.s32 $0x5000, s0  }
0x15f: {  	[tilespmem:s17], [sflag:$0x1] =	stream.linear.gather [hbm4b:s16+s4], $0x80, $0x38;
	[tilespmem:$0x7E00] =	vst v63  }
0x160: {  	s18 =	sadd.s32 $0x500, s1;
	s19 =	sadd.s32 $0x5200, s0  }
0x161: {  	[tilespmem:s19], [sflag:$0x1] =	stream.linear.gather [hbm4b:s18+s4], $0x80, $0x38;
	[tilespmem:$0x7E00] =	vst v63  }
0x162: {  	s20 =	sadd.s32 $0x580, s1;
	s21 =	sadd.s32 $0x5400, s0  }
0x163: {  	[tilespmem:s21], [sflag:$0x1] =	stream.linear.gather [hbm4b:s20+s4], $0x80, $0x38;
	[tilespmem:$0x7E00] =	vst v63  }
0x164: {  	s22 =	sadd.s32 $0x600, s1;
	s23 =	sadd.s32 $0x5600, s0  }
0x165: {  	[tilespmem:s23], [sflag:$0x1] =	stream.linear.gather [hbm4b:s22+s4], $0x80, $0x38;
	[tilespmem:$0x7E00] =	vst v63  }
0x166: {  	s24 =	sadd.s32 $0x680, s1;
	s25 =	sadd.s32 $0x5800, s0  }
0x167: {  	[tilespmem:s25], [sflag:$0x1] =	stream.linear.gather [hbm4b:s24+s4], $0x80, $0x38;
	[tilespmem:$0x7E00] =	vst v63  }
0x168: {  	s26 =	sadd.s32 $0x700, s1;
	s28 =	sadd.s32 $0x5A00, s0  }
0x169: {  	[tilespmem:s28], [sflag:$0x1] =	stream.linear.gather [hbm4b:s26+s4], $0x80, $0x38;
	[tilespmem:$0x7E00] =	vst v63  }
0x16a: {  	s29 =	sadd.s32 $0x780, s1;
	s30 =	sadd.s32 $0x5C00, s0;
	s31 =	simm.s32 $0x1  }
0x16b: {  	[tilespmem:s30], [sflag:$0x1] =	stream.linear.gather [hbm4b:s29+s4], $0x80, $0x38;
	[tilespmem:$0x7E00] =	vst v63  }
0x16c: {  	_ =	swait.ge [sflag:s31], $0x800  }
0x16d: {  	[sflag:s31] =	ssyncset.done $0x0  }
0x16e: {  	[sflag:s31] =	ssyncadd.s32 $0xFFFFF800  }
0x16f: {  	_ =	swait.ge [sflag:s31], $0x800  }
0x170: {  	[sflag:s31] =	ssyncset.done $0x0  }
0x171: {  	[sflag:s31] =	ssyncadd.s32 $0xFFFFF800  }
0x172: {  	_ =	swait.ge [sflag:s31], $0x800  }
0x173: {  	[sflag:s31] =	ssyncset.done $0x0  }
0x174: {  	[sflag:s31] =	ssyncadd.s32 $0xFFFFF800  }
0x175: {  	_ =	swait.ge [sflag:s31], $0x800  }
0x176: {  	[sflag:s31] =	ssyncset.done $0x0  }
0x177: {  	[sflag:s31] =	ssyncadd.s32 $0xFFFFF800  }
0x178: {  	_ =	swait.ge [sflag:s31], $0x800  }
0x179: {  	[sflag:s31] =	ssyncset.done $0x0  }
0x17a: {  	[sflag:s31] =	ssyncadd.s32 $0xFFFFF800  }
0x17b: {  	_ =	swait.ge [sflag:s31], $0x800  }
0x17c: {  	[sflag:s31] =	ssyncset.done $0x0  }
0x17d: {  	[sflag:s31] =	ssyncadd.s32 $0xFFFFF800  }
0x17e: {  	_ =	swait.ge [sflag:s31], $0x800  }
.Ltmp4:
0x17f: {  	[sflag:s31] =	ssyncset.done $0x0;
	(pc) =	sbr.rel .LBB2_6-.Ltmp4, $4  }
0x180: {  	[sflag:s31] =	ssyncadd.s32 $0xFFFFF800  }
0x181: {  	_ =	swait.ge [sflag:s31], $0x800  }
0x182: {  	s2 =	simm.s32 $0x3E00;
	s1 =	simm.s32 $0x1E00;
	[sflag:s31] =	ssyncset.done $0x0  }
0x183: {  	s5 =	simm.s32 $0x5E40;
	s6 =	simm.s32 $0x0;
	[sflag:s31] =	ssyncadd.s32 $0xFFFFF800  }
.LBB2_25:
0x184: {  	s6 =	rddreg [dreg:$0x1d]  }
0x185: {  	s6 =	sadd.s32 $0x1, s6  }
0x186: {  	p0 =	sne.s32 s6, $0x4  }
.Ltmp5:
0x187: {  	_ = 	snop;
	(pc) =	sbr.rel @!p0 .LBB2_26-.Ltmp5, $4  }
0x188: {  	s1 =	rddreg [dreg:$0x1a]  }
0x189: {  	s2 =	rddreg [dreg:$0x1b]  }
0x18a: {  	s5 =	rddreg [dreg:$0x1c]  }
0x18b: {  	s1 =	sadd.s32 $0x80, s1;
	s2 =	sadd.s32 $0x80, s2;
	s5 =	sadd.s32 $0x80, s5  }
.LBB2_6:
0x18c: {  	[dreg:$0x1c] =	wrdreg s5  }
.Ltmp6:
0x18d: {  	[dreg:$0x1a] =	wrdreg s1;
	(pc) =	sbr.rel .LBB2_7-.Ltmp6, $4  }
0x18e: {  	s0 =	simm.s32 $0x0;
	[dreg:$0x1b] =	wrdreg s2  }
0x18f: {  	[smem:$0x0] =	sst s0  }
0x190: {  	[smem:s6+$0x100] =	sst s0  }
0x191: {  	v2 =	vmov s5;
	v3 =	vmov s1;
	v4 =	vmov s2;
	s1 =	simm.s32 $0x0;
	s0 =	sshll.u32 s6, $0x7;
	s3 =	sld [smem:$0x0]  }
.LBB2_11:
0x192: {  	_ =	sdelay $0x3  }
0x193: {  	[tilespmem:v2+s2+$0xFFFFFFC0 ss:$0x1] =	vst.idx.msk $0xffff, v0  }
0x194: {  	[tilespmem:v2+s2+$0xFFFFFFD0 ss:$0x1] =	vst.idx.msk $0xffff, v0  }
0x195: {  	[tilespmem:v2+s2+$0xFFFFFFE0 ss:$0x1] =	vst.idx.msk $0xffff, v0  }
0x196: {  	[tilespmem:v2+s2+$0xFFFFFFF0 ss:$0x1] =	vst.idx.msk $0xffff, v0  }
0x197: {  	[tilespmem:v2+s2+$0x0 ss:$0x1] =	vst.idx.msk $0xffff, v0  }
0x198: {  	[tilespmem:v2+s2+$0x10 ss:$0x1] =	vst.idx.msk $0xffff, v0  }
0x199: {  	[tilespmem:v2+s2+$0x20 ss:$0x1] =	vst.idx.msk $0xffff, v0  }
0x19a: {  	s5 =	smov.u32 s3;
	[tilespmem:v2+s2+$0x30 ss:$0x1] =	vst.idx.msk $0xffff, v0  }
.LBB2_12:
0x19b: {  	s1 =	sadd.s32 $0x800, s1  }
0x19c: {  	p0 =	sne.s32 s1, $0x8000  }
.Ltmp7:
0x19d: {  	_ = 	snop;
	(pc) =	sbr.rel @!p0 .LBB2_13-.Ltmp7, $2  }
0x19e: {  	_ =	sdelay $0x2  }
0x19f: {  	s3 =	smov.u32 s5  }
.LBB2_7:
0x1a0: {  	_ =	sdelay $0x1  }
0x1a1: {  	p0 =	sgt.s32 s3, $0x1F  }
.Ltmp8:
0x1a2: {  	_ = 	snop;
	(pc) =	sbr.rel @p0 .LBB2_11-.Ltmp8, $2  }
0x1a3: {  	_ =	sdelay $0x2  }
0x1a4: {  	s2 =	sshra.s32 s1, $0x2  }
0x1a5: {  	_ =	sdelay $0x3  }
0x1a6: {  	v5 =	vld.idx.msk [tilespmem:v3+s2+$0x0 ss:$0x1], $0xffff  }
0x1a7: {  	v6 =	vld.idx.msk [tilespmem:v4+s2+$0x0 ss:$0x1], $0xffff  }
0x1a8: {  	v7 =	vld.idx.msk [tilespmem:v3+s2+$0x10 ss:$0x1], $0xffff  }
0x1a9: {  	v8 =	vld.idx.msk [tilespmem:v4+s2+$0x10 ss:$0x1], $0xffff  }
0x1aa: {  	v9 =	vld.idx.msk [tilespmem:v3+s2+$0x20 ss:$0x1], $0xffff  }
0x1ab: {  	v10 =	vld.idx.msk [tilespmem:v4+s2+$0x20 ss:$0x1], $0xffff  }
0x1ac: {  	v11 =	vld.idx.msk [tilespmem:v3+s2+$0x30 ss:$0x1], $0xffff  }
0x1ad: {  	v12 =	vld.idx.msk [tilespmem:v4+s2+$0x30 ss:$0x1], $0xffff  }
0x1ae: {  	v13 =	vld.idx.msk [tilespmem:v3+s2+$0x40 ss:$0x1], $0xffff  }
0x1af: {  	v14 =	vld.idx.msk [tilespmem:v4+s2+$0x40 ss:$0x1], $0xffff  }
0x1b0: {  	v15 =	vld.idx.msk [tilespmem:v3+s2+$0x50 ss:$0x1], $0xffff;
	vm0 =	vgt.f32 v6, $5.000000000e-01;
	vm1 =	vgt.f32 v5, $0.0e+00  }
0x1b1: {  	v16 =	vld.idx.msk [tilespmem:v3+s2+$0x60 ss:$0x1], $0xffff;
	vm7 =	vmand vm1, vm0;
	vm0 =	vgt.f32 v8, $5.000000000e-01;
	vm1 =	vgt.f32 v7, $0.0e+00  }
0x1b2: {  	v8 =	vld.idx.msk [tilespmem:v4+s2+$0x50 ss:$0x1], $0xffff;
	vm4 =	vmand vm1, vm0;
	vm0 =	vgt.f32 v10, $5.000000000e-01;
	vm1 =	vgt.f32 v9, $0.0e+00  }
0x1b3: {  	v7 =	vmpcnt.ones.xlane vm7;
	v10 =	vld.idx.msk [tilespmem:v4+s2+$0x60 ss:$0x1], $0xffff;
	v5 =	vmpcnt.ones.xlane vm4;
	vm3 =	vmand vm1, vm0  }
0x1b4: {  	vm0 =	vgt.f32 v12, $5.000000000e-01;
	vm1 =	vgt.f32 v11, $0.0e+00;
	v11 =	vld.idx.msk [tilespmem:v3+s2+$0x70 ss:$0x1], $0xffff;
	v6 =	vmpcnt.ones.xlane vm3  }
0x1b5: {  	v12 =	vld.idx.msk [tilespmem:v4+s2+$0x70 ss:$0x1], $0xffff;
	vm5 =	vmand vm1, vm0;
	vm0 =	vgt.f32 v14, $5.000000000e-01;
	vm1 =	vgt.f32 v13, $0.0e+00  }
0x1b6: {  	v9 =	vadd.s32 v7, v5;
	vm6 =	vmand vm1, vm0;
	vm0 =	vgt.f32 v15, $0.0e+00  }
0x1b7: {  	vm1 =	vgt.f32 v16, $0.0e+00;
	vm2 =	vgt.f32 v8, $5.000000000e-01;
	v8 =	vmpcnt.ones.xlane vm5  }
0x1b8: {  	v9 =	vadd.s32 v6, v9;
	vm2 =	vmand vm0, vm2;
	vm0 =	vgt.f32 v10, $5.000000000e-01  }
0x1b9: {  	v13 =	vadd.s32 v8, v9;
	v9 =	vmpcnt.ones.xlane vm6;
	v10 =	vmpcnt.ones.xlane vm2  }
0x1ba: {  	vm1 =	vmand vm1, vm0;
	vm0 =	vgt.f32 v12, $5.000000000e-01;
	vm8 =	vgt.f32 v11, $0.0e+00  }
0x1bb: {  	v12 =	vmpcnt.ones.xlane vm1;
	vm0 =	vmand vm8, vm0;
	v11 =	vadd.s32 v9, v13  }
0x1bc: {  	v13 =	vadd.s32 v10, v11;
	v11 =	vmpcnt.ones.xlane vm0  }
0x1bd: {  	v13 =	vadd.s32 v12, v13  }
0x1be: {  	v13 =	vadd.s32 v11, v13  }
0x1bf: {  	v13 =	vxor.u32 $0x80000000, v13  }
0x1c0: {  	(xrf0) =	vmax.scan.msk.u32 $0xffff, v13;
	_ =	sdelay $0x5  }
0x1c1: {  	v13, _, _ =	vpop (xrf0)  }
0x1c2: {  	(v2sf) =	vpush v13, $0xF;
	_ =	sdelay $0xe  }
0x1c3: {  	s5 =	spop (v2sf)  }
0x1c4: {  	s5 =	sadd.s32 s5, s3  }
0x1c5: {  	s5 =	sadd.s32 $0x80000000, s5  }
0x1c6: {  	p0 =	sgt.s32 s5, $0x20  }
.Ltmp9:
0x1c7: {  	_ = 	snop;
	(pc) =	sbr.rel @p0 .LBB2_10-.Ltmp9, $1  }
0x1c8: {  	_ =	sdelay $0x3  }
0x1c9: {  	_ =	sdelay $0x2  }
0x1ca: {  	v5 =	vsel vm7, $0x3F800000, v0  }
0x1cb: {  	[tilespmem:v2+s2+$0xFFFFFFC0 ss:$0x1] =	vst.idx.msk $0xffff, v5;
	v5 =	vsel vm4, $0x3F800000, v0  }
0x1cc: {  	[tilespmem:v2+s2+$0xFFFFFFD0 ss:$0x1] =	vst.idx.msk $0xffff, v5;
	v5 =	vsel vm3, $0x3F800000, v0  }
0x1cd: {  	[tilespmem:v2+s2+$0xFFFFFFE0 ss:$0x1] =	vst.idx.msk $0xffff, v5;
	v5 =	vsel vm5, $0x3F800000, v0  }
.Ltmp10:
0x1ce: {  	[tilespmem:v2+s2+$0xFFFFFFF0 ss:$0x1] =	vst.idx.msk $0xffff, v5;
	v5 =	vsel vm6, $0x3F800000, v0;
	(pc) =	sbr.rel .LBB2_12-.Ltmp10, $4  }
0x1cf: {  	[tilespmem:v2+s2+$0x0 ss:$0x1] =	vst.idx.msk $0xffff, v5;
	v5 =	vsel vm2, $0x3F800000, v0  }
0x1d0: {  	[tilespmem:v2+s2+$0x10 ss:$0x1] =	vst.idx.msk $0xffff, v5;
	v5 =	vsel vm1, $0x3F800000, v0  }
0x1d1: {  	[tilespmem:v2+s2+$0x20 ss:$0x1] =	vst.idx.msk $0xffff, v5;
	v5 =	vsel vm0, $0x3F800000, v0  }
0x1d2: {  	[smem:$0x0] =	sst s5;
	[tilespmem:v2+s2+$0x30 ss:$0x1] =	vst.idx.msk $0xffff, v5  }
.LBB2_10:
0x1d3: {  	v13 =	vsel vm7, $0x1, v1;
	v7 =	vadd.s32 s3, v7  }
0x1d4: {  	v55 =	vsel vm4, $0x1, v1;
	(xrf0) =	vadd.scan.msk.s32 $0xffff, v13;
	v5 =	vadd.s32 v7, v5  }
0x1d5: {  	v56 =	vsel vm3, $0x1, v1;
	(xrf0) =	vadd.scan.msk.s32 $0xffff, v55;
	v6 =	vadd.s32 v5, v6  }
0x1d6: {  	v57 =	vsel vm5, $0x1, v1;
	(xrf0) =	vadd.scan.msk.s32 $0xffff, v56;
	v8 =	vadd.s32 v6, v8  }
0x1d7: {  	v58 =	vsel vm6, $0x1, v1;
	(xrf0) =	vadd.scan.msk.s32 $0xffff, v57;
	v9 =	vadd.s32 v8, v9  }
0x1d8: {  	v59 =	vsel vm2, $0x1, v1;
	(xrf0) =	vadd.scan.msk.s32 $0xffff, v58;
	v10 =	vadd.s32 v9, v10  }
0x1d9: {  	v60 =	vsel vm1, $0x1, v1;
	(xrf0) =	vadd.scan.msk.s32 $0xffff, v59;
	v12 =	vadd.s32 v10, v12  }
0x1da: {  	v61 =	vsel vm0, $0x1, v1;
	v14, _, _ =	vpop (xrf0);
	(xrf0) =	vadd.scan.msk.s32 $0xffff, v60;
	v11 =	vadd.s32 v12, v11  }
0x1db: {  	v15, _, _ =	vpop (xrf0);
	(xrf0) =	vadd.scan.msk.s32 $0xffff, v61;
	v11 =	vxor.u32 $0x80000000, v11  }
0x1dc: {  	v62, _, _ =	vpop (xrf0);
	(xrf0) =	vmax.scan.msk.u32 $0xffff, v11  }
0x1dd: {  	v63, _, _ =	vpop (xrf0)  }
0x1de: {  	v16, _, _ =	vpop (xrf0)  }
0x1df: {  	v17, _, _ =	vpop (xrf0)  }
0x1e0: {  	v18, _, _ =	vpop (xrf0)  }
0x1e1: {  	v19, _, _ =	vpop (xrf0)  }
0x1e2: {  	v20, _, _ =	vpop (xrf0)  }
0x1e3: {  	(v2sf) =	vpush v20, $0xF;
	_ =	sdelay $0x3  }
0x1e4: {  	v14 =	vadd.s32 s3, v14  }
0x1e5: {  	vm8 =	vlt.s32 v14, $0x21;
	v7 =	vadd.s32 v7, v15  }
0x1e6: {  	vm13 =	vmand vm7, vm8;
	vm14 =	vlt.s32 v7, $0x21  }
0x1e7: {  	v5 =	vadd.s32 v5, v62;
	v6 =	vadd.s32 v6, v63;
	vm15 =	vmand vm4, vm14  }
0x1e8: {  	vm12 =	vlt.s32 v5, $0x21;
	v5 =	vsel vm13, $0x3F800000, v0;
	v7 =	vadd.s32 v8, v16  }
0x1e9: {  	vm13 =	vlt.s32 v6, $0x21;
	v6 =	vsel vm15, $0x3F800000, v0;
	vm14 =	vmand vm3, vm12  }
0x1ea: {  	[tilespmem:v2+s2+$0xFFFFFFC0 ss:$0x1] =	vst.idx.msk $0xffff, v5;
	v5 =	vsel vm14, $0x3F800000, v0;
	vm15 =	vmand vm5, vm13;
	vm8 =	vlt.s32 v7, $0x21  }
0x1eb: {  	[tilespmem:v2+s2+$0xFFFFFFD0 ss:$0x1] =	vst.idx.msk $0xffff, v6;
	v7 =	vadd.s32 v9, v17;
	v6 =	vsel vm15, $0x3F800000, v0;
	vm9 =	vmand vm6, vm8  }
0x1ec: {  	[tilespmem:v2+s2+$0xFFFFFFE0 ss:$0x1] =	vst.idx.msk $0xffff, v5;
	vm10 =	vlt.s32 v7, $0x21;
	v7 =	vadd.s32 v10, v18;
	v5 =	vsel vm9, $0x3F800000, v0  }
.Ltmp11:
0x1ed: {  	[tilespmem:v2+s2+$0xFFFFFFF0 ss:$0x1] =	vst.idx.msk $0xffff, v6;
	vm11 =	vmand vm2, vm10;
	vm12 =	vlt.s32 v7, $0x21;
	v6 =	vadd.s32 v12, v19;
	(pc) =	sbr.rel .LBB2_12-.Ltmp11, $4  }
0x1ee: {  	[tilespmem:v2+s2+$0x0 ss:$0x1] =	vst.idx.msk $0xffff, v5;
	v5 =	vsel vm11, $0x3F800000, v0;
	vm13 =	vmand vm1, vm12;
	vm14 =	vlt.s32 v6, $0x21  }
0x1ef: {  	[tilespmem:v2+s2+$0x10 ss:$0x1] =	vst.idx.msk $0xffff, v5;
	v5 =	vsel vm13, $0x3F800000, v0;
	vm15 =	vmand vm0, vm14;
	s31 =	spop (v2sf)  }
0x1f0: {  	[tilespmem:v2+s2+$0x20 ss:$0x1] =	vst.idx.msk $0xffff, v5;
	v5 =	vsel vm15, $0x3F800000, v0;
	s5 =	sxor.u32 $0x80000000, s31  }
0x1f1: {  	[tilespmem:v2+s2+$0x30 ss:$0x1] =	vst.idx.msk $0xffff, v5;
	[smem:$0x0] =	sst s5  }
.LBB2_13:
0x1f2: {  	s1 =	rddreg [dreg:$0x16]  }
0x1f3: {  	[dreg:$0x1d] =	wrdreg s6;
	s1 =	sor.u32 s1, s6  }
0x1f4: {  	s2 =	rddreg [dreg:$0x18];
	s1 =	sshll.u32 s1, $0x7  }
0x1f5: {  	s3 =	rddreg [dreg:$0x2];
	s2 =	sor.u32 s2, s1  }
0x1f6: {  	s28 =	sadd.s32 $0x5E00, s0;
	s5 =	sadd.s32 $0x6000, s0;
	s2 =	sshrl.u32 s2, $0x3  }
0x1f7: {  	s30 =	sadd.s32 $0x6200, s0;
	[dreg:$0x1e] =	wrdreg s28;
	s2 =	sadd.s32 s3, s2  }
0x1f8: {  	[hbm4b:s2+s4] =	stream.linear.scatter [tilespmem:s28], [sflag:$0x3], $0x80, $0x38;
	[tilespmem:$0x7E00] =	vst v63  }
0x1f9: {  	s7 =	sadd.s32 $0x6600, s0;
	[dreg:$0x1f] =	wrdreg s5;
	s29 =	sadd.s32 $0x80, s2  }
0x1fa: {  	[hbm4b:s29+s4] =	stream.linear.scatter [tilespmem:s5], [sflag:$0x3], $0x80, $0x38;
	[tilespmem:$0x7E00] =	vst v63  }
0x1fb: {  	s9 =	sadd.s32 $0x6800, s0;
	[smem:$0x7F0] =	sst s30;
	s31 =	sadd.s32 $0x100, s2  }
0x1fc: {  	[hbm4b:s31+s4] =	stream.linear.scatter [tilespmem:s30], [sflag:$0x3], $0x80, $0x38;
	[tilespmem:$0x7E00] =	vst v63  }
0x1fd: {  	[smem:$0x7F2] =	sst s7;
	s3 =	sadd.s32 $0x6400, s0;
	s6 =	sadd.s32 $0x180, s2  }
0x1fe: {  	[hbm4b:s6+s4] =	stream.linear.scatter [tilespmem:s3], [sflag:$0x3], $0x80, $0x38;
	[tilespmem:$0x7E00] =	vst v63  }
0x1ff: {  	s11 =	sadd.s32 $0x6A00, s0;
	[smem:$0x7F3] =	sst s9;
	s8 =	sadd.s32 $0x200, s2  }
0x200: {  	[hbm4b:s8+s4] =	stream.linear.scatter [tilespmem:s7], [sflag:$0x3], $0x80, $0x38;
	[tilespmem:$0x7E00] =	vst v63  }
0x201: {  	s13 =	sadd.s32 $0x6C00, s0;
	[smem:$0x7F4] =	sst s11;
	s10 =	sadd.s32 $0x280, s2  }
0x202: {  	[hbm4b:s10+s4] =	stream.linear.scatter [tilespmem:s9], [sflag:$0x3], $0x80, $0x38;
	[tilespmem:$0x7E00] =	vst v63  }
0x203: {  	s15 =	sadd.s32 $0x6E00, s0;
	[smem:$0x7F5] =	sst s13;
	s12 =	sadd.s32 $0x300, s2  }
0x204: {  	[hbm4b:s12+s4] =	stream.linear.scatter [tilespmem:s11], [sflag:$0x3], $0x80, $0x38;
	[tilespmem:$0x7E00] =	vst v63  }
0x205: {  	s17 =	sadd.s32 $0x7000, s0;
	[smem:$0x7F6] =	sst s15;
	s14 =	sadd.s32 $0x380, s2  }
0x206: {  	[hbm4b:s14+s4] =	stream.linear.scatter [tilespmem:s13], [sflag:$0x3], $0x80, $0x38;
	[tilespmem:$0x7E00] =	vst v63  }
0x207: {  	s19 =	sadd.s32 $0x7200, s0;
	[smem:$0x7F7] =	sst s17;
	s16 =	sadd.s32 $0x400, s2  }
0x208: {  	[hbm4b:s16+s4] =	stream.linear.scatter [tilespmem:s15], [sflag:$0x3], $0x80, $0x38;
	[tilespmem:$0x7E00] =	vst v63  }
0x209: {  	s21 =	sadd.s32 $0x7400, s0;
	[smem:$0x7F8] =	sst s19;
	s18 =	sadd.s32 $0x480, s2  }
0x20a: {  	[hbm4b:s18+s4] =	stream.linear.scatter [tilespmem:s17], [sflag:$0x3], $0x80, $0x38;
	[tilespmem:$0x7E00] =	vst v63  }
0x20b: {  	[smem:$0x7F9] =	sst s21;
	s20 =	sadd.s32 $0x500, s2  }
0x20c: {  	[hbm4b:s20+s4] =	stream.linear.scatter [tilespmem:s19], [sflag:$0x3], $0x80, $0x38;
	[tilespmem:$0x7E00] =	vst v63  }
0x20d: {  	s23 =	sadd.s32 $0x7600, s0;
	s22 =	sadd.s32 $0x580, s2;
	s30 =	sld [smem:$0x0]  }
0x20e: {  	[hbm4b:s22+s4] =	stream.linear.scatter [tilespmem:s21], [sflag:$0x3], $0x80, $0x38;
	[tilespmem:$0x7E00] =	vst v63  }
0x20f: {  	s25 =	sadd.s32 $0x7800, s0;
	[smem:$0x7FA] =	sst s23;
	s24 =	sadd.s32 $0x600, s2  }
0x210: {  	[hbm4b:s24+s4] =	stream.linear.scatter [tilespmem:s23], [sflag:$0x3], $0x80, $0x38;
	[tilespmem:$0x7E00] =	vst v63  }
0x211: {  	[smem:$0x7FB] =	sst s25;
	s26 =	sadd.s32 $0x680, s2;
	p0 =	sgt.s32 s30, $0x1F  }
0x212: {  	[hbm4b:s26+s4] =	stream.linear.scatter [tilespmem:s25], [sflag:$0x3], $0x80, $0x38;
	[tilespmem:$0x7E00] =	vst v63  }
.Ltmp12:
0x213: {  	[smem:$0x7F1] =	sst s3;
	s28 =	sadd.s32 $0x7A00, s0;
	(pc) =	sbr.rel @p0 .LBB2_25-.Ltmp12, $4  }
0x214: {  	[smem:$0x7FC] =	sst s28;
	s29 =	sadd.s32 $0x700, s2;
	s31 =	sadd.s32 $0x7C00, s0  }
0x215: {  	[hbm4b:s29+s4] =	stream.linear.scatter [tilespmem:s28], [sflag:$0x3], $0x80, $0x38;
	[tilespmem:$0x7E00] =	vst v63  }
0x216: {  	s2 =	sadd.s32 $0x780, s2;
	[smem:$0x7FD] =	sst s31  }
0x217: {  	[hbm4b:s2+s4] =	stream.linear.scatter [tilespmem:s31], [sflag:$0x3], $0x80, $0x38;
	[tilespmem:$0x7E00] =	vst v63  }
0x218: {  	s2 =	simm.s32 $0x3  }
0x219: {  	_ =	swait.ge [sflag:s2], $0x800  }
0x21a: {  	[sflag:s2] =	ssyncset.done $0x0  }
0x21b: {  	s16 =	simm.s32 $0x1;
	s3 =	rddreg [dreg:$0x1d];
	[sflag:s2] =	ssyncadd.s32 $0xFFFFF800  }
0x21c: {  	[smem:s3+$0x100] =	sst s16  }
0x21d: {  	s2 =	sld [smem:$0x80];
	_ =	sdelay $0x2  }
0x21e: {  	p0 =	sne.s32 s2, $0x0  }
0x21f: {  	s2 =	simm.s32 @!p0 $0x2  }
0x220: {  	_ =	swait.ge @!p0 [sflag:s2], $0x1E00  }
0x221: {  	[sflag:s2] =	ssyncset.done @!p0 $0x0  }
0x222: {  	[sflag:s2] =	ssyncadd.s32 @!p0 $0xFFFFE200  }
0x223: {  	_ =	swait.ge @!p0 [sflag:s2], $0x1E00  }
0x224: {  	[sflag:s2] =	ssyncset.done @!p0 $0x0  }
0x225: {  	[sflag:s2] =	ssyncadd.s32 @!p0 $0xFFFFE200  }
0x226: {  	_ =	swait.ge @!p0 [sflag:s2], $0x1E00  }
0x227: {  	[sflag:s2] =	ssyncset.done @!p0 $0x0  }
0x228: {  	[sflag:s2] =	ssyncadd.s32 @!p0 $0xFFFFE200  }
0x229: {  	_ =	swait.ge @!p0 [sflag:s2], $0x1E00  }
0x22a: {  	[sflag:s2] =	ssyncset.done @!p0 $0x0  }
0x22b: {  	[sflag:s2] =	ssyncadd.s32 @!p0 $0xFFFFE200  }
0x22c: {  	_ =	swait.ge @!p0 [sflag:s2], $0x1E00  }
0x22d: {  	[sflag:s2] =	ssyncset.done @!p0 $0x0  }
0x22e: {  	[sflag:s2] =	ssyncadd.s32 @!p0 $0xFFFFE200  }
0x22f: {  	_ =	swait.ge @!p0 [sflag:s2], $0x1E00  }
0x230: {  	[sflag:s2] =	ssyncset.done @!p0 $0x0  }
0x231: {  	[sflag:s2] =	ssyncadd.s32 @!p0 $0xFFFFE200  }
0x232: {  	_ =	swait.ge @!p0 [sflag:s2], $0x1E00  }
0x233: {  	[sflag:s2] =	ssyncset.done @!p0 $0x0  }
0x234: {  	[sflag:s2] =	ssyncadd.s32 @!p0 $0xFFFFE200  }
0x235: {  	_ =	swait.ge @!p0 [sflag:s2], $0x1E00  }
0x236: {  	[sflag:s2] =	ssyncset.done @!p0 $0x0  }
0x237: {  	[sflag:s2] =	ssyncadd.s32 @!p0 $0xFFFFE200  }
0x238: {  	_ =	swait.ge @!p0 [sflag:s2], $0x1E00  }
0x239: {  	[sflag:s2] =	ssyncset.done @!p0 $0x0  }
0x23a: {  	[sflag:s2] =	ssyncadd.s32 @!p0 $0xFFFFE200  }
0x23b: {  	_ =	swait.ge @!p0 [sflag:s2], $0x1E00  }
0x23c: {  	[sflag:s2] =	ssyncset.done @!p0 $0x0  }
0x23d: {  	[sflag:s2] =	ssyncadd.s32 @!p0 $0xFFFFE200  }
0x23e: {  	_ =	swait.ge @!p0 [sflag:s2], $0x1E00  }
0x23f: {  	[sflag:s2] =	ssyncset.done @!p0 $0x0  }
0x240: {  	[sflag:s2] =	ssyncadd.s32 @!p0 $0xFFFFE200  }
0x241: {  	_ =	swait.ge @!p0 [sflag:s2], $0x1E00  }
0x242: {  	[sflag:s2] =	ssyncset.done @!p0 $0x0  }
0x243: {  	[sflag:s2] =	ssyncadd.s32 @!p0 $0xFFFFE200  }
0x244: {  	_ =	swait.ge @!p0 [sflag:s2], $0x1E00  }
0x245: {  	[sflag:s2] =	ssyncset.done @!p0 $0x0  }
0x246: {  	[sflag:s2] =	ssyncadd.s32 @!p0 $0xFFFFE200  }
0x247: {  	_ =	swait.ge @!p0 [sflag:s2], $0x1E00  }
0x248: {  	[sflag:s2] =	ssyncset.done @!p0 $0x0  }
0x249: {  	[sflag:s2] =	ssyncadd.s32 @!p0 $0xFFFFE200  }
0x24a: {  	_ =	swait.ge @!p0 [sflag:s2], $0x1E00  }
0x24b: {  	[sflag:s2] =	ssyncset.done @!p0 $0x0  }
0x24c: {  	s18 =	sadd.s32 $0x1E00, s0;
	[sflag:s2] =	ssyncadd.s32 @!p0 $0xFFFFE200  }
0x24d: {  	s19 =	sadd.s32 $0x3E00, s0;
	s20 =	sadd.s32 $0x2000, s0;
	_ =	swait.ge @!p0 [sflag:s2], $0x1E00  }
0x24e: {  	s21 =	sadd.s32 $0x2200, s0;
	s22 =	sadd.s32 $0x2400, s0;
	s17 =	rddreg [dreg:$0x18]  }
0x24f: {  	s23 =	sadd.s32 $0x2600, s0;
	s24 =	sadd.s32 $0x2800, s0;
	[smem:$0x7E7] =	sst s18  }
0x250: {  	s25 =	sadd.s32 $0x2A00, s0;
	s26 =	sadd.s32 $0x2C00, s0;
	[smem:$0x7E8] =	sst s19  }
0x251: {  	s9 =	sadd.s32 $0x2E00, s0;
	s10 =	sadd.s32 $0x3000, s0;
	[smem:$0x7E9] =	sst s20  }
0x252: {  	s11 =	sadd.s32 $0x3400, s0;
	s12 =	sadd.s32 $0x3600, s0;
	[smem:$0x7EA] =	sst s21  }
0x253: {  	s13 =	sadd.s32 $0x3800, s0;
	s14 =	sadd.s32 $0x3A00, s0;
	[smem:$0x7EB] =	sst s22  }
0x254: {  	s15 =	sadd.s32 $0x3C00, s0;
	s5 =	sadd.s32 $0x4C00, s0;
	[smem:$0x7EC] =	sst s23  }
0x255: {  	s28 =	sadd.s32 $0x4E00, s0;
	s29 =	sadd.s32 $0x5000, s0;
	[smem:$0x7ED] =	sst s24  }
0x256: {  	s30 =	sadd.s32 $0x5400, s0;
	s31 =	sadd.s32 $0x5800, s0;
	[smem:$0x7EE] =	sst s25  }
0x257: {  	s16 =	sadd.s32 $0x4000, s0;
	[sflag:s2] =	ssyncset.done @!p0 $0x0;
	[smem:$0x7EF] =	sst s26  }
0x258: {  	s18 =	sadd.s32 $0x3200, s0;
	s19 =	sadd.s32 $0x4400, s0;
	s20 =	sadd.s32 $0x4600, s0  }
.Ltmp13:
0x259: {  	s21 =	sadd.s32 $0x4800, s0;
	s25 =	sadd.s32 $0x4A00, s0;
	(pc) =	sbr.rel .LBB2_15-.Ltmp13, $4  }
0x25a: {  	s22 =	sadd.s32 $0x5200, s0;
	[sflag:s2] =	ssyncadd.s32 @!p0 $0xFFFFE200;
	s2 =	simm.s32 @!p0 $0x1  }
0x25b: {  	s23 =	sadd.s32 $0x5600, s0;
	s1 =	sadd.s32 s1, s17;
	[smem:$0x80] =	sst @!p0 s2  }
0x25c: {  	s24 =	sadd.s32 $0x5A00, s0;
	s26 =	simm.s32 $0x1;
	[smem:$0x7E6] =	sst s1  }
0x25d: {  	s17 =	sadd.s32 $0x4200, s0;
	s0 =	sadd.s32 $0x5C00, s0;
	s7 =	sld [smem:$0x0]  }
.LBB2_23:
0x25e: {  	s1 =	rddreg [dreg:$0x2]  }
0x25f: {  	s2 =	rddreg [dreg:$0x1e];
	s1 =	sadd.s32 s1, s6  }
0x260: {  	[hbm4b:s1+s4] =	stream.linear.scatter [tilespmem:s2], [sflag:$0x4], $0x80, $0x38;
	[tilespmem:$0x7E00] =	vst v63  }
0x261: {  	s3 =	rddreg [dreg:$0x1f];
	s8 =	sadd.s32 $0x80, s1  }
0x262: {  	[hbm4b:s8+s4] =	stream.linear.scatter [tilespmem:s3], [sflag:$0x4], $0x80, $0x38;
	[tilespmem:$0x7E00] =	vst v63  }
0x263: {  	s8 =	sld [smem:$0x7F0];
	_ =	sdelay $0x1  }
0x264: {  	s6 =	sadd.s32 $0x100, s1  }
0x265: {  	[hbm4b:s6+s4] =	stream.linear.scatter [tilespmem:s8], [sflag:$0x4], $0x80, $0x38;
	[tilespmem:$0x7E00] =	vst v63  }
0x266: {  	s8 =	sld [smem:$0x7F1];
	_ =	sdelay $0x1  }
0x267: {  	s6 =	sadd.s32 $0x180, s1  }
0x268: {  	[hbm4b:s6+s4] =	stream.linear.scatter [tilespmem:s8], [sflag:$0x4], $0x80, $0x38;
	[tilespmem:$0x7E00] =	vst v63  }
0x269: {  	s8 =	sld [smem:$0x7F2];
	_ =	sdelay $0x1  }
0x26a: {  	s6 =	sadd.s32 $0x200, s1  }
0x26b: {  	[hbm4b:s6+s4] =	stream.linear.scatter [tilespmem:s8], [sflag:$0x4], $0x80, $0x38;
	[tilespmem:$0x7E00] =	vst v63  }
0x26c: {  	s8 =	sld [smem:$0x7F3];
	_ =	sdelay $0x1  }
0x26d: {  	s6 =	sadd.s32 $0x280, s1  }
0x26e: {  	[hbm4b:s6+s4] =	stream.linear.scatter [tilespmem:s8], [sflag:$0x4], $0x80, $0x38;
	[tilespmem:$0x7E00] =	vst v63  }
0x26f: {  	s8 =	sld [smem:$0x7F4];
	_ =	sdelay $0x1  }
0x270: {  	s6 =	sadd.s32 $0x300, s1  }
0x271: {  	[hbm4b:s6+s4] =	stream.linear.scatter [tilespmem:s8], [sflag:$0x4], $0x80, $0x38;
	[tilespmem:$0x7E00] =	vst v63  }
0x272: {  	s8 =	sld [smem:$0x7F5];
	_ =	sdelay $0x1  }
0x273: {  	s6 =	sadd.s32 $0x380, s1  }
0x274: {  	[hbm4b:s6+s4] =	stream.linear.scatter [tilespmem:s8], [sflag:$0x4], $0x80, $0x38;
	[tilespmem:$0x7E00] =	vst v63  }
0x275: {  	s8 =	sld [smem:$0x7F6];
	_ =	sdelay $0x1  }
0x276: {  	s6 =	sadd.s32 $0x400, s1  }
0x277: {  	[hbm4b:s6+s4] =	stream.linear.scatter [tilespmem:s8], [sflag:$0x4], $0x80, $0x38;
	[tilespmem:$0x7E00] =	vst v63  }
0x278: {  	s8 =	sld [smem:$0x7F7];
	_ =	sdelay $0x1  }
0x279: {  	s6 =	sadd.s32 $0x480, s1  }
0x27a: {  	[hbm4b:s6+s4] =	stream.linear.scatter [tilespmem:s8], [sflag:$0x4], $0x80, $0x38;
	[tilespmem:$0x7E00] =	vst v63  }
0x27b: {  	s8 =	sld [smem:$0x7F8];
	_ =	sdelay $0x1  }
0x27c: {  	s6 =	sadd.s32 $0x500, s1  }
0x27d: {  	[hbm4b:s6+s4] =	stream.linear.scatter [tilespmem:s8], [sflag:$0x4], $0x80, $0x38;
	[tilespmem:$0x7E00] =	vst v63  }
0x27e: {  	s8 =	sld [smem:$0x7F9];
	_ =	sdelay $0x1  }
0x27f: {  	s6 =	sadd.s32 $0x580, s1  }
0x280: {  	[hbm4b:s6+s4] =	stream.linear.scatter [tilespmem:s8], [sflag:$0x4], $0x80, $0x38;
	[tilespmem:$0x7E00] =	vst v63  }
0x281: {  	s8 =	sld [smem:$0x7FA];
	_ =	sdelay $0x1  }
0x282: {  	s6 =	sadd.s32 $0x600, s1  }
0x283: {  	[hbm4b:s6+s4] =	stream.linear.scatter [tilespmem:s8], [sflag:$0x4], $0x80, $0x38;
	[tilespmem:$0x7E00] =	vst v63  }
0x284: {  	s8 =	sld [smem:$0x7FB];
	_ =	sdelay $0x1  }
0x285: {  	s6 =	sadd.s32 $0x680, s1  }
0x286: {  	[hbm4b:s6+s4] =	stream.linear.scatter [tilespmem:s8], [sflag:$0x4], $0x80, $0x38;
	[tilespmem:$0x7E00] =	vst v63  }
0x287: {  	s8 =	sld [smem:$0x7FC];
	_ =	sdelay $0x1  }
0x288: {  	s6 =	sadd.s32 $0x700, s1  }
0x289: {  	[hbm4b:s6+s4] =	stream.linear.scatter [tilespmem:s8], [sflag:$0x4], $0x80, $0x38;
	[tilespmem:$0x7E00] =	vst v63  }
0x28a: {  	s6 =	sld [smem:$0x7FD];
	_ =	sdelay $0x1  }
0x28b: {  	s1 =	sadd.s32 $0x780, s1;
	s8 =	simm.s32 $0x4  }
0x28c: {  	[hbm4b:s1+s4] =	stream.linear.scatter [tilespmem:s6], [sflag:$0x4], $0x80, $0x38;
	[tilespmem:$0x7E00] =	vst v63  }
0x28d: {  	_ =	swait.ge [sflag:s8], $0x800  }
0x28e: {  	[sflag:s8] =	ssyncset.done $0x0  }
0x28f: {  	[sflag:s8] =	ssyncadd.s32 $0xFFFFF800  }
.LBB2_24:
0x290: {  	s26 =	sadd.s32 $0x1, s26  }
0x291: {  	p0 =	sne.s32 s26, $0x10  }
.Ltmp14:
0x292: {  	_ = 	snop;
	(pc) =	sbr.rel @!p0 .LBB2_25-.Ltmp14, $1  }
0x293: {  	_ =	sdelay $0x3  }
.LBB2_15:
0x294: {  	_ =	sdelay $0x1  }
0x295: {  	p0 =	sgt.s32 s7, $0x1F  }
.Ltmp15:
0x296: {  	_ = 	snop;
	(pc) =	sbr.rel @p0 .LBB2_24-.Ltmp15, $1  }
0x297: {  	_ =	sdelay $0x3  }
0x298: {  	s2 =	sld [smem:$0x7E6];
	_ =	sdelay $0x1  }
0x299: {  	s1 =	sshll.u32 s26, $0xE  }
0x29a: {  	s1 =	sadd.s32 s2, s1  }
0x29b: {  	s3 =	rddreg [dreg:$0x0];
	s6 =	sshrl.u32 s1, $0x3  }
0x29c: {  	s2 =	sadd.s32 s3, s6;
	s3 =	sld [smem:$0x7E7];
	_ =	sdelay $0x1  }
0x29d: {  	s8 =	sld [smem:$0x7E9];
	s1 =	simm.s32 $0x0  }
0x29e: {  	[tilespmem:s3], [sflag:$0x5] =	stream.linear.gather [hbm4b:s2+s1], $0x80, $0x38;
	[tilespmem:$0x7E00] =	vst v63  }
0x29f: {  	s3 =	sadd.s32 $0x80, s2  }
0x2a0: {  	[tilespmem:s8], [sflag:$0x5] =	stream.linear.gather [hbm4b:s3+s1], $0x80, $0x38;
	[tilespmem:$0x7E00] =	vst v63  }
0x2a1: {  	s8 =	sld [smem:$0x7EA];
	_ =	sdelay $0x1  }
0x2a2: {  	s3 =	sadd.s32 $0x100, s2  }
0x2a3: {  	[tilespmem:s8], [sflag:$0x5] =	stream.linear.gather [hbm4b:s3+s1], $0x80, $0x38;
	[tilespmem:$0x7E00] =	vst v63  }
0x2a4: {  	s8 =	sld [smem:$0x7EB];
	_ =	sdelay $0x1  }
0x2a5: {  	s3 =	sadd.s32 $0x180, s2  }
0x2a6: {  	[tilespmem:s8], [sflag:$0x5] =	stream.linear.gather [hbm4b:s3+s1], $0x80, $0x38;
	[tilespmem:$0x7E00] =	vst v63  }
0x2a7: {  	s8 =	sld [smem:$0x7EC];
	_ =	sdelay $0x1  }
0x2a8: {  	s3 =	sadd.s32 $0x200, s2  }
0x2a9: {  	[tilespmem:s8], [sflag:$0x5] =	stream.linear.gather [hbm4b:s3+s1], $0x80, $0x38;
	[tilespmem:$0x7E00] =	vst v63  }
0x2aa: {  	s8 =	sld [smem:$0x7ED];
	_ =	sdelay $0x1  }
0x2ab: {  	s3 =	sadd.s32 $0x280, s2  }
0x2ac: {  	[tilespmem:s8], [sflag:$0x5] =	stream.linear.gather [hbm4b:s3+s1], $0x80, $0x38;
	[tilespmem:$0x7E00] =	vst v63  }
0x2ad: {  	s8 =	sld [smem:$0x7EE];
	_ =	sdelay $0x1  }
0x2ae: {  	s3 =	sadd.s32 $0x300, s2  }
0x2af: {  	[tilespmem:s8], [sflag:$0x5] =	stream.linear.gather [hbm4b:s3+s1], $0x80, $0x38;
	[tilespmem:$0x7E00] =	vst v63  }
0x2b0: {  	s8 =	sld [smem:$0x7EF];
	_ =	sdelay $0x1  }
0x2b1: {  	s3 =	sadd.s32 $0x380, s2  }
0x2b2: {  	[tilespmem:s8], [sflag:$0x5] =	stream.linear.gather [hbm4b:s3+s1], $0x80, $0x38;
	[tilespmem:$0x7E00] =	vst v63  }
0x2b3: {  	s8 =	sadd.s32 $0x400, s2  }
0x2b4: {  	[tilespmem:s9], [sflag:$0x5] =	stream.linear.gather [hbm4b:s8+s1], $0x80, $0x38;
	[tilespmem:$0x7E00] =	vst v63  }
0x2b5: {  	s8 =	sadd.s32 $0x480, s2  }
0x2b6: {  	[tilespmem:s10], [sflag:$0x5] =	stream.linear.gather [hbm4b:s8+s1], $0x80, $0x38;
	[tilespmem:$0x7E00] =	vst v63  }
0x2b7: {  	s8 =	sadd.s32 $0x500, s2  }
0x2b8: {  	[tilespmem:s18], [sflag:$0x5] =	stream.linear.gather [hbm4b:s8+s1], $0x80, $0x38;
	[tilespmem:$0x7E00] =	vst v63  }
0x2b9: {  	s8 =	sadd.s32 $0x580, s2  }
0x2ba: {  	[tilespmem:s11], [sflag:$0x5] =	stream.linear.gather [hbm4b:s8+s1], $0x80, $0x38;
	[tilespmem:$0x7E00] =	vst v63  }
0x2bb: {  	s8 =	sadd.s32 $0x600, s2  }
0x2bc: {  	[tilespmem:s12], [sflag:$0x5] =	stream.linear.gather [hbm4b:s8+s1], $0x80, $0x38;
	[tilespmem:$0x7E00] =	vst v63  }
0x2bd: {  	s8 =	sadd.s32 $0x680, s2  }
0x2be: {  	[tilespmem:s13], [sflag:$0x5] =	stream.linear.gather [hbm4b:s8+s1], $0x80, $0x38;
	[tilespmem:$0x7E00] =	vst v63  }
0x2bf: {  	s8 =	sadd.s32 $0x700, s2  }
0x2c0: {  	[tilespmem:s14], [sflag:$0x5] =	stream.linear.gather [hbm4b:s8+s1], $0x80, $0x38;
	[tilespmem:$0x7E00] =	vst v63  }
0x2c1: {  	s2 =	sadd.s32 $0x780, s2;
	s8 =	simm.s32 $0x5  }
0x2c2: {  	[tilespmem:s15], [sflag:$0x5] =	stream.linear.gather [hbm4b:s2+s1], $0x80, $0x38;
	[tilespmem:$0x7E00] =	vst v63  }
0x2c3: {  	_ =	swait.ge [sflag:s8], $0x800  }
0x2c4: {  	[sflag:s8] =	ssyncset.done $0x0  }
0x2c5: {  	[sflag:s8] =	ssyncadd.s32 $0xFFFFF800  }
0x2c6: {  	s3 =	rddreg [dreg:$0x1]  }
0x2c7: {  	s2 =	sadd.s32 s3, s6;
	s3 =	sld [smem:$0x7E8];
	_ =	sdelay $0x2  }
0x2c8: {  	[tilespmem:s3], [sflag:$0x5] =	stream.linear.gather [hbm4b:s2+s1], $0x80, $0x38;
	[tilespmem:$0x7E00] =	vst v63  }
0x2c9: {  	s3 =	sadd.s32 $0x80, s2  }
0x2ca: {  	[tilespmem:s16], [sflag:$0x5] =	stream.linear.gather [hbm4b:s3+s1], $0x80, $0x38;
	[tilespmem:$0x7E00] =	vst v63  }
0x2cb: {  	s3 =	sadd.s32 $0x100, s2  }
0x2cc: {  	[tilespmem:s17], [sflag:$0x5] =	stream.linear.gather [hbm4b:s3+s1], $0x80, $0x38;
	[tilespmem:$0x7E00] =	vst v63  }
0x2cd: {  	s3 =	sadd.s32 $0x180, s2  }
0x2ce: {  	[tilespmem:s19], [sflag:$0x5] =	stream.linear.gather [hbm4b:s3+s1], $0x80, $0x38;
	[tilespmem:$0x7E00] =	vst v63  }
0x2cf: {  	s3 =	sadd.s32 $0x200, s2  }
0x2d0: {  	[tilespmem:s20], [sflag:$0x5] =	stream.linear.gather [hbm4b:s3+s1], $0x80, $0x38;
	[tilespmem:$0x7E00] =	vst v63  }
0x2d1: {  	s3 =	sadd.s32 $0x280, s2  }
0x2d2: {  	[tilespmem:s21], [sflag:$0x5] =	stream.linear.gather [hbm4b:s3+s1], $0x80, $0x38;
	[tilespmem:$0x7E00] =	vst v63  }
0x2d3: {  	s3 =	sadd.s32 $0x300, s2  }
0x2d4: {  	[tilespmem:s25], [sflag:$0x5] =	stream.linear.gather [hbm4b:s3+s1], $0x80, $0x38;
	[tilespmem:$0x7E00] =	vst v63  }
0x2d5: {  	s3 =	sadd.s32 $0x380, s2  }
0x2d6: {  	[tilespmem:s5], [sflag:$0x5] =	stream.linear.gather [hbm4b:s3+s1], $0x80, $0x38;
	[tilespmem:$0x7E00] =	vst v63  }
0x2d7: {  	s3 =	sadd.s32 $0x400, s2  }
0x2d8: {  	[tilespmem:s28], [sflag:$0x5] =	stream.linear.gather [hbm4b:s3+s1], $0x80, $0x38;
	[tilespmem:$0x7E00] =	vst v63  }
0x2d9: {  	s3 =	sadd.s32 $0x480, s2  }
0x2da: {  	[tilespmem:s29], [sflag:$0x5] =	stream.linear.gather [hbm4b:s3+s1], $0x80, $0x38;
	[tilespmem:$0x7E00] =	vst v63  }
0x2db: {  	s3 =	sadd.s32 $0x500, s2  }
0x2dc: {  	[tilespmem:s22], [sflag:$0x5] =	stream.linear.gather [hbm4b:s3+s1], $0x80, $0x38;
	[tilespmem:$0x7E00] =	vst v63  }
0x2dd: {  	s3 =	sadd.s32 $0x580, s2  }
0x2de: {  	[tilespmem:s30], [sflag:$0x5] =	stream.linear.gather [hbm4b:s3+s1], $0x80, $0x38;
	[tilespmem:$0x7E00] =	vst v63  }
0x2df: {  	s3 =	sadd.s32 $0x600, s2  }
0x2e0: {  	[tilespmem:s23], [sflag:$0x5] =	stream.linear.gather [hbm4b:s3+s1], $0x80, $0x38;
	[tilespmem:$0x7E00] =	vst v63  }
0x2e1: {  	s3 =	sadd.s32 $0x680, s2  }
0x2e2: {  	[tilespmem:s31], [sflag:$0x5] =	stream.linear.gather [hbm4b:s3+s1], $0x80, $0x38;
	[tilespmem:$0x7E00] =	vst v63  }
0x2e3: {  	s3 =	sadd.s32 $0x700, s2  }
0x2e4: {  	[tilespmem:s24], [sflag:$0x5] =	stream.linear.gather [hbm4b:s3+s1], $0x80, $0x38;
	[tilespmem:$0x7E00] =	vst v63  }
.Ltmp16:
0x2e5: {  	s2 =	sadd.s32 $0x780, s2;
	(pc) =	sbr.rel .LBB2_17-.Ltmp16, $4  }
0x2e6: {  	[tilespmem:s0], [sflag:$0x5] =	stream.linear.gather [hbm4b:s2+s1], $0x80, $0x38;
	[tilespmem:$0x7E00] =	vst v63  }
0x2e7: {  	_ =	swait.ge [sflag:s8], $0x800  }
0x2e8: {  	[sflag:s8] =	ssyncset.done $0x0  }
0x2e9: {  	s3 =	smov.u32 s7;
	[sflag:s8] =	ssyncadd.s32 $0xFFFFF800  }
.LBB2_21:
0x2ea: {  	_ =	sdelay $0x3  }
0x2eb: {  	[tilespmem:v2+s2+$0xFFFFFFC0 ss:$0x1] =	vst.idx.msk $0xffff, v0  }
0x2ec: {  	[tilespmem:v2+s2+$0xFFFFFFD0 ss:$0x1] =	vst.idx.msk $0xffff, v0  }
0x2ed: {  	[tilespmem:v2+s2+$0xFFFFFFE0 ss:$0x1] =	vst.idx.msk $0xffff, v0  }
0x2ee: {  	[tilespmem:v2+s2+$0xFFFFFFF0 ss:$0x1] =	vst.idx.msk $0xffff, v0  }
0x2ef: {  	[tilespmem:v2+s2+$0x0 ss:$0x1] =	vst.idx.msk $0xffff, v0  }
0x2f0: {  	[tilespmem:v2+s2+$0x10 ss:$0x1] =	vst.idx.msk $0xffff, v0  }
0x2f1: {  	[tilespmem:v2+s2+$0x20 ss:$0x1] =	vst.idx.msk $0xffff, v0  }
0x2f2: {  	[tilespmem:v2+s2+$0x30 ss:$0x1] =	vst.idx.msk $0xffff, v0  }
.LBB2_22:
0x2f3: {  	s1 =	sadd.s32 $0x800, s1  }
0x2f4: {  	p0 =	sne.s32 s1, $0x8000  }
.Ltmp17:
0x2f5: {  	_ = 	snop;
	(pc) =	sbr.rel @!p0 .LBB2_23-.Ltmp17, $1  }
0x2f6: {  	_ =	sdelay $0x3  }
.LBB2_17:
0x2f7: {  	p0 =	sgt.s32 s3, $0x1F  }
.Ltmp18:
0x2f8: {  	_ = 	snop;
	(pc) =	sbr.rel @p0 .LBB2_21-.Ltmp18, $2  }
0x2f9: {  	_ =	sdelay $0x2  }
0x2fa: {  	s2 =	sshra.s32 s1, $0x2  }
0x2fb: {  	_ =	sdelay $0x3  }
0x2fc: {  	v5 =	vld.idx.msk [tilespmem:v3+s2+$0x0 ss:$0x1], $0xffff  }
0x2fd: {  	v6 =	vld.idx.msk [tilespmem:v4+s2+$0x0 ss:$0x1], $0xffff  }
0x2fe: {  	v7 =	vld.idx.msk [tilespmem:v3+s2+$0x10 ss:$0x1], $0xffff  }
0x2ff: {  	v8 =	vld.idx.msk [tilespmem:v4+s2+$0x10 ss:$0x1], $0xffff  }
0x300: {  	v9 =	vld.idx.msk [tilespmem:v3+s2+$0x20 ss:$0x1], $0xffff  }
0x301: {  	v10 =	vld.idx.msk [tilespmem:v4+s2+$0x20 ss:$0x1], $0xffff  }
0x302: {  	v11 =	vld.idx.msk [tilespmem:v3+s2+$0x30 ss:$0x1], $0xffff  }
0x303: {  	v12 =	vld.idx.msk [tilespmem:v4+s2+$0x30 ss:$0x1], $0xffff  }
0x304: {  	v13 =	vld.idx.msk [tilespmem:v3+s2+$0x40 ss:$0x1], $0xffff  }
0x305: {  	v14 =	vld.idx.msk [tilespmem:v4+s2+$0x40 ss:$0x1], $0xffff  }
0x306: {  	v15 =	vld.idx.msk [tilespmem:v3+s2+$0x50 ss:$0x1], $0xffff;
	vm0 =	vgt.f32 v6, $5.000000000e-01;
	vm1 =	vgt.f32 v5, $0.0e+00  }
0x307: {  	v16 =	vld.idx.msk [tilespmem:v3+s2+$0x60 ss:$0x1], $0xffff;
	vm7 =	vmand vm1, vm0;
	vm0 =	vgt.f32 v8, $5.000000000e-01;
	vm1 =	vgt.f32 v7, $0.0e+00  }
0x308: {  	v8 =	vld.idx.msk [tilespmem:v4+s2+$0x50 ss:$0x1], $0xffff;
	vm4 =	vmand vm1, vm0;
	vm0 =	vgt.f32 v10, $5.000000000e-01;
	vm1 =	vgt.f32 v9, $0.0e+00  }
0x309: {  	v7 =	vmpcnt.ones.xlane vm7;
	v10 =	vld.idx.msk [tilespmem:v4+s2+$0x60 ss:$0x1], $0xffff;
	v5 =	vmpcnt.ones.xlane vm4;
	vm3 =	vmand vm1, vm0  }
0x30a: {  	vm0 =	vgt.f32 v12, $5.000000000e-01;
	vm1 =	vgt.f32 v11, $0.0e+00;
	v11 =	vld.idx.msk [tilespmem:v3+s2+$0x70 ss:$0x1], $0xffff;
	v6 =	vmpcnt.ones.xlane vm3  }
0x30b: {  	v12 =	vld.idx.msk [tilespmem:v4+s2+$0x70 ss:$0x1], $0xffff;
	vm5 =	vmand vm1, vm0;
	vm0 =	vgt.f32 v14, $5.000000000e-01;
	vm1 =	vgt.f32 v13, $0.0e+00  }
0x30c: {  	v9 =	vadd.s32 v7, v5;
	vm6 =	vmand vm1, vm0;
	vm0 =	vgt.f32 v15, $0.0e+00  }
0x30d: {  	vm1 =	vgt.f32 v16, $0.0e+00;
	vm2 =	vgt.f32 v8, $5.000000000e-01;
	v8 =	vmpcnt.ones.xlane vm5  }
0x30e: {  	v9 =	vadd.s32 v6, v9;
	vm2 =	vmand vm0, vm2;
	vm0 =	vgt.f32 v10, $5.000000000e-01  }
0x30f: {  	v13 =	vadd.s32 v8, v9;
	v9 =	vmpcnt.ones.xlane vm6;
	v10 =	vmpcnt.ones.xlane vm2  }
0x310: {  	vm1 =	vmand vm1, vm0;
	vm0 =	vgt.f32 v12, $5.000000000e-01;
	vm8 =	vgt.f32 v11, $0.0e+00  }
0x311: {  	v12 =	vmpcnt.ones.xlane vm1;
	vm0 =	vmand vm8, vm0;
	v11 =	vadd.s32 v9, v13  }
0x312: {  	v13 =	vadd.s32 v10, v11;
	v11 =	vmpcnt.ones.xlane vm0  }
0x313: {  	v13 =	vadd.s32 v12, v13  }
0x314: {  	v13 =	vadd.s32 v11, v13  }
0x315: {  	v13 =	vxor.u32 $0x80000000, v13  }
0x316: {  	(xrf0) =	vmax.scan.msk.u32 $0xffff, v13;
	_ =	sdelay $0x5  }
0x317: {  	v13, _, _ =	vpop (xrf0)  }
0x318: {  	(v2sf) =	vpush v13, $0xF;
	_ =	sdelay $0xe  }
0x319: {  	s7 =	spop (v2sf)  }
0x31a: {  	s7 =	sadd.s32 s7, s3  }
0x31b: {  	s7 =	sadd.s32 $0x80000000, s7  }
0x31c: {  	p0 =	sgt.s32 s7, $0x20  }
.Ltmp19:
0x31d: {  	_ = 	snop;
	(pc) =	sbr.rel @p0 .LBB2_20-.Ltmp19, $1  }
0x31e: {  	_ =	sdelay $0x3  }
0x31f: {  	_ =	sdelay $0x2  }
0x320: {  	v5 =	vsel vm7, $0x3F800000, v0  }
0x321: {  	[tilespmem:v2+s2+$0xFFFFFFC0 ss:$0x1] =	vst.idx.msk $0xffff, v5;
	v5 =	vsel vm4, $0x3F800000, v0  }
0x322: {  	[tilespmem:v2+s2+$0xFFFFFFD0 ss:$0x1] =	vst.idx.msk $0xffff, v5;
	v5 =	vsel vm3, $0x3F800000, v0  }
0x323: {  	[tilespmem:v2+s2+$0xFFFFFFE0 ss:$0x1] =	vst.idx.msk $0xffff, v5;
	v5 =	vsel vm5, $0x3F800000, v0  }
.Ltmp20:
0x324: {  	[tilespmem:v2+s2+$0xFFFFFFF0 ss:$0x1] =	vst.idx.msk $0xffff, v5;
	v5 =	vsel vm6, $0x3F800000, v0;
	(pc) =	sbr.rel .LBB2_22-.Ltmp20, $4  }
0x325: {  	[tilespmem:v2+s2+$0x0 ss:$0x1] =	vst.idx.msk $0xffff, v5;
	v5 =	vsel vm2, $0x3F800000, v0  }
0x326: {  	[tilespmem:v2+s2+$0x10 ss:$0x1] =	vst.idx.msk $0xffff, v5;
	v5 =	vsel vm1, $0x3F800000, v0  }
0x327: {  	[tilespmem:v2+s2+$0x20 ss:$0x1] =	vst.idx.msk $0xffff, v5;
	v5 =	vsel vm0, $0x3F800000, v0  }
0x328: {  	[smem:$0x0] =	sst s7;
	s3 =	smov.u32 s7;
	[tilespmem:v2+s2+$0x30 ss:$0x1] =	vst.idx.msk $0xffff, v5  }
.LBB2_20:
0x329: {  	v13 =	vsel vm7, $0x1, v1;
	v7 =	vadd.s32 s3, v7  }
0x32a: {  	v55 =	vsel vm4, $0x1, v1;
	(xrf0) =	vadd.scan.msk.s32 $0xffff, v13;
	v5 =	vadd.s32 v7, v5  }
0x32b: {  	v56 =	vsel vm3, $0x1, v1;
	(xrf0) =	vadd.scan.msk.s32 $0xffff, v55;
	v6 =	vadd.s32 v5, v6  }
0x32c: {  	v57 =	vsel vm5, $0x1, v1;
	(xrf0) =	vadd.scan.msk.s32 $0xffff, v56;
	v8 =	vadd.s32 v6, v8  }
0x32d: {  	v58 =	vsel vm6, $0x1, v1;
	(xrf0) =	vadd.scan.msk.s32 $0xffff, v57;
	v9 =	vadd.s32 v8, v9  }
0x32e: {  	v59 =	vsel vm2, $0x1, v1;
	(xrf0) =	vadd.scan.msk.s32 $0xffff, v58;
	v10 =	vadd.s32 v9, v10  }
0x32f: {  	v60 =	vsel vm1, $0x1, v1;
	(xrf0) =	vadd.scan.msk.s32 $0xffff, v59;
	v12 =	vadd.s32 v10, v12  }
0x330: {  	v61 =	vsel vm0, $0x1, v1;
	v14, _, _ =	vpop (xrf0);
	(xrf0) =	vadd.scan.msk.s32 $0xffff, v60;
	v11 =	vadd.s32 v12, v11  }
0x331: {  	v15, _, _ =	vpop (xrf0);
	(xrf0) =	vadd.scan.msk.s32 $0xffff, v61;
	v11 =	vxor.u32 $0x80000000, v11  }
0x332: {  	v62, _, _ =	vpop (xrf0);
	(xrf0) =	vmax.scan.msk.u32 $0xffff, v11  }
0x333: {  	v63, _, _ =	vpop (xrf0)  }
0x334: {  	v16, _, _ =	vpop (xrf0)  }
0x335: {  	v17, _, _ =	vpop (xrf0)  }
0x336: {  	v18, _, _ =	vpop (xrf0)  }
0x337: {  	v19, _, _ =	vpop (xrf0)  }
0x338: {  	v20, _, _ =	vpop (xrf0)  }
0x339: {  	(v2sf) =	vpush v20, $0xF;
	_ =	sdelay $0x3  }
0x33a: {  	v14 =	vadd.s32 s3, v14  }
0x33b: {  	vm8 =	vlt.s32 v14, $0x21;
	v7 =	vadd.s32 v7, v15  }
0x33c: {  	vm13 =	vmand vm7, vm8;
	vm14 =	vlt.s32 v7, $0x21  }
0x33d: {  	v5 =	vadd.s32 v5, v62;
	v6 =	vadd.s32 v6, v63;
	vm15 =	vmand vm4, vm14  }
0x33e: {  	vm12 =	vlt.s32 v5, $0x21;
	v5 =	vsel vm13, $0x3F800000, v0;
	v7 =	vadd.s32 v8, v16  }
0x33f: {  	vm13 =	vlt.s32 v6, $0x21;
	v6 =	vsel vm15, $0x3F800000, v0;
	vm14 =	vmand vm3, vm12  }
0x340: {  	[tilespmem:v2+s2+$0xFFFFFFC0 ss:$0x1] =	vst.idx.msk $0xffff, v5;
	v5 =	vsel vm14, $0x3F800000, v0;
	vm15 =	vmand vm5, vm13;
	vm8 =	vlt.s32 v7, $0x21  }
0x341: {  	[tilespmem:v2+s2+$0xFFFFFFD0 ss:$0x1] =	vst.idx.msk $0xffff, v6;
	v7 =	vadd.s32 v9, v17;
	v6 =	vsel vm15, $0x3F800000, v0;
	vm9 =	vmand vm6, vm8  }
0x342: {  	[tilespmem:v2+s2+$0xFFFFFFE0 ss:$0x1] =	vst.idx.msk $0xffff, v5;
	vm10 =	vlt.s32 v7, $0x21;
	v7 =	vadd.s32 v10, v18;
	v5 =	vsel vm9, $0x3F800000, v0  }
.Ltmp21:
0x343: {  	[tilespmem:v2+s2+$0xFFFFFFF0 ss:$0x1] =	vst.idx.msk $0xffff, v6;
	vm11 =	vmand vm2, vm10;
	vm12 =	vlt.s32 v7, $0x21;
	v6 =	vadd.s32 v12, v19;
	(pc) =	sbr.rel .LBB2_22-.Ltmp21, $4  }
0x344: {  	[tilespmem:v2+s2+$0x0 ss:$0x1] =	vst.idx.msk $0xffff, v5;
	v5 =	vsel vm11, $0x3F800000, v0;
	vm13 =	vmand vm1, vm12;
	vm14 =	vlt.s32 v6, $0x21  }
0x345: {  	[tilespmem:v2+s2+$0x10 ss:$0x1] =	vst.idx.msk $0xffff, v5;
	v5 =	vsel vm13, $0x3F800000, v0;
	vm15 =	vmand vm0, vm14;
	s8 =	spop (v2sf)  }
0x346: {  	[tilespmem:v2+s2+$0x20 ss:$0x1] =	vst.idx.msk $0xffff, v5;
	v5 =	vsel vm15, $0x3F800000, v0;
	s7 =	sxor.u32 $0x80000000, s8  }
0x347: {  	[tilespmem:v2+s2+$0x30 ss:$0x1] =	vst.idx.msk $0xffff, v5;
	[smem:$0x0] =	sst s7;
	s3 =	smov.u32 s7  }
.LBB2_27:
0x348: {  	_ =	sfence.sel $0x180000  }
0x349: {  	[bflag:$0x0] =	sbarrier.arrive $0xFFFF  }
0x34a: {  	_ =	strace $0x90000047  }
0x34b: {  	s0 =	stileid.u32;
	[bflag:$0x2] =	sbarrier.arrive $0xFFFF  }
0x34c: {  	p0 =	sne.s32 s0, $0x0;
	s0 =	rddreg [dreg:$0x3]  }
0x34d: {  	s0 =	sadd.s32 @!p0 $0x100000, s0  }
0x34e: {  	[sflag:s0] =	ssyncadd.tile.s32 @!p0 $0x1;
	_ =	shalt  }
.Lfunc_end2:
_tile_overlayer_lowered:
.L_overlay_start_2:
0x34f: {  	(tag) =	ssettag $0x2  }
0x350: {  	s0 =	rddreg [dreg:$0x0];
	s2 =	stileid.u32  }
0x351: {  	s1 =	rddreg [dreg:$0x1];
	p0 =	sne.s32 s2, $0x0  }
0x352: {  	s3 =	rddreg [dreg:$0x2];
	[bflag:$0x3] =	sbarrier.arrive $0xFFFF;
	s2 =	simm.s32 @!p0 $0x1C04  }
0x353: {  	[timem:s3], [sflag:s2] =	dma.local @!p0 [hbm:s0], s1  }
0x354: {  	s0 =	simm.s32 @!p0 $0x4  }
0x355: {  	_ =	swait.ge @!p0 [sflag:s0], s1  }
0x356: {  	s1 =	ssub.s32 @!p0 $0x0, s1;
	[sflag:s0] =	ssyncset.done @!p0 $0x0  }
0x357: {  	[sflag:s0] =	ssyncadd.s32 @!p0 s1  }
0x358: {  	[bflag:$0x3] =	sbarrier.arrive $0xFFFF  }
0x359: {  	_ =	shalt  }

</sc_bundles>
